<compile_context>
chip_gen: v7x
topology: tpu7x:2x2x1
jax: 0.10.2.dev20260603
libtpu: 0.0.44.dev20260713+nightly
codegen_flags: <defaults>
</compile_context>

<pallas_src>
import functools

import jax
import jax.numpy as jnp
from jax import lax
from jax.experimental import pallas as pl
from jax.experimental.pallas import tpu as pltpu
from jax.experimental.pallas import tpu_sc as plsc

N_NODES = 10000
N_EDGES = 320000
D_FEAT = 128
D_HID = 128
N_CLASSES = 64
ALPHA = 1.0

NW = 32
K = 128
C = 80
E_PAD = NW * C * K
N_PAD = 10112
R = N_PAD // 16
EPW = E_PAD // NW
MB = 1264

AK = 32
SUB = K // AK
AC = EPW // AK
NBUF = 4


def _sc_mesh():
    return plsc.VectorSubcoreMesh(
        core_axis_name="c", subcore_axis_name="s", num_cores=2, num_subcores=16
    )


def _deg_sc(dst3, ones128, zeros128):

    @functools.partial(
        pl.kernel,
        out_type=jax.ShapeDtypeStruct((2, N_PAD, 128), jnp.float32),
        mesh=_sc_mesh(),
        scratch_types=[
            pltpu.VMEM_SHARED((N_PAD, 128), jnp.float32),
            pltpu.VMEM((C, K), jnp.int32),
            pltpu.VMEM((K, 128), jnp.float32),
            pltpu.SemaphoreType.DMA,
        ],
    )
    def body(dst_hbm, ones_hbm, zeros_hbm, out_hbm, dacc, dst_v, ones_v, dsem):
        cid = lax.axis_index("c")
        sid = lax.axis_index("s")
        wid = cid * 16 + sid
        pltpu.sync_copy(zeros_hbm.at[pl.ds(sid * R, R)], dacc.at[pl.ds(sid * R, R)])
        pltpu.sync_copy(dst_hbm.at[wid], dst_v)
        pltpu.sync_copy(ones_hbm, ones_v)
        plsc.subcore_barrier()

        def fire(j, carry):
            pltpu.async_copy(ones_v, dacc.at[dst_v.at[j]], dsem, add=True)
            return carry

        def drain(j, carry):
            pltpu.make_async_copy(ones_v, dacc.at[dst_v.at[j]], dsem).wait()
            return carry

        lax.fori_loop(0, C, fire, 0)
        lax.fori_loop(0, C, drain, 0)
        plsc.subcore_barrier()
        pltpu.sync_copy(
            dacc.at[pl.ds(sid * R, R)], out_hbm.at[cid, pl.ds(sid * R, R)]
        )

    return body(dst3, ones128, zeros128)


def _agg_sc(hs, src3, dst3, zeros128):

    @functools.partial(
        pl.kernel,
        out_type=jax.ShapeDtypeStruct((2, N_PAD, 128), jnp.float32),
        mesh=_sc_mesh(),
        scratch_types=[
            pltpu.VMEM_SHARED((N_PAD, 128), jnp.float32),
            pltpu.VMEM((C, K), jnp.int32),
            pltpu.VMEM((C, K), jnp.int32),
            pltpu.VMEM((NBUF, AK, 128), jnp.float32),
            [pltpu.SemaphoreType.DMA] * NBUF,
        ],
    )
    def body(hs_hbm, src_hbm, dst_hbm, zeros_hbm, out_hbm, acc, src_v, dst_v,
             rows_v, sems):
        cid = lax.axis_index("c")
        sid = lax.axis_index("s")
        wid = cid * 16 + sid
        pltpu.sync_copy(zeros_hbm.at[pl.ds(sid * R, R)], acc.at[pl.ds(sid * R, R)])
        pltpu.sync_copy(src_hbm.at[wid], src_v)
        pltpu.sync_copy(dst_hbm.at[wid], dst_v)
        plsc.subcore_barrier()

        def idx_slice(ref, j):
            return ref.at[j // SUB, pl.ds((j % SUB) * AK, AK)]

        def start(j, b):
            pltpu.async_copy(hs_hbm.at[idx_slice(src_v, j)], rows_v.at[b],
                             sems[b])

        def wait(j, b):
            pltpu.make_async_copy(hs_hbm.at[idx_slice(src_v, j)],
                                  rows_v.at[b], sems[b]).wait()

        for b in range(NBUF):
            start(b, b)

        def step(g, carry):
            for b in range(NBUF):
                j = g * NBUF + b
                wait(j, b)
                pltpu.sync_copy(rows_v.at[b], acc.at[idx_slice(dst_v, j)],
                                add=True)
                start(j + NBUF, b)
            return carry

        lax.fori_loop(0, AC // NBUF - 1, step, 0)
        for b in range(NBUF):
            j = AC - NBUF + b
            wait(j, b)
            pltpu.sync_copy(rows_v.at[b], acc.at[idx_slice(dst_v, j)],
                            add=True)

        plsc.subcore_barrier()
        pltpu.sync_copy(
            acc.at[pl.ds(sid * R, R)], out_hbm.at[cid, pl.ds(sid * R, R)]
        )

    return body(hs, src3, dst3, zeros128)


def _inv_from_deg(d0, d1):
    deg = jnp.maximum(d0[:, 0:1] + d1[:, 0:1], 1.0)
    return lax.rsqrt(deg)


def _matmul_t(x, w):
    return lax.dot_general(
        x, w, (((1,), (1,)), ((), ())), preferred_element_type=jnp.float32
    )


def _tc_h0(x, w1):

    def body(x_ref, w_ref, h0_ref):
        h0_ref[...] = jnp.maximum(_matmul_t(x_ref[...], w_ref[...]), 0.0)

    return pl.pallas_call(
        body,
        grid=(10,),
        in_specs=[
            pl.BlockSpec((1000, 128), lambda i: (i, 0)),
            pl.BlockSpec((128, 128), lambda i: (0, 0)),
        ],
        out_specs=pl.BlockSpec((1000, 128), lambda i: (i, 0)),
        out_shape=jax.ShapeDtypeStruct((N_NODES, 128), jnp.float32),
    )(x, w1)


def _tc_scale(h0, degp):

    def body(h0_ref, d0_ref, d1_ref, h0s_ref):
        inv = _inv_from_deg(d0_ref[0], d1_ref[0])
        h0s_ref[...] = h0_ref[...] * inv

    return pl.pallas_call(
        body,
        grid=(10,),
        in_specs=[
            pl.BlockSpec((1000, 128), lambda i: (i, 0)),
            pl.BlockSpec((1, 1000, 128), lambda i: (0, i, 0)),
            pl.BlockSpec((1, 1000, 128), lambda i: (1, i, 0)),
        ],
        out_specs=pl.BlockSpec((1000, 128), lambda i: (i, 0)),
        out_shape=jax.ShapeDtypeStruct((N_NODES, 128), jnp.float32),
    )(h0, degp, degp)


def _tc_layer(aggp, degp, h0, w):

    def body(a0_ref, a1_ref, d0_ref, d1_ref, h0_ref, w_ref, h_ref, hs_ref):
        inv = _inv_from_deg(d0_ref[0], d1_ref[0])
        support = (a0_ref[0] + a1_ref[0]) * inv + ALPHA * h0_ref[...]
        h = jnp.maximum(_matmul_t(support, w_ref[...]), 0.0)
        h_ref[...] = h
        hs_ref[...] = h * inv

    return pl.pallas_call(
        body,
        grid=(10,),
        in_specs=[
            pl.BlockSpec((1, 1000, 128), lambda i: (0, i, 0)),
            pl.BlockSpec((1, 1000, 128), lambda i: (1, i, 0)),
            pl.BlockSpec((1, 1000, 128), lambda i: (0, i, 0)),
            pl.BlockSpec((1, 1000, 128), lambda i: (1, i, 0)),
            pl.BlockSpec((1000, 128), lambda i: (i, 0)),
            pl.BlockSpec((128, 128), lambda i: (0, 0)),
        ],
        out_specs=[
            pl.BlockSpec((1000, 128), lambda i: (i, 0)),
            pl.BlockSpec((1000, 128), lambda i: (i, 0)),
        ],
        out_shape=[
            jax.ShapeDtypeStruct((N_NODES, 128), jnp.float32),
            jax.ShapeDtypeStruct((N_NODES, 128), jnp.float32),
        ],
    )(aggp, aggp, degp, degp, h0, w)


def _tc_final(aggp, degp, h0, wl, w2):

    def body(a0_ref, a1_ref, d0_ref, d1_ref, h0_ref, wl_ref, w2_ref, out_ref):
        inv = _inv_from_deg(d0_ref[0], d1_ref[0])
        support = (a0_ref[0] + a1_ref[0]) * inv + ALPHA * h0_ref[...]
        h2 = jnp.maximum(_matmul_t(support, wl_ref[...]), 0.0)
        out_ref[...] = _matmul_t(h2, w2_ref[...])

    return pl.pallas_call(
        body,
        grid=(10,),
        in_specs=[
            pl.BlockSpec((1, 1000, 128), lambda i: (0, i, 0)),
            pl.BlockSpec((1, 1000, 128), lambda i: (1, i, 0)),
            pl.BlockSpec((1, 1000, 128), lambda i: (0, i, 0)),
            pl.BlockSpec((1, 1000, 128), lambda i: (1, i, 0)),
            pl.BlockSpec((1000, 128), lambda i: (i, 0)),
            pl.BlockSpec((128, 128), lambda i: (0, 0)),
            pl.BlockSpec((64, 128), lambda i: (0, 0)),
        ],
        out_specs=pl.BlockSpec((1000, 64), lambda i: (i, 0)),
        out_shape=jax.ShapeDtypeStruct((N_NODES, 64), jnp.float32),
    )(aggp, aggp, degp, degp, h0, wl, w2)


def kernel(graph, features, W1, Wl0, Wl1, W2):
    src = graph[0].astype(jnp.int32)
    dst = graph[1].astype(jnp.int32)
    n_fill = E_PAD - N_EDGES
    fill = jnp.arange(n_fill, dtype=jnp.int32)
    src_p = jnp.concatenate([src, fill % N_NODES])
    dst_p = jnp.concatenate([dst, N_NODES + fill % (N_PAD - N_NODES)])
    src3 = src_p.reshape(NW, C, K)
    dst3 = dst_p.reshape(NW, C, K)

    ones128 = jnp.ones((K, 128), jnp.float32)
    zeros128 = jnp.zeros((N_PAD, 128), jnp.float32)

    h0 = _tc_h0(features, W1)
    degp = _deg_sc(dst3, ones128, zeros128)
    h0s = _tc_scale(h0, degp)
    aggp = _agg_sc(h0s, src3, dst3, zeros128)
    h1, h1s = _tc_layer(aggp, degp, h0, Wl0)
    aggp2 = _agg_sc(h1s, src3, dst3, zeros128)
    return _tc_final(aggp2, degp, h0, Wl1, W2)

# --- scband reference (transcript-rebuilt; emitter-appended) ---
"""Pipeline reference for scband-vgcnlayer-net-53901839565432 (READ-ONLY COPY).

The authoritative reference and input builder live on the scoring server;
editing this copy changes nothing except your own understanding.
"""

import jax, jax.numpy as jnp
import numpy as np

N_NODES = 10000
N_EDGES = 320000
D_FEAT = 128
D_HID = 128
N_CLASSES = 64
ALPHA = 1.0


def setup_inputs(seed: int = 0) -> dict:
    key = jax.random.key(seed)
    k0, k1, k2, k3, k4, k5 = jax.random.split(key, 6)
    graph = jax.random.randint(k0, (2, N_EDGES), 0, N_NODES).astype(jnp.int64)
    features = jax.random.normal(k1, (N_NODES, D_FEAT), dtype=jnp.float32)
    # learned params (torch Linear convention: weight [out, in], bias=False)
    W1 = jax.random.normal(k2, (D_HID, D_FEAT), dtype=jnp.float32) * 0.05
    Wl0 = jax.random.normal(k3, (D_HID, D_HID), dtype=jnp.float32) * 0.05
    Wl1 = jax.random.normal(k4, (D_HID, D_HID), dtype=jnp.float32) * 0.05
    W2 = jax.random.normal(k5, (N_CLASSES, D_HID), dtype=jnp.float32) * 0.05
    return {"graph": graph, "features": features, "W1": W1, "Wl0": Wl0, "Wl1": Wl1, "W2": W2}


def _vgcn_layer(h, h0, W, src, dst, norm_e):
    # message passing: gather src features, scale by sym-norm, scatter-add into dst
    msg = h[src] * norm_e[:, None]
    agg = jax.ops.segment_sum(msg, dst, num_segments=N_NODES)
    support = agg + ALPHA * h0
    out = support @ W.T
    return jax.nn.relu(out)


def reference(graph, features, W1, Wl0, Wl1, W2):
    src = graph[0]
    dst = graph[1]
    # symmetric graph normalization from in-degree
    deg = jax.ops.segment_sum(jnp.ones((N_EDGES,), dtype=jnp.float32), dst, num_segments=N_NODES)
    deg = jnp.maximum(deg, 1.0)
    inv_sqrt = jax.lax.rsqrt(deg)
    norm_e = inv_sqrt[src] * inv_sqrt[dst]
    # initial projection
    h0 = jax.nn.relu(features @ W1.T)
    h = h0
    h = _vgcn_layer(h, h0, Wl0, src, dst, norm_e)
    h = _vgcn_layer(h, h0, Wl1, src, dst, norm_e)
    out = h @ W2.T
    return out

if __name__ == "__main__":
    import jax
    _d = setup_inputs()
    print(jax.jit(kernel)(*tuple(_d.values())))

</pallas_src>

<mosaic_0001>
#map = affine_map<(d0, d1) -> (0, 0)>
#map1 = affine_map<(d0, d1) -> (0, 0, 0)>
module attributes {stable_mosaic.version = 14 : i64} {
  func.func @body(%arg0: i32, %arg1: i32, %arg2: memref<10000x128xf32, #tpu.memory_space<hbm>>, %arg3: memref<32x80x128xi32, #tpu.memory_space<hbm>>, %arg4: memref<32x80x128xi32, #tpu.memory_space<hbm>>, %arg5: memref<10112x128xf32, #tpu.memory_space<hbm>>, %arg6: memref<2x10112x128xf32, #tpu.memory_space<hbm>>, %arg7: memref<10112x128xf32, #tpu.memory_space<vmem_shared>>, %arg8: memref<80x128xi32, #tpu.memory_space<vmem>>, %arg9: memref<80x128xi32, #tpu.memory_space<vmem>>, %arg10: memref<4x32x128xf32, #tpu.memory_space<vmem>>, %arg11: memref<!tpu.dma_semaphore, #tpu.memory_space<semaphore_mem>>, %arg12: memref<!tpu.dma_semaphore, #tpu.memory_space<semaphore_mem>>, %arg13: memref<!tpu.dma_semaphore, #tpu.memory_space<semaphore_mem>>, %arg14: memref<!tpu.dma_semaphore, #tpu.memory_space<semaphore_mem>>) attributes {dimension_semantics = [#tpu.dimension_semantics<core_parallel>, #tpu.dimension_semantics<subcore_parallel>], iteration_bounds = array<i64: 2, 16>, scalar_prefetch = 0 : i64, scratch_operands = 8 : i64, tpu.core_type = #tpu.core_type<sc_vector_subcore>, window_params = [{transform_indices = #map}, {transform_indices = #map1}, {transform_indices = #map1}, {transform_indices = #map}, {transform_indices = #map1}]} {
    %mul3A = arith.constant 16 : i32
    %mul3A_0 = arith.muli %arg0, %mul3A : i32
    %add3A = arith.addi %mul3A_0, %arg1 : i32
    %mul3A_1 = arith.constant 632 : i32
    %mul3A_2 = arith.muli %arg1, %mul3A_1 : i32
    %mul3A_3 = arith.constant 632 : i32
    %mul3A_4 = arith.muli %arg1, %mul3A_3 : i32
    "tpu.region"() ({
      %run_scoped3A_116 = tpu.sem_alloc : memref<!tpu.dma_semaphore, #tpu.memory_space<semaphore_mem>>
      %dma_start3A_117 = arith.constant 0 : i32
      %dma_start3A_118 = tpu.memref_slice %arg7[%mul3A_4, %dma_start3A_117] : memref<10112x128xf32, #tpu.memory_space<vmem_shared>> -> memref<632x128xf32, #tpu.memory_space<vmem_shared>>
      %dma_start3A_119 = arith.constant 0 : i32
      %dma_start3A_120 = tpu.memref_slice %arg5[%mul3A_2, %dma_start3A_119] : memref<10112x128xf32, #tpu.memory_space<hbm>> -> memref<632x128xf32, #tpu.memory_space<hbm>>
      tpu.enqueue_dma source(%dma_start3A_120 : memref<632x128xf32, #tpu.memory_space<hbm>>) target(%dma_start3A_118 : memref<632x128xf32, #tpu.memory_space<vmem_shared>>) target_semaphore(%run_scoped3A_116 : memref<!tpu.dma_semaphore, #tpu.memory_space<semaphore_mem>>)
      %dma_wait3A_121 = arith.constant 0 : i32
      %dma_wait3A_122 = tpu.memref_slice %arg7[%mul3A_4, %dma_wait3A_121] : memref<10112x128xf32, #tpu.memory_space<vmem_shared>> -> memref<632x128xf32, #tpu.memory_space<vmem_shared>>
      %dma_wait3A_123 = arith.constant 0 : i32
      %dma_wait3A_124 = tpu.memref_slice %arg5[%mul3A_2, %dma_wait3A_123] : memref<10112x128xf32, #tpu.memory_space<hbm>> -> memref<632x128xf32, #tpu.memory_space<hbm>>
      tpu.wait_dma2 semaphore(%run_scoped3A_116 : memref<!tpu.dma_semaphore, #tpu.memory_space<semaphore_mem>>) src(%dma_wait3A_124 : memref<632x128xf32, #tpu.memory_space<hbm>>) dst(%dma_wait3A_122 : memref<632x128xf32, #tpu.memory_space<vmem_shared>>)
      tpu.yield
    }) : () -> ()
    "tpu.region"() ({
      %run_scoped3A_116 = tpu.sem_alloc : memref<!tpu.dma_semaphore, #tpu.memory_space<semaphore_mem>>
      %dma_start3A_117 = arith.constant 0 : i32
      %dma_start3A_118 = arith.constant 0 : i32
      %dma_start3A_119 = tpu.memref_slice %arg3[%add3A, %dma_start3A_117, %dma_start3A_118] : memref<32x80x128xi32, #tpu.memory_space<hbm>> -> memref<1x80x128xi32, #tpu.memory_space<hbm>>
      %dma_start3A_120 = tpu.memref_squeeze %dma_start3A_119 : memref<1x80x128xi32, #tpu.memory_space<hbm>> -> memref<80x128xi32, #tpu.memory_space<hbm>>
      %dma_start3A_121 = arith.constant 0 : i32
      %dma_start3A_122 = arith.constant 0 : i32
      %dma_start3A_123 = tpu.memref_slice %arg3[%add3A, %dma_start3A_121, %dma_start3A_122] : memref<32x80x128xi32, #tpu.memory_space<hbm>> -> memref<1x80x128xi32, #tpu.memory_space<hbm>>
      %dma_start3A_124 = tpu.memref_squeeze %dma_start3A_123 : memref<1x80x128xi32, #tpu.memory_space<hbm>> -> memref<80x128xi32, #tpu.memory_space<hbm>>
      tpu.enqueue_dma source(%dma_start3A_124 : memref<80x128xi32, #tpu.memory_space<hbm>>) target(%arg8 : memref<80x128xi32, #tpu.memory_space<vmem>>) target_semaphore(%run_scoped3A_116 : memref<!tpu.dma_semaphore, #tpu.memory_space<semaphore_mem>>)
      %dma_wait3A_125 = arith.constant 0 : i32
      %dma_wait3A_126 = arith.constant 0 : i32
      %dma_wait3A_127 = tpu.memref_slice %arg3[%add3A, %dma_wait3A_125, %dma_wait3A_126] : memref<32x80x128xi32, #tpu.memory_space<hbm>> -> memref<1x80x128xi32, #tpu.memory_space<hbm>>
      %dma_wait3A_128 = tpu.memref_squeeze %dma_wait3A_127 : memref<1x80x128xi32, #tpu.memory_space<hbm>> -> memref<80x128xi32, #tpu.memory_space<hbm>>
      %dma_wait3A_129 = arith.constant 0 : i32
      %dma_wait3A_130 = arith.constant 0 : i32
      %dma_wait3A_131 = tpu.memref_slice %arg3[%add3A, %dma_wait3A_129, %dma_wait3A_130] : memref<32x80x128xi32, #tpu.memory_space<hbm>> -> memref<1x80x128xi32, #tpu.memory_space<hbm>>
      %dma_wait3A_132 = tpu.memref_squeeze %dma_wait3A_131 : memref<1x80x128xi32, #tpu.memory_space<hbm>> -> memref<80x128xi32, #tpu.memory_space<hbm>>
      tpu.wait_dma2 semaphore(%run_scoped3A_116 : memref<!tpu.dma_semaphore, #tpu.memory_space<semaphore_mem>>) src(%dma_wait3A_132 : memref<80x128xi32, #tpu.memory_space<hbm>>) dst(%arg8 : memref<80x128xi32, #tpu.memory_space<vmem>>)
      tpu.yield
    }) : () -> ()
    "tpu.region"() ({
      %run_scoped3A_116 = tpu.sem_alloc : memref<!tpu.dma_semaphore, #tpu.memory_space<semaphore_mem>>
      %dma_start3A_117 = arith.constant 0 : i32
      %dma_start3A_118 = arith.constant 0 : i32
      %dma_start3A_119 = tpu.memref_slice %arg4[%add3A, %dma_start3A_117, %dma_start3A_118] : memref<32x80x128xi32, #tpu.memory_space<hbm>> -> memref<1x80x128xi32, #tpu.memory_space<hbm>>
      %dma_start3A_120 = tpu.memref_squeeze %dma_start3A_119 : memref<1x80x128xi32, #tpu.memory_space<hbm>> -> memref<80x128xi32, #tpu.memory_space<hbm>>
      %dma_start3A_121 = arith.constant 0 : i32
      %dma_start3A_122 = arith.constant 0 : i32
      %dma_start3A_123 = tpu.memref_slice %arg4[%add3A, %dma_start3A_121, %dma_start3A_122] : memref<32x80x128xi32, #tpu.memory_space<hbm>> -> memref<1x80x128xi32, #tpu.memory_space<hbm>>
      %dma_start3A_124 = tpu.memref_squeeze %dma_start3A_123 : memref<1x80x128xi32, #tpu.memory_space<hbm>> -> memref<80x128xi32, #tpu.memory_space<hbm>>
      tpu.enqueue_dma source(%dma_start3A_124 : memref<80x128xi32, #tpu.memory_space<hbm>>) target(%arg9 : memref<80x128xi32, #tpu.memory_space<vmem>>) target_semaphore(%run_scoped3A_116 : memref<!tpu.dma_semaphore, #tpu.memory_space<semaphore_mem>>)
      %dma_wait3A_125 = arith.constant 0 : i32
      %dma_wait3A_126 = arith.constant 0 : i32
      %dma_wait3A_127 = tpu.memref_slice %arg4[%add3A, %dma_wait3A_125, %dma_wait3A_126] : memref<32x80x128xi32, #tpu.memory_space<hbm>> -> memref<1x80x128xi32, #tpu.memory_space<hbm>>
      %dma_wait3A_128 = tpu.memref_squeeze %dma_wait3A_127 : memref<1x80x128xi32, #tpu.memory_space<hbm>> -> memref<80x128xi32, #tpu.memory_space<hbm>>
      %dma_wait3A_129 = arith.constant 0 : i32
      %dma_wait3A_130 = arith.constant 0 : i32
      %dma_wait3A_131 = tpu.memref_slice %arg4[%add3A, %dma_wait3A_129, %dma_wait3A_130] : memref<32x80x128xi32, #tpu.memory_space<hbm>> -> memref<1x80x128xi32, #tpu.memory_space<hbm>>
      %dma_wait3A_132 = tpu.memref_squeeze %dma_wait3A_131 : memref<1x80x128xi32, #tpu.memory_space<hbm>> -> memref<80x128xi32, #tpu.memory_space<hbm>>
      tpu.wait_dma2 semaphore(%run_scoped3A_116 : memref<!tpu.dma_semaphore, #tpu.memory_space<semaphore_mem>>) src(%dma_wait3A_132 : memref<80x128xi32, #tpu.memory_space<hbm>>) dst(%arg9 : memref<80x128xi32, #tpu.memory_space<vmem>>)
      tpu.yield
    }) : () -> ()
    %barrier3A = arith.constant 0 : index
    tpu.barrier barrier_id(%barrier3A)
    %dma_start3A = arith.constant 0 : i32
    %dma_start3A_5 = arith.constant 0 : i32
    %dma_start3A_6 = arith.constant 0 : i32
    %dma_start3A_7 = arith.constant 0 : i32
    %dma_start3A_8 = tpu.memref_slice %arg10[%dma_start3A_5, %dma_start3A_6, %dma_start3A_7] : memref<4x32x128xf32, #tpu.memory_space<vmem>> -> memref<1x32x128xf32, #tpu.memory_space<vmem>>
    %dma_start3A_9 = tpu.memref_squeeze %dma_start3A_8 : memref<1x32x128xf32, #tpu.memory_space<vmem>> -> memref<32x128xf32, #tpu.memory_space<vmem>>
    %dma_start3A_10 = arith.constant 0 : i32
    %dma_start3A_11 = tpu.memref_slice %arg8[%dma_start3A, %dma_start3A_10] : memref<80x128xi32, #tpu.memory_space<vmem>> -> memref<1x32xi32, #tpu.memory_space<vmem>>
    %dma_start3A_12 = tpu.memref_squeeze %dma_start3A_11 : memref<1x32xi32, #tpu.memory_space<vmem>> -> memref<32xi32, #tpu.memory_space<vmem>>
    %dma_start3A_13 = arith.constant 0 : i32
    %dma_start3A_14 = arith.constant 0 : i32
    %dma_start3A_15 = tpu.memref_slice %arg2[%dma_start3A_13, %dma_start3A_14] : memref<10000x128xf32, #tpu.memory_space<hbm>> -> memref<10000x128xf32, #tpu.memory_space<hbm>>
    tpu.enqueue_indirect_dma source(%dma_start3A_15 : memref<10000x128xf32, #tpu.memory_space<hbm>>) target(%dma_start3A_9 : memref<32x128xf32, #tpu.memory_space<vmem>>) offsets(%dma_start3A_12 : memref<32xi32, #tpu.memory_space<vmem>>) semaphore(%arg11 : memref<!tpu.dma_semaphore, #tpu.memory_space<semaphore_mem>>)
    %dma_start3A_16 = arith.constant 0 : i32
    %dma_start3A_17 = arith.constant 1 : i32
    %dma_start3A_18 = arith.constant 0 : i32
    %dma_start3A_19 = arith.constant 0 : i32
    %dma_start3A_20 = tpu.memref_slice %arg10[%dma_start3A_17, %dma_start3A_18, %dma_start3A_19] : memref<4x32x128xf32, #tpu.memory_space<vmem>> -> memref<1x32x128xf32, #tpu.memory_space<vmem>>
    %dma_start3A_21 = tpu.memref_squeeze %dma_start3A_20 : memref<1x32x128xf32, #tpu.memory_space<vmem>> -> memref<32x128xf32, #tpu.memory_space<vmem>>
    %dma_start3A_22 = arith.constant 32 : i32
    %dma_start3A_23 = tpu.memref_slice %arg8[%dma_start3A_16, %dma_start3A_22] : memref<80x128xi32, #tpu.memory_space<vmem>> -> memref<1x32xi32, #tpu.memory_space<vmem>>
    %dma_start3A_24 = tpu.memref_squeeze %dma_start3A_23 : memref<1x32xi32, #tpu.memory_space<vmem>> -> memref<32xi32, #tpu.memory_space<vmem>>
    %dma_start3A_25 = arith.constant 0 : i32
    %dma_start3A_26 = arith.constant 0 : i32
    %dma_start3A_27 = tpu.memref_slice %arg2[%dma_start3A_25, %dma_start3A_26] : memref<10000x128xf32, #tpu.memory_space<hbm>> -> memref<10000x128xf32, #tpu.memory_space<hbm>>
    tpu.enqueue_indirect_dma source(%dma_start3A_27 : memref<10000x128xf32, #tpu.memory_space<hbm>>) target(%dma_start3A_21 : memref<32x128xf32, #tpu.memory_space<vmem>>) offsets(%dma_start3A_24 : memref<32xi32, #tpu.memory_space<vmem>>) semaphore(%arg12 : memref<!tpu.dma_semaphore, #tpu.memory_space<semaphore_mem>>)
    %dma_start3A_28 = arith.constant 0 : i32
    %dma_start3A_29 = arith.constant 2 : i32
    %dma_start3A_30 = arith.constant 0 : i32
    %dma_start3A_31 = arith.constant 0 : i32
    %dma_start3A_32 = tpu.memref_slice %arg10[%dma_start3A_29, %dma_start3A_30, %dma_start3A_31] : memref<4x32x128xf32, #tpu.memory_space<vmem>> -> memref<1x32x128xf32, #tpu.memory_space<vmem>>
    %dma_start3A_33 = tpu.memref_squeeze %dma_start3A_32 : memref<1x32x128xf32, #tpu.memory_space<vmem>> -> memref<32x128xf32, #tpu.memory_space<vmem>>
    %dma_start3A_34 = arith.constant 64 : i32
    %dma_start3A_35 = tpu.memref_slice %arg8[%dma_start3A_28, %dma_start3A_34] : memref<80x128xi32, #tpu.memory_space<vmem>> -> memref<1x32xi32, #tpu.memory_space<vmem>>
    %dma_start3A_36 = tpu.memref_squeeze %dma_start3A_35 : memref<1x32xi32, #tpu.memory_space<vmem>> -> memref<32xi32, #tpu.memory_space<vmem>>
    %dma_start3A_37 = arith.constant 0 : i32
    %dma_start3A_38 = arith.constant 0 : i32
    %dma_start3A_39 = tpu.memref_slice %arg2[%dma_start3A_37, %dma_start3A_38] : memref<10000x128xf32, #tpu.memory_space<hbm>> -> memref<10000x128xf32, #tpu.memory_space<hbm>>
    tpu.enqueue_indirect_dma source(%dma_start3A_39 : memref<10000x128xf32, #tpu.memory_space<hbm>>) target(%dma_start3A_33 : memref<32x128xf32, #tpu.memory_space<vmem>>) offsets(%dma_start3A_36 : memref<32xi32, #tpu.memory_space<vmem>>) semaphore(%arg13 : memref<!tpu.dma_semaphore, #tpu.memory_space<semaphore_mem>>)
    %dma_start3A_40 = arith.constant 0 : i32
    %dma_start3A_41 = arith.constant 3 : i32
    %dma_start3A_42 = arith.constant 0 : i32
    %dma_start3A_43 = arith.constant 0 : i32
    %dma_start3A_44 = tpu.memref_slice %arg10[%dma_start3A_41, %dma_start3A_42, %dma_start3A_43] : memref<4x32x128xf32, #tpu.memory_space<vmem>> -> memref<1x32x128xf32, #tpu.memory_space<vmem>>
    %dma_start3A_45 = tpu.memref_squeeze %dma_start3A_44 : memref<1x32x128xf32, #tpu.memory_space<vmem>> -> memref<32x128xf32, #tpu.memory_space<vmem>>
    %dma_start3A_46 = arith.constant 96 : i32
    %dma_start3A_47 = tpu.memref_slice %arg8[%dma_start3A_40, %dma_start3A_46] : memref<80x128xi32, #tpu.memory_space<vmem>> -> memref<1x32xi32, #tpu.memory_space<vmem>>
    %dma_start3A_48 = tpu.memref_squeeze %dma_start3A_47 : memref<1x32xi32, #tpu.memory_space<vmem>> -> memref<32xi32, #tpu.memory_space<vmem>>
    %dma_start3A_49 = arith.constant 0 : i32
    %dma_start3A_50 = arith.constant 0 : i32
    %dma_start3A_51 = tpu.memref_slice %arg2[%dma_start3A_49, %dma_start3A_50] : memref<10000x128xf32, #tpu.memory_space<hbm>> -> memref<10000x128xf32, #tpu.memory_space<hbm>>
    tpu.enqueue_indirect_dma source(%dma_start3A_51 : memref<10000x128xf32, #tpu.memory_space<hbm>>) target(%dma_start3A_45 : memref<32x128xf32, #tpu.memory_space<vmem>>) offsets(%dma_start3A_48 : memref<32xi32, #tpu.memory_space<vmem>>) semaphore(%arg14 : memref<!tpu.dma_semaphore, #tpu.memory_space<semaphore_mem>>)
    %scan3A = arith.constant 0 : i32
    %scan3A_52 = arith.constant 0 : i32
    %scan3A_53 = arith.constant 79 : i32
    %scan3A_54 = arith.addi %scan3A_52, %scan3A_53 : i32
    %scan3A_55 = arith.constant 1 : i32
    scf.for %scan3A_116 = %scan3A_52 to %scan3A_54 step %scan3A_55  : i32 {
      %mul3A_117 = arith.constant 4 : i32
      %mul3A_118 = arith.muli %scan3A_116, %mul3A_117 : i32
      %add3A_119 = arith.constant 0 : i32
      %add3A_120 = arith.addi %mul3A_118, %add3A_119 : i32
      %jit3A = arith.constant 4 : i32
      %div3A = arith.divsi %add3A_120, %jit3A : i32
      %sign3A = arith.constant 0 : i32
      %sign3A_121 = arith.cmpi sgt, %add3A_120, %sign3A : i32
      %sign3A_122 = arith.extui %sign3A_121 : i1 to i32
      %sign3A_123 = arith.constant 0 : i32
      %sign3A_124 = arith.cmpi slt, %add3A_120, %sign3A_123 : i32
      %sign3A_125 = arith.extui %sign3A_124 : i1 to i32
      %sign3A_126 = arith.subi %sign3A_122, %sign3A_125 : i32
      %sign3A_127 = arith.constant 0 : i32
      %sign3A_128 = arith.cmpi sgt, %jit3A, %sign3A_127 : i32
      %sign3A_129 = arith.extui %sign3A_128 : i1 to i32
      %sign3A_130 = arith.constant 0 : i32
      %sign3A_131 = arith.cmpi slt, %jit3A, %sign3A_130 : i32
      %sign3A_132 = arith.extui %sign3A_131 : i1 to i32
      %sign3A_133 = arith.subi %sign3A_129, %sign3A_132 : i32
      %ne3A = arith.cmpi ne, %sign3A_126, %sign3A_133 : i32
      %rem3A = arith.remsi %add3A_120, %jit3A : i32
      %ne3A_134 = arith.constant 0 : i32
      %ne3A_135 = arith.cmpi ne, %rem3A, %ne3A_134 : i32
      %and3A = arith.andi %ne3A, %ne3A_135 : i1
      %sub3A = arith.constant 1 : i32
      %sub3A_136 = arith.subi %div3A, %sub3A : i32
      %select_n3A = arith.select %and3A, %sub3A_136, %div3A : i32
      %jit3A_137 = arith.constant 4 : i32
      %eq3A = arith.constant 0 : i32
      %eq3A_138 = arith.cmpi eq, %jit3A_137, %eq3A : i32
      %jit3A_139 = arith.constant 1 : i32
      %select_n3A_140 = arith.select %eq3A_138, %jit3A_139, %jit3A_137 : i32
      %rem3A_141 = arith.remsi %add3A_120, %select_n3A_140 : i32
      %ne3A_142 = arith.constant 0 : i32
      %ne3A_143 = arith.cmpi ne, %rem3A_141, %ne3A_142 : i32
      %lt3A = arith.constant 0 : i32
      %lt3A_144 = arith.cmpi slt, %rem3A_141, %lt3A : i32
      %lt3A_145 = arith.constant 0 : i32
      %lt3A_146 = arith.cmpi slt, %select_n3A_140, %lt3A_145 : i32
      %ne3A_147 = arith.xori %lt3A_144, %lt3A_146 : i1
      %and3A_148 = arith.andi %ne3A_147, %ne3A_143 : i1
      %add3A_149 = arith.addi %rem3A_141, %select_n3A_140 : i32
      %select_n3A_150 = arith.select %and3A_148, %add3A_149, %rem3A_141 : i32
      %mul3A_151 = arith.constant 32 : i32
      %mul3A_152 = arith.muli %select_n3A_150, %mul3A_151 : i32
      %dma_wait3A_153 = arith.constant 0 : i32
      %dma_wait3A_154 = arith.constant 0 : i32
      %dma_wait3A_155 = arith.constant 0 : i32
      %dma_wait3A_156 = tpu.memref_slice %arg10[%dma_wait3A_153, %dma_wait3A_154, %dma_wait3A_155] : memref<4x32x128xf32, #tpu.memory_space<vmem>> -> memref<1x32x128xf32, #tpu.memory_space<vmem>>
      %dma_wait3A_157 = tpu.memref_squeeze %dma_wait3A_156 : memref<1x32x128xf32, #tpu.memory_space<vmem>> -> memref<32x128xf32, #tpu.memory_space<vmem>>
      %dma_wait3A_158 = tpu.memref_slice %arg8[%select_n3A, %mul3A_152] : memref<80x128xi32, #tpu.memory_space<vmem>> -> memref<1x32xi32, #tpu.memory_space<vmem>>
      %dma_wait3A_159 = tpu.memref_squeeze %dma_wait3A_158 : memref<1x32xi32, #tpu.memory_space<vmem>> -> memref<32xi32, #tpu.memory_space<vmem>>
      %dma_wait3A_160 = arith.constant 0 : i32
      %dma_wait3A_161 = arith.constant 0 : i32
      %dma_wait3A_162 = tpu.memref_slice %arg2[%dma_wait3A_160, %dma_wait3A_161] : memref<10000x128xf32, #tpu.memory_space<hbm>> -> memref<10000x128xf32, #tpu.memory_space<hbm>>
      tpu.wait_indirect_dma semaphore(%arg11 : memref<!tpu.dma_semaphore, #tpu.memory_space<semaphore_mem>>) src(%dma_wait3A_162 : memref<10000x128xf32, #tpu.memory_space<hbm>>) dst(%dma_wait3A_157 : memref<32x128xf32, #tpu.memory_space<vmem>>)
      %jit3A_163 = arith.constant 4 : i32
      %div3A_164 = arith.divsi %add3A_120, %jit3A_163 : i32
      %sign3A_165 = arith.constant 0 : i32
      %sign3A_166 = arith.cmpi sgt, %add3A_120, %sign3A_165 : i32
      %sign3A_167 = arith.extui %sign3A_166 : i1 to i32
      %sign3A_168 = arith.constant 0 : i32
      %sign3A_169 = arith.cmpi slt, %add3A_120, %sign3A_168 : i32
      %sign3A_170 = arith.extui %sign3A_169 : i1 to i32
      %sign3A_171 = arith.subi %sign3A_167, %sign3A_170 : i32
      %sign3A_172 = arith.constant 0 : i32
      %sign3A_173 = arith.cmpi sgt, %jit3A_163, %sign3A_172 : i32
      %sign3A_174 = arith.extui %sign3A_173 : i1 to i32
      %sign3A_175 = arith.constant 0 : i32
      %sign3A_176 = arith.cmpi slt, %jit3A_163, %sign3A_175 : i32
      %sign3A_177 = arith.extui %sign3A_176 : i1 to i32
      %sign3A_178 = arith.subi %sign3A_174, %sign3A_177 : i32
      %ne3A_179 = arith.cmpi ne, %sign3A_171, %sign3A_178 : i32
      %rem3A_180 = arith.remsi %add3A_120, %jit3A_163 : i32
      %ne3A_181 = arith.constant 0 : i32
      %ne3A_182 = arith.cmpi ne, %rem3A_180, %ne3A_181 : i32
      %and3A_183 = arith.andi %ne3A_179, %ne3A_182 : i1
      %sub3A_184 = arith.constant 1 : i32
      %sub3A_185 = arith.subi %div3A_164, %sub3A_184 : i32
      %select_n3A_186 = arith.select %and3A_183, %sub3A_185, %div3A_164 : i32
      %jit3A_187 = arith.constant 4 : i32
      %eq3A_188 = arith.constant 0 : i32
      %eq3A_189 = arith.cmpi eq, %jit3A_187, %eq3A_188 : i32
      %jit3A_190 = arith.constant 1 : i32
      %select_n3A_191 = arith.select %eq3A_189, %jit3A_190, %jit3A_187 : i32
      %rem3A_192 = arith.remsi %add3A_120, %select_n3A_191 : i32
      %ne3A_193 = arith.constant 0 : i32
      %ne3A_194 = arith.cmpi ne, %rem3A_192, %ne3A_193 : i32
      %lt3A_195 = arith.constant 0 : i32
      %lt3A_196 = arith.cmpi slt, %rem3A_192, %lt3A_195 : i32
      %lt3A_197 = arith.constant 0 : i32
      %lt3A_198 = arith.cmpi slt, %select_n3A_191, %lt3A_197 : i32
      %ne3A_199 = arith.xori %lt3A_196, %lt3A_198 : i1
      %and3A_200 = arith.andi %ne3A_199, %ne3A_194 : i1
      %add3A_201 = arith.addi %rem3A_192, %select_n3A_191 : i32
      %select_n3A_202 = arith.select %and3A_200, %add3A_201, %rem3A_192 : i32
      %mul3A_203 = arith.constant 32 : i32
      %mul3A_204 = arith.muli %select_n3A_202, %mul3A_203 : i32
      %run_scoped3A_205 = arith.constant 0 : i32
      "tpu.region"() ({
        %run_scoped3A_719 = tpu.sem_alloc : memref<!tpu.dma_semaphore, #tpu.memory_space<semaphore_mem>>
        %dma_start3A_720 = arith.constant 0 : i32
        %dma_start3A_721 = arith.constant 0 : i32
        %dma_start3A_722 = tpu.memref_slice %arg10[%run_scoped3A_205, %dma_start3A_720, %dma_start3A_721] : memref<4x32x128xf32, #tpu.memory_space<vmem>> -> memref<1x32x128xf32, #tpu.memory_space<vmem>>
        %dma_start3A_723 = tpu.memref_squeeze %dma_start3A_722 : memref<1x32x128xf32, #tpu.memory_space<vmem>> -> memref<32x128xf32, #tpu.memory_space<vmem>>
        %dma_start3A_724 = tpu.memref_slice %arg9[%select_n3A_186, %mul3A_204] : memref<80x128xi32, #tpu.memory_space<vmem>> -> memref<1x32xi32, #tpu.memory_space<vmem>>
        %dma_start3A_725 = tpu.memref_squeeze %dma_start3A_724 : memref<1x32xi32, #tpu.memory_space<vmem>> -> memref<32xi32, #tpu.memory_space<vmem>>
        %dma_start3A_726 = arith.constant 0 : i32
        %dma_start3A_727 = arith.constant 0 : i32
        %dma_start3A_728 = tpu.memref_slice %arg7[%dma_start3A_726, %dma_start3A_727] : memref<10112x128xf32, #tpu.memory_space<vmem_shared>> -> memref<10112x128xf32, #tpu.memory_space<vmem_shared>>
        tpu.enqueue_indirect_dma source(%dma_start3A_723 : memref<32x128xf32, #tpu.memory_space<vmem>>) target(%dma_start3A_728 : memref<10112x128xf32, #tpu.memory_space<vmem_shared>>) offsets(%dma_start3A_725 : memref<32xi32, #tpu.memory_space<vmem>>) semaphore(%run_scoped3A_719 : memref<!tpu.dma_semaphore, #tpu.memory_space<semaphore_mem>>) {add = true}
        %dma_wait3A_729 = arith.constant 0 : i32
        %dma_wait3A_730 = arith.constant 0 : i32
        %dma_wait3A_731 = tpu.memref_slice %arg10[%run_scoped3A_205, %dma_wait3A_729, %dma_wait3A_730] : memref<4x32x128xf32, #tpu.memory_space<vmem>> -> memref<1x32x128xf32, #tpu.memory_space<vmem>>
        %dma_wait3A_732 = tpu.memref_squeeze %dma_wait3A_731 : memref<1x32x128xf32, #tpu.memory_space<vmem>> -> memref<32x128xf32, #tpu.memory_space<vmem>>
        %dma_wait3A_733 = tpu.memref_slice %arg9[%select_n3A_186, %mul3A_204] : memref<80x128xi32, #tpu.memory_space<vmem>> -> memref<1x32xi32, #tpu.memory_space<vmem>>
        %dma_wait3A_734 = tpu.memref_squeeze %dma_wait3A_733 : memref<1x32xi32, #tpu.memory_space<vmem>> -> memref<32xi32, #tpu.memory_space<vmem>>
        %dma_wait3A_735 = arith.constant 0 : i32
        %dma_wait3A_736 = arith.constant 0 : i32
        %dma_wait3A_737 = tpu.memref_slice %arg7[%dma_wait3A_735, %dma_wait3A_736] : memref<10112x128xf32, #tpu.memory_space<vmem_shared>> -> memref<10112x128xf32, #tpu.memory_space<vmem_shared>>
        tpu.wait_indirect_dma semaphore(%run_scoped3A_719 : memref<!tpu.dma_semaphore, #tpu.memory_space<semaphore_mem>>) src(%dma_wait3A_732 : memref<32x128xf32, #tpu.memory_space<vmem>>) dst(%dma_wait3A_737 : memref<10112x128xf32, #tpu.memory_space<vmem_shared>>)
        tpu.yield
      }) : () -> ()
      %add3A_206 = arith.constant 4 : i32
      %add3A_207 = arith.addi %add3A_120, %add3A_206 : i32
      %jit3A_208 = arith.constant 4 : i32
      %div3A_209 = arith.divsi %add3A_207, %jit3A_208 : i32
      %sign3A_210 = arith.constant 0 : i32
      %sign3A_211 = arith.cmpi sgt, %add3A_207, %sign3A_210 : i32
      %sign3A_212 = arith.extui %sign3A_211 : i1 to i32
      %sign3A_213 = arith.constant 0 : i32
      %sign3A_214 = arith.cmpi slt, %add3A_207, %sign3A_213 : i32
      %sign3A_215 = arith.extui %sign3A_214 : i1 to i32
      %sign3A_216 = arith.subi %sign3A_212, %sign3A_215 : i32
      %sign3A_217 = arith.constant 0 : i32
      %sign3A_218 = arith.cmpi sgt, %jit3A_208, %sign3A_217 : i32
      %sign3A_219 = arith.extui %sign3A_218 : i1 to i32
      %sign3A_220 = arith.constant 0 : i32
      %sign3A_221 = arith.cmpi slt, %jit3A_208, %sign3A_220 : i32
      %sign3A_222 = arith.extui %sign3A_221 : i1 to i32
      %sign3A_223 = arith.subi %sign3A_219, %sign3A_222 : i32
      %ne3A_224 = arith.cmpi ne, %sign3A_216, %sign3A_223 : i32
      %rem3A_225 = arith.remsi %add3A_207, %jit3A_208 : i32
      %ne3A_226 = arith.constant 0 : i32
      %ne3A_227 = arith.cmpi ne, %rem3A_225, %ne3A_226 : i32
      %and3A_228 = arith.andi %ne3A_224, %ne3A_227 : i1
      %sub3A_229 = arith.constant 1 : i32
      %sub3A_230 = arith.subi %div3A_209, %sub3A_229 : i32
      %select_n3A_231 = arith.select %and3A_228, %sub3A_230, %div3A_209 : i32
      %jit3A_232 = arith.constant 4 : i32
      %eq3A_233 = arith.constant 0 : i32
      %eq3A_234 = arith.cmpi eq, %jit3A_232, %eq3A_233 : i32
      %jit3A_235 = arith.constant 1 : i32
      %select_n3A_236 = arith.select %eq3A_234, %jit3A_235, %jit3A_232 : i32
      %rem3A_237 = arith.remsi %add3A_207, %select_n3A_236 : i32
      %ne3A_238 = arith.constant 0 : i32
      %ne3A_239 = arith.cmpi ne, %rem3A_237, %ne3A_238 : i32
      %lt3A_240 = arith.constant 0 : i32
      %lt3A_241 = arith.cmpi slt, %rem3A_237, %lt3A_240 : i32
      %lt3A_242 = arith.constant 0 : i32
      %lt3A_243 = arith.cmpi slt, %select_n3A_236, %lt3A_242 : i32
      %ne3A_244 = arith.xori %lt3A_241, %lt3A_243 : i1
      %and3A_245 = arith.andi %ne3A_244, %ne3A_239 : i1
      %add3A_246 = arith.addi %rem3A_237, %select_n3A_236 : i32
      %select_n3A_247 = arith.select %and3A_245, %add3A_246, %rem3A_237 : i32
      %mul3A_248 = arith.constant 32 : i32
      %mul3A_249 = arith.muli %select_n3A_247, %mul3A_248 : i32
      %dma_start3A_250 = arith.constant 0 : i32
      %dma_start3A_251 = arith.constant 0 : i32
      %dma_start3A_252 = arith.constant 0 : i32
      %dma_start3A_253 = tpu.memref_slice %arg10[%dma_start3A_250, %dma_start3A_251, %dma_start3A_252] : memref<4x32x128xf32, #tpu.memory_space<vmem>> -> memref<1x32x128xf32, #tpu.memory_space<vmem>>
      %dma_start3A_254 = tpu.memref_squeeze %dma_start3A_253 : memref<1x32x128xf32, #tpu.memory_space<vmem>> -> memref<32x128xf32, #tpu.memory_space<vmem>>
      %dma_start3A_255 = tpu.memref_slice %arg8[%select_n3A_231, %mul3A_249] : memref<80x128xi32, #tpu.memory_space<vmem>> -> memref<1x32xi32, #tpu.memory_space<vmem>>
      %dma_start3A_256 = tpu.memref_squeeze %dma_start3A_255 : memref<1x32xi32, #tpu.memory_space<vmem>> -> memref<32xi32, #tpu.memory_space<vmem>>
      %dma_start3A_257 = arith.constant 0 : i32
      %dma_start3A_258 = arith.constant 0 : i32
      %dma_start3A_259 = tpu.memref_slice %arg2[%dma_start3A_257, %dma_start3A_258] : memref<10000x128xf32, #tpu.memory_space<hbm>> -> memref<10000x128xf32, #tpu.memory_space<hbm>>
      tpu.enqueue_indirect_dma source(%dma_start3A_259 : memref<10000x128xf32, #tpu.memory_space<hbm>>) target(%dma_start3A_254 : memref<32x128xf32, #tpu.memory_space<vmem>>) offsets(%dma_start3A_256 : memref<32xi32, #tpu.memory_space<vmem>>) semaphore(%arg11 : memref<!tpu.dma_semaphore, #tpu.memory_space<semaphore_mem>>)
      %mul3A_260 = arith.constant 4 : i32
      %mul3A_261 = arith.muli %scan3A_116, %mul3A_260 : i32
      %add3A_262 = arith.constant 1 : i32
      %add3A_263 = arith.addi %mul3A_261, %add3A_262 : i32
      %jit3A_264 = arith.constant 4 : i32
      %div3A_265 = arith.divsi %add3A_263, %jit3A_264 : i32
      %sign3A_266 = arith.constant 0 : i32
      %sign3A_267 = arith.cmpi sgt, %add3A_263, %sign3A_266 : i32
      %sign3A_268 = arith.extui %sign3A_267 : i1 to i32
      %sign3A_269 = arith.constant 0 : i32
      %sign3A_270 = arith.cmpi slt, %add3A_263, %sign3A_269 : i32
      %sign3A_271 = arith.extui %sign3A_270 : i1 to i32
      %sign3A_272 = arith.subi %sign3A_268, %sign3A_271 : i32
      %sign3A_273 = arith.constant 0 : i32
      %sign3A_274 = arith.cmpi sgt, %jit3A_264, %sign3A_273 : i32
      %sign3A_275 = arith.extui %sign3A_274 : i1 to i32
      %sign3A_276 = arith.constant 0 : i32
      %sign3A_277 = arith.cmpi slt, %jit3A_264, %sign3A_276 : i32
      %sign3A_278 = arith.extui %sign3A_277 : i1 to i32
      %sign3A_279 = arith.subi %sign3A_275, %sign3A_278 : i32
      %ne3A_280 = arith.cmpi ne, %sign3A_272, %sign3A_279 : i32
      %rem3A_281 = arith.remsi %add3A_263, %jit3A_264 : i32
      %ne3A_282 = arith.constant 0 : i32
      %ne3A_283 = arith.cmpi ne, %rem3A_281, %ne3A_282 : i32
      %and3A_284 = arith.andi %ne3A_280, %ne3A_283 : i1
      %sub3A_285 = arith.constant 1 : i32
      %sub3A_286 = arith.subi %div3A_265, %sub3A_285 : i32
      %select_n3A_287 = arith.select %and3A_284, %sub3A_286, %div3A_265 : i32
      %jit3A_288 = arith.constant 4 : i32
      %eq3A_289 = arith.constant 0 : i32
      %eq3A_290 = arith.cmpi eq, %jit3A_288, %eq3A_289 : i32
      %jit3A_291 = arith.constant 1 : i32
      %select_n3A_292 = arith.select %eq3A_290, %jit3A_291, %jit3A_288 : i32
      %rem3A_293 = arith.remsi %add3A_263, %select_n3A_292 : i32
      %ne3A_294 = arith.constant 0 : i32
      %ne3A_295 = arith.cmpi ne, %rem3A_293, %ne3A_294 : i32
      %lt3A_296 = arith.constant 0 : i32
      %lt3A_297 = arith.cmpi slt, %rem3A_293, %lt3A_296 : i32
      %lt3A_298 = arith.constant 0 : i32
      %lt3A_299 = arith.cmpi slt, %select_n3A_292, %lt3A_298 : i32
      %ne3A_300 = arith.xori %lt3A_297, %lt3A_299 : i1
      %and3A_301 = arith.andi %ne3A_300, %ne3A_295 : i1
      %add3A_302 = arith.addi %rem3A_293, %select_n3A_292 : i32
      %select_n3A_303 = arith.select %and3A_301, %add3A_302, %rem3A_293 : i32
      %mul3A_304 = arith.constant 32 : i32
      %mul3A_305 = arith.muli %select_n3A_303, %mul3A_304 : i32
      %dma_wait3A_306 = arith.constant 1 : i32
      %dma_wait3A_307 = arith.constant 0 : i32
      %dma_wait3A_308 = arith.constant 0 : i32
      %dma_wait3A_309 = tpu.memref_slice %arg10[%dma_wait3A_306, %dma_wait3A_307, %dma_wait3A_308] : memref<4x32x128xf32, #tpu.memory_space<vmem>> -> memref<1x32x128xf32, #tpu.memory_space<vmem>>
      %dma_wait3A_310 = tpu.memref_squeeze %dma_wait3A_309 : memref<1x32x128xf32, #tpu.memory_space<vmem>> -> memref<32x128xf32, #tpu.memory_space<vmem>>
      %dma_wait3A_311 = tpu.memref_slice %arg8[%select_n3A_287, %mul3A_305] : memref<80x128xi32, #tpu.memory_space<vmem>> -> memref<1x32xi32, #tpu.memory_space<vmem>>
      %dma_wait3A_312 = tpu.memref_squeeze %dma_wait3A_311 : memref<1x32xi32, #tpu.memory_space<vmem>> -> memref<32xi32, #tpu.memory_space<vmem>>
      %dma_wait3A_313 = arith.constant 0 : i32
      %dma_wait3A_314 = arith.constant 0 : i32
      %dma_wait3A_315 = tpu.memref_slice %arg2[%dma_wait3A_313, %dma_wait3A_314] : memref<10000x128xf32, #tpu.memory_space<hbm>> -> memref<10000x128xf32, #tpu.memory_space<hbm>>
      tpu.wait_indirect_dma semaphore(%arg12 : memref<!tpu.dma_semaphore, #tpu.memory_space<semaphore_mem>>) src(%dma_wait3A_315 : memref<10000x128xf32, #tpu.memory_space<hbm>>) dst(%dma_wait3A_310 : memref<32x128xf32, #tpu.memory_space<vmem>>)
      %jit3A_316 = arith.constant 4 : i32
      %div3A_317 = arith.divsi %add3A_263, %jit3A_316 : i32
      %sign3A_318 = arith.constant 0 : i32
      %sign3A_319 = arith.cmpi sgt, %add3A_263, %sign3A_318 : i32
      %sign3A_320 = arith.extui %sign3A_319 : i1 to i32
      %sign3A_321 = arith.constant 0 : i32
      %sign3A_322 = arith.cmpi slt, %add3A_263, %sign3A_321 : i32
      %sign3A_323 = arith.extui %sign3A_322 : i1 to i32
      %sign3A_324 = arith.subi %sign3A_320, %sign3A_323 : i32
      %sign3A_325 = arith.constant 0 : i32
      %sign3A_326 = arith.cmpi sgt, %jit3A_316, %sign3A_325 : i32
      %sign3A_327 = arith.extui %sign3A_326 : i1 to i32
      %sign3A_328 = arith.constant 0 : i32
      %sign3A_329 = arith.cmpi slt, %jit3A_316, %sign3A_328 : i32
      %sign3A_330 = arith.extui %sign3A_329 : i1 to i32
      %sign3A_331 = arith.subi %sign3A_327, %sign3A_330 : i32
      %ne3A_332 = arith.cmpi ne, %sign3A_324, %sign3A_331 : i32
      %rem3A_333 = arith.remsi %add3A_263, %jit3A_316 : i32
      %ne3A_334 = arith.constant 0 : i32
      %ne3A_335 = arith.cmpi ne, %rem3A_333, %ne3A_334 : i32
      %and3A_336 = arith.andi %ne3A_332, %ne3A_335 : i1
      %sub3A_337 = arith.constant 1 : i32
      %sub3A_338 = arith.subi %div3A_317, %sub3A_337 : i32
      %select_n3A_339 = arith.select %and3A_336, %sub3A_338, %div3A_317 : i32
      %jit3A_340 = arith.constant 4 : i32
      %eq3A_341 = arith.constant 0 : i32
      %eq3A_342 = arith.cmpi eq, %jit3A_340, %eq3A_341 : i32
      %jit3A_343 = arith.constant 1 : i32
      %select_n3A_344 = arith.select %eq3A_342, %jit3A_343, %jit3A_340 : i32
      %rem3A_345 = arith.remsi %add3A_263, %select_n3A_344 : i32
      %ne3A_346 = arith.constant 0 : i32
      %ne3A_347 = arith.cmpi ne, %rem3A_345, %ne3A_346 : i32
      %lt3A_348 = arith.constant 0 : i32
      %lt3A_349 = arith.cmpi slt, %rem3A_345, %lt3A_348 : i32
      %lt3A_350 = arith.constant 0 : i32
      %lt3A_351 = arith.cmpi slt, %select_n3A_344, %lt3A_350 : i32
      %ne3A_352 = arith.xori %lt3A_349, %lt3A_351 : i1
      %and3A_353 = arith.andi %ne3A_352, %ne3A_347 : i1
      %add3A_354 = arith.addi %rem3A_345, %select_n3A_344 : i32
      %select_n3A_355 = arith.select %and3A_353, %add3A_354, %rem3A_345 : i32
      %mul3A_356 = arith.constant 32 : i32
      %mul3A_357 = arith.muli %select_n3A_355, %mul3A_356 : i32
      %run_scoped3A_358 = arith.constant 1 : i32
      "tpu.region"() ({
        %run_scoped3A_719 = tpu.sem_alloc : memref<!tpu.dma_semaphore, #tpu.memory_space<semaphore_mem>>
        %dma_start3A_720 = arith.constant 0 : i32
        %dma_start3A_721 = arith.constant 0 : i32
        %dma_start3A_722 = tpu.memref_slice %arg10[%run_scoped3A_358, %dma_start3A_720, %dma_start3A_721] : memref<4x32x128xf32, #tpu.memory_space<vmem>> -> memref<1x32x128xf32, #tpu.memory_space<vmem>>
        %dma_start3A_723 = tpu.memref_squeeze %dma_start3A_722 : memref<1x32x128xf32, #tpu.memory_space<vmem>> -> memref<32x128xf32, #tpu.memory_space<vmem>>
        %dma_start3A_724 = tpu.memref_slice %arg9[%select_n3A_339, %mul3A_357] : memref<80x128xi32, #tpu.memory_space<vmem>> -> memref<1x32xi32, #tpu.memory_space<vmem>>
        %dma_start3A_725 = tpu.memref_squeeze %dma_start3A_724 : memref<1x32xi32, #tpu.memory_space<vmem>> -> memref<32xi32, #tpu.memory_space<vmem>>
        %dma_start3A_726 = arith.constant 0 : i32
        %dma_start3A_727 = arith.constant 0 : i32
        %dma_start3A_728 = tpu.memref_slice %arg7[%dma_start3A_726, %dma_start3A_727] : memref<10112x128xf32, #tpu.memory_space<vmem_shared>> -> memref<10112x128xf32, #tpu.memory_space<vmem_shared>>
        tpu.enqueue_indirect_dma source(%dma_start3A_723 : memref<32x128xf32, #tpu.memory_space<vmem>>) target(%dma_start3A_728 : memref<10112x128xf32, #tpu.memory_space<vmem_shared>>) offsets(%dma_start3A_725 : memref<32xi32, #tpu.memory_space<vmem>>) semaphore(%run_scoped3A_719 : memref<!tpu.dma_semaphore, #tpu.memory_space<semaphore_mem>>) {add = true}
        %dma_wait3A_729 = arith.constant 0 : i32
        %dma_wait3A_730 = arith.constant 0 : i32
        %dma_wait3A_731 = tpu.memref_slice %arg10[%run_scoped3A_358, %dma_wait3A_729, %dma_wait3A_730] : memref<4x32x128xf32, #tpu.memory_space<vmem>> -> memref<1x32x128xf32, #tpu.memory_space<vmem>>
        %dma_wait3A_732 = tpu.memref_squeeze %dma_wait3A_731 : memref<1x32x128xf32, #tpu.memory_space<vmem>> -> memref<32x128xf32, #tpu.memory_space<vmem>>
        %dma_wait3A_733 = tpu.memref_slice %arg9[%select_n3A_339, %mul3A_357] : memref<80x128xi32, #tpu.memory_space<vmem>> -> memref<1x32xi32, #tpu.memory_space<vmem>>
        %dma_wait3A_734 = tpu.memref_squeeze %dma_wait3A_733 : memref<1x32xi32, #tpu.memory_space<vmem>> -> memref<32xi32, #tpu.memory_space<vmem>>
        %dma_wait3A_735 = arith.constant 0 : i32
        %dma_wait3A_736 = arith.constant 0 : i32
        %dma_wait3A_737 = tpu.memref_slice %arg7[%dma_wait3A_735, %dma_wait3A_736] : memref<10112x128xf32, #tpu.memory_space<vmem_shared>> -> memref<10112x128xf32, #tpu.memory_space<vmem_shared>>
        tpu.wait_indirect_dma semaphore(%run_scoped3A_719 : memref<!tpu.dma_semaphore, #tpu.memory_space<semaphore_mem>>) src(%dma_wait3A_732 : memref<32x128xf32, #tpu.memory_space<vmem>>) dst(%dma_wait3A_737 : memref<10112x128xf32, #tpu.memory_space<vmem_shared>>)
        tpu.yield
      }) : () -> ()
      %add3A_359 = arith.constant 4 : i32
      %add3A_360 = arith.addi %add3A_263, %add3A_359 : i32
      %jit3A_361 = arith.constant 4 : i32
      %div3A_362 = arith.divsi %add3A_360, %jit3A_361 : i32
      %sign3A_363 = arith.constant 0 : i32
      %sign3A_364 = arith.cmpi sgt, %add3A_360, %sign3A_363 : i32
      %sign3A_365 = arith.extui %sign3A_364 : i1 to i32
      %sign3A_366 = arith.constant 0 : i32
      %sign3A_367 = arith.cmpi slt, %add3A_360, %sign3A_366 : i32
      %sign3A_368 = arith.extui %sign3A_367 : i1 to i32
      %sign3A_369 = arith.subi %sign3A_365, %sign3A_368 : i32
      %sign3A_370 = arith.constant 0 : i32
      %sign3A_371 = arith.cmpi sgt, %jit3A_361, %sign3A_370 : i32
      %sign3A_372 = arith.extui %sign3A_371 : i1 to i32
      %sign3A_373 = arith.constant 0 : i32
      %sign3A_374 = arith.cmpi slt, %jit3A_361, %sign3A_373 : i32
      %sign3A_375 = arith.extui %sign3A_374 : i1 to i32
      %sign3A_376 = arith.subi %sign3A_372, %sign3A_375 : i32
      %ne3A_377 = arith.cmpi ne, %sign3A_369, %sign3A_376 : i32
      %rem3A_378 = arith.remsi %add3A_360, %jit3A_361 : i32
      %ne3A_379 = arith.constant 0 : i32
      %ne3A_380 = arith.cmpi ne, %rem3A_378, %ne3A_379 : i32
      %and3A_381 = arith.andi %ne3A_377, %ne3A_380 : i1
      %sub3A_382 = arith.constant 1 : i32
      %sub3A_383 = arith.subi %div3A_362, %sub3A_382 : i32
      %select_n3A_384 = arith.select %and3A_381, %sub3A_383, %div3A_362 : i32
      %jit3A_385 = arith.constant 4 : i32
      %eq3A_386 = arith.constant 0 : i32
      %eq3A_387 = arith.cmpi eq, %jit3A_385, %eq3A_386 : i32
      %jit3A_388 = arith.constant 1 : i32
      %select_n3A_389 = arith.select %eq3A_387, %jit3A_388, %jit3A_385 : i32
      %rem3A_390 = arith.remsi %add3A_360, %select_n3A_389 : i32
      %ne3A_391 = arith.constant 0 : i32
      %ne3A_392 = arith.cmpi ne, %rem3A_390, %ne3A_391 : i32
      %lt3A_393 = arith.constant 0 : i32
      %lt3A_394 = arith.cmpi slt, %rem3A_390, %lt3A_393 : i32
      %lt3A_395 = arith.constant 0 : i32
      %lt3A_396 = arith.cmpi slt, %select_n3A_389, %lt3A_395 : i32
      %ne3A_397 = arith.xori %lt3A_394, %lt3A_396 : i1
      %and3A_398 = arith.andi %ne3A_397, %ne3A_392 : i1
      %add3A_399 = arith.addi %rem3A_390, %select_n3A_389 : i32
      %select_n3A_400 = arith.select %and3A_398, %add3A_399, %rem3A_390 : i32
      %mul3A_401 = arith.constant 32 : i32
      %mul3A_402 = arith.muli %select_n3A_400, %mul3A_401 : i32
      %dma_start3A_403 = arith.constant 1 : i32
      %dma_start3A_404 = arith.constant 0 : i32
      %dma_start3A_405 = arith.constant 0 : i32
      %dma_start3A_406 = tpu.memref_slice %arg10[%dma_start3A_403, %dma_start3A_404, %dma_start3A_405] : memref<4x32x128xf32, #tpu.memory_space<vmem>> -> memref<1x32x128xf32, #tpu.memory_space<vmem>>
      %dma_start3A_407 = tpu.memref_squeeze %dma_start3A_406 : memref<1x32x128xf32, #tpu.memory_space<vmem>> -> memref<32x128xf32, #tpu.memory_space<vmem>>
      %dma_start3A_408 = tpu.memref_slice %arg8[%select_n3A_384, %mul3A_402] : memref<80x128xi32, #tpu.memory_space<vmem>> -> memref<1x32xi32, #tpu.memory_space<vmem>>
      %dma_start3A_409 = tpu.memref_squeeze %dma_start3A_408 : memref<1x32xi32, #tpu.memory_space<vmem>> -> memref<32xi32, #tpu.memory_space<vmem>>
      %dma_start3A_410 = arith.constant 0 : i32
      %dma_start3A_411 = arith.constant 0 : i32
      %dma_start3A_412 = tpu.memref_slice %arg2[%dma_start3A_410, %dma_start3A_411] : memref<10000x128xf32, #tpu.memory_space<hbm>> -> memref<10000x128xf32, #tpu.memory_space<hbm>>
      tpu.enqueue_indirect_dma source(%dma_start3A_412 : memref<10000x128xf32, #tpu.memory_space<hbm>>) target(%dma_start3A_407 : memref<32x128xf32, #tpu.memory_space<vmem>>) offsets(%dma_start3A_409 : memref<32xi32, #tpu.memory_space<vmem>>) semaphore(%arg12 : memref<!tpu.dma_semaphore, #tpu.memory_space<semaphore_mem>>)
      %mul3A_413 = arith.constant 4 : i32
      %mul3A_414 = arith.muli %scan3A_116, %mul3A_413 : i32
      %add3A_415 = arith.constant 2 : i32
      %add3A_416 = arith.addi %mul3A_414, %add3A_415 : i32
      %jit3A_417 = arith.constant 4 : i32
      %div3A_418 = arith.divsi %add3A_416, %jit3A_417 : i32
      %sign3A_419 = arith.constant 0 : i32
      %sign3A_420 = arith.cmpi sgt, %add3A_416, %sign3A_419 : i32
      %sign3A_421 = arith.extui %sign3A_420 : i1 to i32
      %sign3A_422 = arith.constant 0 : i32
      %sign3A_423 = arith.cmpi slt, %add3A_416, %sign3A_422 : i32
      %sign3A_424 = arith.extui %sign3A_423 : i1 to i32
      %sign3A_425 = arith.subi %sign3A_421, %sign3A_424 : i32
      %sign3A_426 = arith.constant 0 : i32
      %sign3A_427 = arith.cmpi sgt, %jit3A_417, %sign3A_426 : i32
      %sign3A_428 = arith.extui %sign3A_427 : i1 to i32
      %sign3A_429 = arith.constant 0 : i32
      %sign3A_430 = arith.cmpi slt, %jit3A_417, %sign3A_429 : i32
      %sign3A_431 = arith.extui %sign3A_430 : i1 to i32
      %sign3A_432 = arith.subi %sign3A_428, %sign3A_431 : i32
      %ne3A_433 = arith.cmpi ne, %sign3A_425, %sign3A_432 : i32
      %rem3A_434 = arith.remsi %add3A_416, %jit3A_417 : i32
      %ne3A_435 = arith.constant 0 : i32
      %ne3A_436 = arith.cmpi ne, %rem3A_434, %ne3A_435 : i32
      %and3A_437 = arith.andi %ne3A_433, %ne3A_436 : i1
      %sub3A_438 = arith.constant 1 : i32
      %sub3A_439 = arith.subi %div3A_418, %sub3A_438 : i32
      %select_n3A_440 = arith.select %and3A_437, %sub3A_439, %div3A_418 : i32
      %jit3A_441 = arith.constant 4 : i32
      %eq3A_442 = arith.constant 0 : i32
      %eq3A_443 = arith.cmpi eq, %jit3A_441, %eq3A_442 : i32
      %jit3A_444 = arith.constant 1 : i32
      %select_n3A_445 = arith.select %eq3A_443, %jit3A_444, %jit3A_441 : i32
      %rem3A_446 = arith.remsi %add3A_416, %select_n3A_445 : i32
      %ne3A_447 = arith.constant 0 : i32
      %ne3A_448 = arith.cmpi ne, %rem3A_446, %ne3A_447 : i32
      %lt3A_449 = arith.constant 0 : i32
      %lt3A_450 = arith.cmpi slt, %rem3A_446, %lt3A_449 : i32
      %lt3A_451 = arith.constant 0 : i32
      %lt3A_452 = arith.cmpi slt, %select_n3A_445, %lt3A_451 : i32
      %ne3A_453 = arith.xori %lt3A_450, %lt3A_452 : i1
      %and3A_454 = arith.andi %ne3A_453, %ne3A_448 : i1
      %add3A_455 = arith.addi %rem3A_446, %select_n3A_445 : i32
      %select_n3A_456 = arith.select %and3A_454, %add3A_455, %rem3A_446 : i32
      %mul3A_457 = arith.constant 32 : i32
      %mul3A_458 = arith.muli %select_n3A_456, %mul3A_457 : i32
      %dma_wait3A_459 = arith.constant 2 : i32
      %dma_wait3A_460 = arith.constant 0 : i32
      %dma_wait3A_461 = arith.constant 0 : i32
      %dma_wait3A_462 = tpu.memref_slice %arg10[%dma_wait3A_459, %dma_wait3A_460, %dma_wait3A_461] : memref<4x32x128xf32, #tpu.memory_space<vmem>> -> memref<1x32x128xf32, #tpu.memory_space<vmem>>
      %dma_wait3A_463 = tpu.memref_squeeze %dma_wait3A_462 : memref<1x32x128xf32, #tpu.memory_space<vmem>> -> memref<32x128xf32, #tpu.memory_space<vmem>>
      %dma_wait3A_464 = tpu.memref_slice %arg8[%select_n3A_440, %mul3A_458] : memref<80x128xi32, #tpu.memory_space<vmem>> -> memref<1x32xi32, #tpu.memory_space<vmem>>
      %dma_wait3A_465 = tpu.memref_squeeze %dma_wait3A_464 : memref<1x32xi32, #tpu.memory_space<vmem>> -> memref<32xi32, #tpu.memory_space<vmem>>
      %dma_wait3A_466 = arith.constant 0 : i32
      %dma_wait3A_467 = arith.constant 0 : i32
      %dma_wait3A_468 = tpu.memref_slice %arg2[%dma_wait3A_466, %dma_wait3A_467] : memref<10000x128xf32, #tpu.memory_space<hbm>> -> memref<10000x128xf32, #tpu.memory_space<hbm>>
      tpu.wait_indirect_dma semaphore(%arg13 : memref<!tpu.dma_semaphore, #tpu.memory_space<semaphore_mem>>) src(%dma_wait3A_468 : memref<10000x128xf32, #tpu.memory_space<hbm>>) dst(%dma_wait3A_463 : memref<32x128xf32, #tpu.memory_space<vmem>>)
      %jit3A_469 = arith.constant 4 : i32
      %div3A_470 = arith.divsi %add3A_416, %jit3A_469 : i32
      %sign3A_471 = arith.constant 0 : i32
      %sign3A_472 = arith.cmpi sgt, %add3A_416, %sign3A_471 : i32
      %sign3A_473 = arith.extui %sign3A_472 : i1 to i32
      %sign3A_474 = arith.constant 0 : i32
      %sign3A_475 = arith.cmpi slt, %add3A_416, %sign3A_474 : i32
      %sign3A_476 = arith.extui %sign3A_475 : i1 to i32
      %sign3A_477 = arith.subi %sign3A_473, %sign3A_476 : i32
      %sign3A_478 = arith.constant 0 : i32
      %sign3A_479 = arith.cmpi sgt, %jit3A_469, %sign3A_478 : i32
      %sign3A_480 = arith.extui %sign3A_479 : i1 to i32
      %sign3A_481 = arith.constant 0 : i32
      %sign3A_482 = arith.cmpi slt, %jit3A_469, %sign3A_481 : i32
      %sign3A_483 = arith.extui %sign3A_482 : i1 to i32
      %sign3A_484 = arith.subi %sign3A_480, %sign3A_483 : i32
      %ne3A_485 = arith.cmpi ne, %sign3A_477, %sign3A_484 : i32
      %rem3A_486 = arith.remsi %add3A_416, %jit3A_469 : i32
      %ne3A_487 = arith.constant 0 : i32
      %ne3A_488 = arith.cmpi ne, %rem3A_486, %ne3A_487 : i32
      %and3A_489 = arith.andi %ne3A_485, %ne3A_488 : i1
      %sub3A_490 = arith.constant 1 : i32
      %sub3A_491 = arith.subi %div3A_470, %sub3A_490 : i32
      %select_n3A_492 = arith.select %and3A_489, %sub3A_491, %div3A_470 : i32
      %jit3A_493 = arith.constant 4 : i32
      %eq3A_494 = arith.constant 0 : i32
      %eq3A_495 = arith.cmpi eq, %jit3A_493, %eq3A_494 : i32
      %jit3A_496 = arith.constant 1 : i32
      %select_n3A_497 = arith.select %eq3A_495, %jit3A_496, %jit3A_493 : i32
      %rem3A_498 = arith.remsi %add3A_416, %select_n3A_497 : i32
      %ne3A_499 = arith.constant 0 : i32
      %ne3A_500 = arith.cmpi ne, %rem3A_498, %ne3A_499 : i32
      %lt3A_501 = arith.constant 0 : i32
      %lt3A_502 = arith.cmpi slt, %rem3A_498, %lt3A_501 : i32
      %lt3A_503 = arith.constant 0 : i32
      %lt3A_504 = arith.cmpi slt, %select_n3A_497, %lt3A_503 : i32
      %ne3A_505 = arith.xori %lt3A_502, %lt3A_504 : i1
      %and3A_506 = arith.andi %ne3A_505, %ne3A_500 : i1
      %add3A_507 = arith.addi %rem3A_498, %select_n3A_497 : i32
      %select_n3A_508 = arith.select %and3A_506, %add3A_507, %rem3A_498 : i32
      %mul3A_509 = arith.constant 32 : i32
      %mul3A_510 = arith.muli %select_n3A_508, %mul3A_509 : i32
      %run_scoped3A_511 = arith.constant 2 : i32
      "tpu.region"() ({
        %run_scoped3A_719 = tpu.sem_alloc : memref<!tpu.dma_semaphore, #tpu.memory_space<semaphore_mem>>
        %dma_start3A_720 = arith.constant 0 : i32
        %dma_start3A_721 = arith.constant 0 : i32
        %dma_start3A_722 = tpu.memref_slice %arg10[%run_scoped3A_511, %dma_start3A_720, %dma_start3A_721] : memref<4x32x128xf32, #tpu.memory_space<vmem>> -> memref<1x32x128xf32, #tpu.memory_space<vmem>>
        %dma_start3A_723 = tpu.memref_squeeze %dma_start3A_722 : memref<1x32x128xf32, #tpu.memory_space<vmem>> -> memref<32x128xf32, #tpu.memory_space<vmem>>
        %dma_start3A_724 = tpu.memref_slice %arg9[%select_n3A_492, %mul3A_510] : memref<80x128xi32, #tpu.memory_space<vmem>> -> memref<1x32xi32, #tpu.memory_space<vmem>>
        %dma_start3A_725 = tpu.memref_squeeze %dma_start3A_724 : memref<1x32xi32, #tpu.memory_space<vmem>> -> memref<32xi32, #tpu.memory_space<vmem>>
        %dma_start3A_726 = arith.constant 0 : i32
        %dma_start3A_727 = arith.constant 0 : i32
        %dma_start3A_728 = tpu.memref_slice %arg7[%dma_start3A_726, %dma_start3A_727] : memref<10112x128xf32, #tpu.memory_space<vmem_shared>> -> memref<10112x128xf32, #tpu.memory_space<vmem_shared>>
        tpu.enqueue_indirect_dma source(%dma_start3A_723 : memref<32x128xf32, #tpu.memory_space<vmem>>) target(%dma_start3A_728 : memref<10112x128xf32, #tpu.memory_space<vmem_shared>>) offsets(%dma_start3A_725 : memref<32xi32, #tpu.memory_space<vmem>>) semaphore(%run_scoped3A_719 : memref<!tpu.dma_semaphore, #tpu.memory_space<semaphore_mem>>) {add = true}
        %dma_wait3A_729 = arith.constant 0 : i32
        %dma_wait3A_730 = arith.constant 0 : i32
        %dma_wait3A_731 = tpu.memref_slice %arg10[%run_scoped3A_511, %dma_wait3A_729, %dma_wait3A_730] : memref<4x32x128xf32, #tpu.memory_space<vmem>> -> memref<1x32x128xf32, #tpu.memory_space<vmem>>
        %dma_wait3A_732 = tpu.memref_squeeze %dma_wait3A_731 : memref<1x32x128xf32, #tpu.memory_space<vmem>> -> memref<32x128xf32, #tpu.memory_space<vmem>>
        %dma_wait3A_733 = tpu.memref_slice %arg9[%select_n3A_492, %mul3A_510] : memref<80x128xi32, #tpu.memory_space<vmem>> -> memref<1x32xi32, #tpu.memory_space<vmem>>
        %dma_wait3A_734 = tpu.memref_squeeze %dma_wait3A_733 : memref<1x32xi32, #tpu.memory_space<vmem>> -> memref<32xi32, #tpu.memory_space<vmem>>
        %dma_wait3A_735 = arith.constant 0 : i32
        %dma_wait3A_736 = arith.constant 0 : i32
        %dma_wait3A_737 = tpu.memref_slice %arg7[%dma_wait3A_735, %dma_wait3A_736] : memref<10112x128xf32, #tpu.memory_space<vmem_shared>> -> memref<10112x128xf32, #tpu.memory_space<vmem_shared>>
        tpu.wait_indirect_dma semaphore(%run_scoped3A_719 : memref<!tpu.dma_semaphore, #tpu.memory_space<semaphore_mem>>) src(%dma_wait3A_732 : memref<32x128xf32, #tpu.memory_space<vmem>>) dst(%dma_wait3A_737 : memref<10112x128xf32, #tpu.memory_space<vmem_shared>>)
        tpu.yield
      }) : () -> ()
      %add3A_512 = arith.constant 4 : i32
      %add3A_513 = arith.addi %add3A_416, %add3A_512 : i32
      %jit3A_514 = arith.constant 4 : i32
      %div3A_515 = arith.divsi %add3A_513, %jit3A_514 : i32
      %sign3A_516 = arith.constant 0 : i32
      %sign3A_517 = arith.cmpi sgt, %add3A_513, %sign3A_516 : i32
      %sign3A_518 = arith.extui %sign3A_517 : i1 to i32
      %sign3A_519 = arith.constant 0 : i32
      %sign3A_520 = arith.cmpi slt, %add3A_513, %sign3A_519 : i32
      %sign3A_521 = arith.extui %sign3A_520 : i1 to i32
      %sign3A_522 = arith.subi %sign3A_518, %sign3A_521 : i32
      %sign3A_523 = arith.constant 0 : i32
      %sign3A_524 = arith.cmpi sgt, %jit3A_514, %sign3A_523 : i32
      %sign3A_525 = arith.extui %sign3A_524 : i1 to i32
      %sign3A_526 = arith.constant 0 : i32
      %sign3A_527 = arith.cmpi slt, %jit3A_514, %sign3A_526 : i32
      %sign3A_528 = arith.extui %sign3A_527 : i1 to i32
      %sign3A_529 = arith.subi %sign3A_525, %sign3A_528 : i32
      %ne3A_530 = arith.cmpi ne, %sign3A_522, %sign3A_529 : i32
      %rem3A_531 = arith.remsi %add3A_513, %jit3A_514 : i32
      %ne3A_532 = arith.constant 0 : i32
      %ne3A_533 = arith.cmpi ne, %rem3A_531, %ne3A_532 : i32
      %and3A_534 = arith.andi %ne3A_530, %ne3A_533 : i1
      %sub3A_535 = arith.constant 1 : i32
      %sub3A_536 = arith.subi %div3A_515, %sub3A_535 : i32
      %select_n3A_537 = arith.select %and3A_534, %sub3A_536, %div3A_515 : i32
      %jit3A_538 = arith.constant 4 : i32
      %eq3A_539 = arith.constant 0 : i32
      %eq3A_540 = arith.cmpi eq, %jit3A_538, %eq3A_539 : i32
      %jit3A_541 = arith.constant 1 : i32
      %select_n3A_542 = arith.select %eq3A_540, %jit3A_541, %jit3A_538 : i32
      %rem3A_543 = arith.remsi %add3A_513, %select_n3A_542 : i32
      %ne3A_544 = arith.constant 0 : i32
      %ne3A_545 = arith.cmpi ne, %rem3A_543, %ne3A_544 : i32
      %lt3A_546 = arith.constant 0 : i32
      %lt3A_547 = arith.cmpi slt, %rem3A_543, %lt3A_546 : i32
      %lt3A_548 = arith.constant 0 : i32
      %lt3A_549 = arith.cmpi slt, %select_n3A_542, %lt3A_548 : i32
      %ne3A_550 = arith.xori %lt3A_547, %lt3A_549 : i1
      %and3A_551 = arith.andi %ne3A_550, %ne3A_545 : i1
      %add3A_552 = arith.addi %rem3A_543, %select_n3A_542 : i32
      %select_n3A_553 = arith.select %and3A_551, %add3A_552, %rem3A_543 : i32
      %mul3A_554 = arith.constant 32 : i32
      %mul3A_555 = arith.muli %select_n3A_553, %mul3A_554 : i32
      %dma_start3A_556 = arith.constant 2 : i32
      %dma_start3A_557 = arith.constant 0 : i32
      %dma_start3A_558 = arith.constant 0 : i32
      %dma_start3A_559 = tpu.memref_slice %arg10[%dma_start3A_556, %dma_start3A_557, %dma_start3A_558] : memref<4x32x128xf32, #tpu.memory_space<vmem>> -> memref<1x32x128xf32, #tpu.memory_space<vmem>>
      %dma_start3A_560 = tpu.memref_squeeze %dma_start3A_559 : memref<1x32x128xf32, #tpu.memory_space<vmem>> -> memref<32x128xf32, #tpu.memory_space<vmem>>
      %dma_start3A_561 = tpu.memref_slice %arg8[%select_n3A_537, %mul3A_555] : memref<80x128xi32, #tpu.memory_space<vmem>> -> memref<1x32xi32, #tpu.memory_space<vmem>>
      %dma_start3A_562 = tpu.memref_squeeze %dma_start3A_561 : memref<1x32xi32, #tpu.memory_space<vmem>> -> memref<32xi32, #tpu.memory_space<vmem>>
      %dma_start3A_563 = arith.constant 0 : i32
      %dma_start3A_564 = arith.constant 0 : i32
      %dma_start3A_565 = tpu.memref_slice %arg2[%dma_start3A_563, %dma_start3A_564] : memref<10000x128xf32, #tpu.memory_space<hbm>> -> memref<10000x128xf32, #tpu.memory_space<hbm>>
      tpu.enqueue_indirect_dma source(%dma_start3A_565 : memref<10000x128xf32, #tpu.memory_space<hbm>>) target(%dma_start3A_560 : memref<32x128xf32, #tpu.memory_space<vmem>>) offsets(%dma_start3A_562 : memref<32xi32, #tpu.memory_space<vmem>>) semaphore(%arg13 : memref<!tpu.dma_semaphore, #tpu.memory_space<semaphore_mem>>)
      %mul3A_566 = arith.constant 4 : i32
      %mul3A_567 = arith.muli %scan3A_116, %mul3A_566 : i32
      %add3A_568 = arith.constant 3 : i32
      %add3A_569 = arith.addi %mul3A_567, %add3A_568 : i32
      %jit3A_570 = arith.constant 4 : i32
      %div3A_571 = arith.divsi %add3A_569, %jit3A_570 : i32
      %sign3A_572 = arith.constant 0 : i32
      %sign3A_573 = arith.cmpi sgt, %add3A_569, %sign3A_572 : i32
      %sign3A_574 = arith.extui %sign3A_573 : i1 to i32
      %sign3A_575 = arith.constant 0 : i32
      %sign3A_576 = arith.cmpi slt, %add3A_569, %sign3A_575 : i32
      %sign3A_577 = arith.extui %sign3A_576 : i1 to i32
      %sign3A_578 = arith.subi %sign3A_574, %sign3A_577 : i32
      %sign3A_579 = arith.constant 0 : i32
      %sign3A_580 = arith.cmpi sgt, %jit3A_570, %sign3A_579 : i32
      %sign3A_581 = arith.extui %sign3A_580 : i1 to i32
      %sign3A_582 = arith.constant 0 : i32
      %sign3A_583 = arith.cmpi slt, %jit3A_570, %sign3A_582 : i32
      %sign3A_584 = arith.extui %sign3A_583 : i1 to i32
      %sign3A_585 = arith.subi %sign3A_581, %sign3A_584 : i32
      %ne3A_586 = arith.cmpi ne, %sign3A_578, %sign3A_585 : i32
      %rem3A_587 = arith.remsi %add3A_569, %jit3A_570 : i32
      %ne3A_588 = arith.constant 0 : i32
      %ne3A_589 = arith.cmpi ne, %rem3A_587, %ne3A_588 : i32
      %and3A_590 = arith.andi %ne3A_586, %ne3A_589 : i1
      %sub3A_591 = arith.constant 1 : i32
      %sub3A_592 = arith.subi %div3A_571, %sub3A_591 : i32
      %select_n3A_593 = arith.select %and3A_590, %sub3A_592, %div3A_571 : i32
      %jit3A_594 = arith.constant 4 : i32
      %eq3A_595 = arith.constant 0 : i32
      %eq3A_596 = arith.cmpi eq, %jit3A_594, %eq3A_595 : i32
      %jit3A_597 = arith.constant 1 : i32
      %select_n3A_598 = arith.select %eq3A_596, %jit3A_597, %jit3A_594 : i32
      %rem3A_599 = arith.remsi %add3A_569, %select_n3A_598 : i32
      %ne3A_600 = arith.constant 0 : i32
      %ne3A_601 = arith.cmpi ne, %rem3A_599, %ne3A_600 : i32
      %lt3A_602 = arith.constant 0 : i32
      %lt3A_603 = arith.cmpi slt, %rem3A_599, %lt3A_602 : i32
      %lt3A_604 = arith.constant 0 : i32
      %lt3A_605 = arith.cmpi slt, %select_n3A_598, %lt3A_604 : i32
      %ne3A_606 = arith.xori %lt3A_603, %lt3A_605 : i1
      %and3A_607 = arith.andi %ne3A_606, %ne3A_601 : i1
      %add3A_608 = arith.addi %rem3A_599, %select_n3A_598 : i32
      %select_n3A_609 = arith.select %and3A_607, %add3A_608, %rem3A_599 : i32
      %mul3A_610 = arith.constant 32 : i32
      %mul3A_611 = arith.muli %select_n3A_609, %mul3A_610 : i32
      %dma_wait3A_612 = arith.constant 3 : i32
      %dma_wait3A_613 = arith.constant 0 : i32
      %dma_wait3A_614 = arith.constant 0 : i32
      %dma_wait3A_615 = tpu.memref_slice %arg10[%dma_wait3A_612, %dma_wait3A_613, %dma_wait3A_614] : memref<4x32x128xf32, #tpu.memory_space<vmem>> -> memref<1x32x128xf32, #tpu.memory_space<vmem>>
      %dma_wait3A_616 = tpu.memref_squeeze %dma_wait3A_615 : memref<1x32x128xf32, #tpu.memory_space<vmem>> -> memref<32x128xf32, #tpu.memory_space<vmem>>
      %dma_wait3A_617 = tpu.memref_slice %arg8[%select_n3A_593, %mul3A_611] : memref<80x128xi32, #tpu.memory_space<vmem>> -> memref<1x32xi32, #tpu.memory_space<vmem>>
      %dma_wait3A_618 = tpu.memref_squeeze %dma_wait3A_617 : memref<1x32xi32, #tpu.memory_space<vmem>> -> memref<32xi32, #tpu.memory_space<vmem>>
      %dma_wait3A_619 = arith.constant 0 : i32
      %dma_wait3A_620 = arith.constant 0 : i32
      %dma_wait3A_621 = tpu.memref_slice %arg2[%dma_wait3A_619, %dma_wait3A_620] : memref<10000x128xf32, #tpu.memory_space<hbm>> -> memref<10000x128xf32, #tpu.memory_space<hbm>>
      tpu.wait_indirect_dma semaphore(%arg14 : memref<!tpu.dma_semaphore, #tpu.memory_space<semaphore_mem>>) src(%dma_wait3A_621 : memref<10000x128xf32, #tpu.memory_space<hbm>>) dst(%dma_wait3A_616 : memref<32x128xf32, #tpu.memory_space<vmem>>)
      %jit3A_622 = arith.constant 4 : i32
      %div3A_623 = arith.divsi %add3A_569, %jit3A_622 : i32
      %sign3A_624 = arith.constant 0 : i32
      %sign3A_625 = arith.cmpi sgt, %add3A_569, %sign3A_624 : i32
      %sign3A_626 = arith.extui %sign3A_625 : i1 to i32
      %sign3A_627 = arith.constant 0 : i32
      %sign3A_628 = arith.cmpi slt, %add3A_569, %sign3A_627 : i32
      %sign3A_629 = arith.extui %sign3A_628 : i1 to i32
      %sign3A_630 = arith.subi %sign3A_626, %sign3A_629 : i32
      %sign3A_631 = arith.constant 0 : i32
      %sign3A_632 = arith.cmpi sgt, %jit3A_622, %sign3A_631 : i32
      %sign3A_633 = arith.extui %sign3A_632 : i1 to i32
      %sign3A_634 = arith.constant 0 : i32
      %sign3A_635 = arith.cmpi slt, %jit3A_622, %sign3A_634 : i32
      %sign3A_636 = arith.extui %sign3A_635 : i1 to i32
      %sign3A_637 = arith.subi %sign3A_633, %sign3A_636 : i32
      %ne3A_638 = arith.cmpi ne, %sign3A_630, %sign3A_637 : i32
      %rem3A_639 = arith.remsi %add3A_569, %jit3A_622 : i32
      %ne3A_640 = arith.constant 0 : i32
      %ne3A_641 = arith.cmpi ne, %rem3A_639, %ne3A_640 : i32
      %and3A_642 = arith.andi %ne3A_638, %ne3A_641 : i1
      %sub3A_643 = arith.constant 1 : i32
      %sub3A_644 = arith.subi %div3A_623, %sub3A_643 : i32
      %select_n3A_645 = arith.select %and3A_642, %sub3A_644, %div3A_623 : i32
      %jit3A_646 = arith.constant 4 : i32
      %eq3A_647 = arith.constant 0 : i32
      %eq3A_648 = arith.cmpi eq, %jit3A_646, %eq3A_647 : i32
      %jit3A_649 = arith.constant 1 : i32
      %select_n3A_650 = arith.select %eq3A_648, %jit3A_649, %jit3A_646 : i32
      %rem3A_651 = arith.remsi %add3A_569, %select_n3A_650 : i32
      %ne3A_652 = arith.constant 0 : i32
      %ne3A_653 = arith.cmpi ne, %rem3A_651, %ne3A_652 : i32
      %lt3A_654 = arith.constant 0 : i32
      %lt3A_655 = arith.cmpi slt, %rem3A_651, %lt3A_654 : i32
      %lt3A_656 = arith.constant 0 : i32
      %lt3A_657 = arith.cmpi slt, %select_n3A_650, %lt3A_656 : i32
      %ne3A_658 = arith.xori %lt3A_655, %lt3A_657 : i1
      %and3A_659 = arith.andi %ne3A_658, %ne3A_653 : i1
      %add3A_660 = arith.addi %rem3A_651, %select_n3A_650 : i32
      %select_n3A_661 = arith.select %and3A_659, %add3A_660, %rem3A_651 : i32
      %mul3A_662 = arith.constant 32 : i32
      %mul3A_663 = arith.muli %select_n3A_661, %mul3A_662 : i32
      %run_scoped3A_664 = arith.constant 3 : i32
      "tpu.region"() ({
        %run_scoped3A_719 = tpu.sem_alloc : memref<!tpu.dma_semaphore, #tpu.memory_space<semaphore_mem>>
        %dma_start3A_720 = arith.constant 0 : i32
        %dma_start3A_721 = arith.constant 0 : i32
        %dma_start3A_722 = tpu.memref_slice %arg10[%run_scoped3A_664, %dma_start3A_720, %dma_start3A_721] : memref<4x32x128xf32, #tpu.memory_space<vmem>> -> memref<1x32x128xf32, #tpu.memory_space<vmem>>
        %dma_start3A_723 = tpu.memref_squeeze %dma_start3A_722 : memref<1x32x128xf32, #tpu.memory_space<vmem>> -> memref<32x128xf32, #tpu.memory_space<vmem>>
        %dma_start3A_724 = tpu.memref_slice %arg9[%select_n3A_645, %mul3A_663] : memref<80x128xi32, #tpu.memory_space<vmem>> -> memref<1x32xi32, #tpu.memory_space<vmem>>
        %dma_start3A_725 = tpu.memref_squeeze %dma_start3A_724 : memref<1x32xi32, #tpu.memory_space<vmem>> -> memref<32xi32, #tpu.memory_space<vmem>>
        %dma_start3A_726 = arith.constant 0 : i32
        %dma_start3A_727 = arith.constant 0 : i32
        %dma_start3A_728 = tpu.memref_slice %arg7[%dma_start3A_726, %dma_start3A_727] : memref<10112x128xf32, #tpu.memory_space<vmem_shared>> -> memref<10112x128xf32, #tpu.memory_space<vmem_shared>>
        tpu.enqueue_indirect_dma source(%dma_start3A_723 : memref<32x128xf32, #tpu.memory_space<vmem>>) target(%dma_start3A_728 : memref<10112x128xf32, #tpu.memory_space<vmem_shared>>) offsets(%dma_start3A_725 : memref<32xi32, #tpu.memory_space<vmem>>) semaphore(%run_scoped3A_719 : memref<!tpu.dma_semaphore, #tpu.memory_space<semaphore_mem>>) {add = true}
        %dma_wait3A_729 = arith.constant 0 : i32
        %dma_wait3A_730 = arith.constant 0 : i32
        %dma_wait3A_731 = tpu.memref_slice %arg10[%run_scoped3A_664, %dma_wait3A_729, %dma_wait3A_730] : memref<4x32x128xf32, #tpu.memory_space<vmem>> -> memref<1x32x128xf32, #tpu.memory_space<vmem>>
        %dma_wait3A_732 = tpu.memref_squeeze %dma_wait3A_731 : memref<1x32x128xf32, #tpu.memory_space<vmem>> -> memref<32x128xf32, #tpu.memory_space<vmem>>
        %dma_wait3A_733 = tpu.memref_slice %arg9[%select_n3A_645, %mul3A_663] : memref<80x128xi32, #tpu.memory_space<vmem>> -> memref<1x32xi32, #tpu.memory_space<vmem>>
        %dma_wait3A_734 = tpu.memref_squeeze %dma_wait3A_733 : memref<1x32xi32, #tpu.memory_space<vmem>> -> memref<32xi32, #tpu.memory_space<vmem>>
        %dma_wait3A_735 = arith.constant 0 : i32
        %dma_wait3A_736 = arith.constant 0 : i32
        %dma_wait3A_737 = tpu.memref_slice %arg7[%dma_wait3A_735, %dma_wait3A_736] : memref<10112x128xf32, #tpu.memory_space<vmem_shared>> -> memref<10112x128xf32, #tpu.memory_space<vmem_shared>>
        tpu.wait_indirect_dma semaphore(%run_scoped3A_719 : memref<!tpu.dma_semaphore, #tpu.memory_space<semaphore_mem>>) src(%dma_wait3A_732 : memref<32x128xf32, #tpu.memory_space<vmem>>) dst(%dma_wait3A_737 : memref<10112x128xf32, #tpu.memory_space<vmem_shared>>)
        tpu.yield
      }) : () -> ()
      %add3A_665 = arith.constant 4 : i32
      %add3A_666 = arith.addi %add3A_569, %add3A_665 : i32
      %jit3A_667 = arith.constant 4 : i32
      %div3A_668 = arith.divsi %add3A_666, %jit3A_667 : i32
      %sign3A_669 = arith.constant 0 : i32
      %sign3A_670 = arith.cmpi sgt, %add3A_666, %sign3A_669 : i32
      %sign3A_671 = arith.extui %sign3A_670 : i1 to i32
      %sign3A_672 = arith.constant 0 : i32
      %sign3A_673 = arith.cmpi slt, %add3A_666, %sign3A_672 : i32
      %sign3A_674 = arith.extui %sign3A_673 : i1 to i32
      %sign3A_675 = arith.subi %sign3A_671, %sign3A_674 : i32
      %sign3A_676 = arith.constant 0 : i32
      %sign3A_677 = arith.cmpi sgt, %jit3A_667, %sign3A_676 : i32
      %sign3A_678 = arith.extui %sign3A_677 : i1 to i32
      %sign3A_679 = arith.constant 0 : i32
      %sign3A_680 = arith.cmpi slt, %jit3A_667, %sign3A_679 : i32
      %sign3A_681 = arith.extui %sign3A_680 : i1 to i32
      %sign3A_682 = arith.subi %sign3A_678, %sign3A_681 : i32
      %ne3A_683 = arith.cmpi ne, %sign3A_675, %sign3A_682 : i32
      %rem3A_684 = arith.remsi %add3A_666, %jit3A_667 : i32
      %ne3A_685 = arith.constant 0 : i32
      %ne3A_686 = arith.cmpi ne, %rem3A_684, %ne3A_685 : i32
      %and3A_687 = arith.andi %ne3A_683, %ne3A_686 : i1
      %sub3A_688 = arith.constant 1 : i32
      %sub3A_689 = arith.subi %div3A_668, %sub3A_688 : i32
      %select_n3A_690 = arith.select %and3A_687, %sub3A_689, %div3A_668 : i32
      %jit3A_691 = arith.constant 4 : i32
      %eq3A_692 = arith.constant 0 : i32
      %eq3A_693 = arith.cmpi eq, %jit3A_691, %eq3A_692 : i32
      %jit3A_694 = arith.constant 1 : i32
      %select_n3A_695 = arith.select %eq3A_693, %jit3A_694, %jit3A_691 : i32
      %rem3A_696 = arith.remsi %add3A_666, %select_n3A_695 : i32
      %ne3A_697 = arith.constant 0 : i32
      %ne3A_698 = arith.cmpi ne, %rem3A_696, %ne3A_697 : i32
      %lt3A_699 = arith.constant 0 : i32
      %lt3A_700 = arith.cmpi slt, %rem3A_696, %lt3A_699 : i32
      %lt3A_701 = arith.constant 0 : i32
      %lt3A_702 = arith.cmpi slt, %select_n3A_695, %lt3A_701 : i32
      %ne3A_703 = arith.xori %lt3A_700, %lt3A_702 : i1
      %and3A_704 = arith.andi %ne3A_703, %ne3A_698 : i1
      %add3A_705 = arith.addi %rem3A_696, %select_n3A_695 : i32
      %select_n3A_706 = arith.select %and3A_704, %add3A_705, %rem3A_696 : i32
      %mul3A_707 = arith.constant 32 : i32
      %mul3A_708 = arith.muli %select_n3A_706, %mul3A_707 : i32
      %dma_start3A_709 = arith.constant 3 : i32
      %dma_start3A_710 = arith.constant 0 : i32
      %dma_start3A_711 = arith.constant 0 : i32
      %dma_start3A_712 = tpu.memref_slice %arg10[%dma_start3A_709, %dma_start3A_710, %dma_start3A_711] : memref<4x32x128xf32, #tpu.memory_space<vmem>> -> memref<1x32x128xf32, #tpu.memory_space<vmem>>
      %dma_start3A_713 = tpu.memref_squeeze %dma_start3A_712 : memref<1x32x128xf32, #tpu.memory_space<vmem>> -> memref<32x128xf32, #tpu.memory_space<vmem>>
      %dma_start3A_714 = tpu.memref_slice %arg8[%select_n3A_690, %mul3A_708] : memref<80x128xi32, #tpu.memory_space<vmem>> -> memref<1x32xi32, #tpu.memory_space<vmem>>
      %dma_start3A_715 = tpu.memref_squeeze %dma_start3A_714 : memref<1x32xi32, #tpu.memory_space<vmem>> -> memref<32xi32, #tpu.memory_space<vmem>>
      %dma_start3A_716 = arith.constant 0 : i32
      %dma_start3A_717 = arith.constant 0 : i32
      %dma_start3A_718 = tpu.memref_slice %arg2[%dma_start3A_716, %dma_start3A_717] : memref<10000x128xf32, #tpu.memory_space<hbm>> -> memref<10000x128xf32, #tpu.memory_space<hbm>>
      tpu.enqueue_indirect_dma source(%dma_start3A_718 : memref<10000x128xf32, #tpu.memory_space<hbm>>) target(%dma_start3A_713 : memref<32x128xf32, #tpu.memory_space<vmem>>) offsets(%dma_start3A_715 : memref<32xi32, #tpu.memory_space<vmem>>) semaphore(%arg14 : memref<!tpu.dma_semaphore, #tpu.memory_space<semaphore_mem>>)
    }
    %scan3A_56 = arith.constant 79 : i32
    %dma_wait3A = arith.constant 79 : i32
    %dma_wait3A_57 = arith.constant 0 : i32
    %dma_wait3A_58 = arith.constant 0 : i32
    %dma_wait3A_59 = arith.constant 0 : i32
    %dma_wait3A_60 = tpu.memref_slice %arg10[%dma_wait3A_57, %dma_wait3A_58, %dma_wait3A_59] : memref<4x32x128xf32, #tpu.memory_space<vmem>> -> memref<1x32x128xf32, #tpu.memory_space<vmem>>
    %dma_wait3A_61 = tpu.memref_squeeze %dma_wait3A_60 : memref<1x32x128xf32, #tpu.memory_space<vmem>> -> memref<32x128xf32, #tpu.memory_space<vmem>>
    %dma_wait3A_62 = arith.constant 0 : i32
    %dma_wait3A_63 = tpu.memref_slice %arg8[%dma_wait3A, %dma_wait3A_62] : memref<80x128xi32, #tpu.memory_space<vmem>> -> memref<1x32xi32, #tpu.memory_space<vmem>>
    %dma_wait3A_64 = tpu.memref_squeeze %dma_wait3A_63 : memref<1x32xi32, #tpu.memory_space<vmem>> -> memref<32xi32, #tpu.memory_space<vmem>>
    %dma_wait3A_65 = arith.constant 0 : i32
    %dma_wait3A_66 = arith.constant 0 : i32
    %dma_wait3A_67 = tpu.memref_slice %arg2[%dma_wait3A_65, %dma_wait3A_66] : memref<10000x128xf32, #tpu.memory_space<hbm>> -> memref<10000x128xf32, #tpu.memory_space<hbm>>
    tpu.wait_indirect_dma semaphore(%arg11 : memref<!tpu.dma_semaphore, #tpu.memory_space<semaphore_mem>>) src(%dma_wait3A_67 : memref<10000x128xf32, #tpu.memory_space<hbm>>) dst(%dma_wait3A_61 : memref<32x128xf32, #tpu.memory_space<vmem>>)
    %run_scoped3A = arith.constant 0 : i32
    %run_scoped3A_68 = arith.constant 79 : i32
    "tpu.region"() ({
      %run_scoped3A_116 = tpu.sem_alloc : memref<!tpu.dma_semaphore, #tpu.memory_space<semaphore_mem>>
      %dma_start3A_117 = arith.constant 0 : i32
      %dma_start3A_118 = arith.constant 0 : i32
      %dma_start3A_119 = tpu.memref_slice %arg10[%run_scoped3A, %dma_start3A_117, %dma_start3A_118] : memref<4x32x128xf32, #tpu.memory_space<vmem>> -> memref<1x32x128xf32, #tpu.memory_space<vmem>>
      %dma_start3A_120 = tpu.memref_squeeze %dma_start3A_119 : memref<1x32x128xf32, #tpu.memory_space<vmem>> -> memref<32x128xf32, #tpu.memory_space<vmem>>
      %dma_start3A_121 = arith.constant 0 : i32
      %dma_start3A_122 = tpu.memref_slice %arg9[%run_scoped3A_68, %dma_start3A_121] : memref<80x128xi32, #tpu.memory_space<vmem>> -> memref<1x32xi32, #tpu.memory_space<vmem>>
      %dma_start3A_123 = tpu.memref_squeeze %dma_start3A_122 : memref<1x32xi32, #tpu.memory_space<vmem>> -> memref<32xi32, #tpu.memory_space<vmem>>
      %dma_start3A_124 = arith.constant 0 : i32
      %dma_start3A_125 = arith.constant 0 : i32
      %dma_start3A_126 = tpu.memref_slice %arg7[%dma_start3A_124, %dma_start3A_125] : memref<10112x128xf32, #tpu.memory_space<vmem_shared>> -> memref<10112x128xf32, #tpu.memory_space<vmem_shared>>
      tpu.enqueue_indirect_dma source(%dma_start3A_120 : memref<32x128xf32, #tpu.memory_space<vmem>>) target(%dma_start3A_126 : memref<10112x128xf32, #tpu.memory_space<vmem_shared>>) offsets(%dma_start3A_123 : memref<32xi32, #tpu.memory_space<vmem>>) semaphore(%run_scoped3A_116 : memref<!tpu.dma_semaphore, #tpu.memory_space<semaphore_mem>>) {add = true}
      %dma_wait3A_127 = arith.constant 0 : i32
      %dma_wait3A_128 = arith.constant 0 : i32
      %dma_wait3A_129 = tpu.memref_slice %arg10[%run_scoped3A, %dma_wait3A_127, %dma_wait3A_128] : memref<4x32x128xf32, #tpu.memory_space<vmem>> -> memref<1x32x128xf32, #tpu.memory_space<vmem>>
      %dma_wait3A_130 = tpu.memref_squeeze %dma_wait3A_129 : memref<1x32x128xf32, #tpu.memory_space<vmem>> -> memref<32x128xf32, #tpu.memory_space<vmem>>
      %dma_wait3A_131 = arith.constant 0 : i32
      %dma_wait3A_132 = tpu.memref_slice %arg9[%run_scoped3A_68, %dma_wait3A_131] : memref<80x128xi32, #tpu.memory_space<vmem>> -> memref<1x32xi32, #tpu.memory_space<vmem>>
      %dma_wait3A_133 = tpu.memref_squeeze %dma_wait3A_132 : memref<1x32xi32, #tpu.memory_space<vmem>> -> memref<32xi32, #tpu.memory_space<vmem>>
      %dma_wait3A_134 = arith.constant 0 : i32
      %dma_wait3A_135 = arith.constant 0 : i32
      %dma_wait3A_136 = tpu.memref_slice %arg7[%dma_wait3A_134, %dma_wait3A_135] : memref<10112x128xf32, #tpu.memory_space<vmem_shared>> -> memref<10112x128xf32, #tpu.memory_space<vmem_shared>>
      tpu.wait_indirect_dma semaphore(%run_scoped3A_116 : memref<!tpu.dma_semaphore, #tpu.memory_space<semaphore_mem>>) src(%dma_wait3A_130 : memref<32x128xf32, #tpu.memory_space<vmem>>) dst(%dma_wait3A_136 : memref<10112x128xf32, #tpu.memory_space<vmem_shared>>)
      tpu.yield
    }) : () -> ()
    %dma_wait3A_69 = arith.constant 79 : i32
    %dma_wait3A_70 = arith.constant 1 : i32
    %dma_wait3A_71 = arith.constant 0 : i32
    %dma_wait3A_72 = arith.constant 0 : i32
    %dma_wait3A_73 = tpu.memref_slice %arg10[%dma_wait3A_70, %dma_wait3A_71, %dma_wait3A_72] : memref<4x32x128xf32, #tpu.memory_space<vmem>> -> memref<1x32x128xf32, #tpu.memory_space<vmem>>
    %dma_wait3A_74 = tpu.memref_squeeze %dma_wait3A_73 : memref<1x32x128xf32, #tpu.memory_space<vmem>> -> memref<32x128xf32, #tpu.memory_space<vmem>>
    %dma_wait3A_75 = arith.constant 32 : i32
    %dma_wait3A_76 = tpu.memref_slice %arg8[%dma_wait3A_69, %dma_wait3A_75] : memref<80x128xi32, #tpu.memory_space<vmem>> -> memref<1x32xi32, #tpu.memory_space<vmem>>
    %dma_wait3A_77 = tpu.memref_squeeze %dma_wait3A_76 : memref<1x32xi32, #tpu.memory_space<vmem>> -> memref<32xi32, #tpu.memory_space<vmem>>
    %dma_wait3A_78 = arith.constant 0 : i32
    %dma_wait3A_79 = arith.constant 0 : i32
    %dma_wait3A_80 = tpu.memref_slice %arg2[%dma_wait3A_78, %dma_wait3A_79] : memref<10000x128xf32, #tpu.memory_space<hbm>> -> memref<10000x128xf32, #tpu.memory_space<hbm>>
    tpu.wait_indirect_dma semaphore(%arg12 : memref<!tpu.dma_semaphore, #tpu.memory_space<semaphore_mem>>) src(%dma_wait3A_80 : memref<10000x128xf32, #tpu.memory_space<hbm>>) dst(%dma_wait3A_74 : memref<32x128xf32, #tpu.memory_space<vmem>>)
    %run_scoped3A_81 = arith.constant 1 : i32
    %run_scoped3A_82 = arith.constant 79 : i32
    "tpu.region"() ({
      %run_scoped3A_116 = tpu.sem_alloc : memref<!tpu.dma_semaphore, #tpu.memory_space<semaphore_mem>>
      %dma_start3A_117 = arith.constant 0 : i32
      %dma_start3A_118 = arith.constant 0 : i32
      %dma_start3A_119 = tpu.memref_slice %arg10[%run_scoped3A_81, %dma_start3A_117, %dma_start3A_118] : memref<4x32x128xf32, #tpu.memory_space<vmem>> -> memref<1x32x128xf32, #tpu.memory_space<vmem>>
      %dma_start3A_120 = tpu.memref_squeeze %dma_start3A_119 : memref<1x32x128xf32, #tpu.memory_space<vmem>> -> memref<32x128xf32, #tpu.memory_space<vmem>>
      %dma_start3A_121 = arith.constant 32 : i32
      %dma_start3A_122 = tpu.memref_slice %arg9[%run_scoped3A_82, %dma_start3A_121] : memref<80x128xi32, #tpu.memory_space<vmem>> -> memref<1x32xi32, #tpu.memory_space<vmem>>
      %dma_start3A_123 = tpu.memref_squeeze %dma_start3A_122 : memref<1x32xi32, #tpu.memory_space<vmem>> -> memref<32xi32, #tpu.memory_space<vmem>>
      %dma_start3A_124 = arith.constant 0 : i32
      %dma_start3A_125 = arith.constant 0 : i32
      %dma_start3A_126 = tpu.memref_slice %arg7[%dma_start3A_124, %dma_start3A_125] : memref<10112x128xf32, #tpu.memory_space<vmem_shared>> -> memref<10112x128xf32, #tpu.memory_space<vmem_shared>>
      tpu.enqueue_indirect_dma source(%dma_start3A_120 : memref<32x128xf32, #tpu.memory_space<vmem>>) target(%dma_start3A_126 : memref<10112x128xf32, #tpu.memory_space<vmem_shared>>) offsets(%dma_start3A_123 : memref<32xi32, #tpu.memory_space<vmem>>) semaphore(%run_scoped3A_116 : memref<!tpu.dma_semaphore, #tpu.memory_space<semaphore_mem>>) {add = true}
      %dma_wait3A_127 = arith.constant 0 : i32
      %dma_wait3A_128 = arith.constant 0 : i32
      %dma_wait3A_129 = tpu.memref_slice %arg10[%run_scoped3A_81, %dma_wait3A_127, %dma_wait3A_128] : memref<4x32x128xf32, #tpu.memory_space<vmem>> -> memref<1x32x128xf32, #tpu.memory_space<vmem>>
      %dma_wait3A_130 = tpu.memref_squeeze %dma_wait3A_129 : memref<1x32x128xf32, #tpu.memory_space<vmem>> -> memref<32x128xf32, #tpu.memory_space<vmem>>
      %dma_wait3A_131 = arith.constant 32 : i32
      %dma_wait3A_132 = tpu.memref_slice %arg9[%run_scoped3A_82, %dma_wait3A_131] : memref<80x128xi32, #tpu.memory_space<vmem>> -> memref<1x32xi32, #tpu.memory_space<vmem>>
      %dma_wait3A_133 = tpu.memref_squeeze %dma_wait3A_132 : memref<1x32xi32, #tpu.memory_space<vmem>> -> memref<32xi32, #tpu.memory_space<vmem>>
      %dma_wait3A_134 = arith.constant 0 : i32
      %dma_wait3A_135 = arith.constant 0 : i32
      %dma_wait3A_136 = tpu.memref_slice %arg7[%dma_wait3A_134, %dma_wait3A_135] : memref<10112x128xf32, #tpu.memory_space<vmem_shared>> -> memref<10112x128xf32, #tpu.memory_space<vmem_shared>>
      tpu.wait_indirect_dma semaphore(%run_scoped3A_116 : memref<!tpu.dma_semaphore, #tpu.memory_space<semaphore_mem>>) src(%dma_wait3A_130 : memref<32x128xf32, #tpu.memory_space<vmem>>) dst(%dma_wait3A_136 : memref<10112x128xf32, #tpu.memory_space<vmem_shared>>)
      tpu.yield
    }) : () -> ()
    %dma_wait3A_83 = arith.constant 79 : i32
    %dma_wait3A_84 = arith.constant 2 : i32
    %dma_wait3A_85 = arith.constant 0 : i32
    %dma_wait3A_86 = arith.constant 0 : i32
    %dma_wait3A_87 = tpu.memref_slice %arg10[%dma_wait3A_84, %dma_wait3A_85, %dma_wait3A_86] : memref<4x32x128xf32, #tpu.memory_space<vmem>> -> memref<1x32x128xf32, #tpu.memory_space<vmem>>
    %dma_wait3A_88 = tpu.memref_squeeze %dma_wait3A_87 : memref<1x32x128xf32, #tpu.memory_space<vmem>> -> memref<32x128xf32, #tpu.memory_space<vmem>>
    %dma_wait3A_89 = arith.constant 64 : i32
    %dma_wait3A_90 = tpu.memref_slice %arg8[%dma_wait3A_83, %dma_wait3A_89] : memref<80x128xi32, #tpu.memory_space<vmem>> -> memref<1x32xi32, #tpu.memory_space<vmem>>
    %dma_wait3A_91 = tpu.memref_squeeze %dma_wait3A_90 : memref<1x32xi32, #tpu.memory_space<vmem>> -> memref<32xi32, #tpu.memory_space<vmem>>
    %dma_wait3A_92 = arith.constant 0 : i32
    %dma_wait3A_93 = arith.constant 0 : i32
    %dma_wait3A_94 = tpu.memref_slice %arg2[%dma_wait3A_92, %dma_wait3A_93] : memref<10000x128xf32, #tpu.memory_space<hbm>> -> memref<10000x128xf32, #tpu.memory_space<hbm>>
    tpu.wait_indirect_dma semaphore(%arg13 : memref<!tpu.dma_semaphore, #tpu.memory_space<semaphore_mem>>) src(%dma_wait3A_94 : memref<10000x128xf32, #tpu.memory_space<hbm>>) dst(%dma_wait3A_88 : memref<32x128xf32, #tpu.memory_space<vmem>>)
    %run_scoped3A_95 = arith.constant 2 : i32
    %run_scoped3A_96 = arith.constant 79 : i32
    "tpu.region"() ({
      %run_scoped3A_116 = tpu.sem_alloc : memref<!tpu.dma_semaphore, #tpu.memory_space<semaphore_mem>>
      %dma_start3A_117 = arith.constant 0 : i32
      %dma_start3A_118 = arith.constant 0 : i32
      %dma_start3A_119 = tpu.memref_slice %arg10[%run_scoped3A_95, %dma_start3A_117, %dma_start3A_118] : memref<4x32x128xf32, #tpu.memory_space<vmem>> -> memref<1x32x128xf32, #tpu.memory_space<vmem>>
      %dma_start3A_120 = tpu.memref_squeeze %dma_start3A_119 : memref<1x32x128xf32, #tpu.memory_space<vmem>> -> memref<32x128xf32, #tpu.memory_space<vmem>>
      %dma_start3A_121 = arith.constant 64 : i32
      %dma_start3A_122 = tpu.memref_slice %arg9[%run_scoped3A_96, %dma_start3A_121] : memref<80x128xi32, #tpu.memory_space<vmem>> -> memref<1x32xi32, #tpu.memory_space<vmem>>
      %dma_start3A_123 = tpu.memref_squeeze %dma_start3A_122 : memref<1x32xi32, #tpu.memory_space<vmem>> -> memref<32xi32, #tpu.memory_space<vmem>>
      %dma_start3A_124 = arith.constant 0 : i32
      %dma_start3A_125 = arith.constant 0 : i32
      %dma_start3A_126 = tpu.memref_slice %arg7[%dma_start3A_124, %dma_start3A_125] : memref<10112x128xf32, #tpu.memory_space<vmem_shared>> -> memref<10112x128xf32, #tpu.memory_space<vmem_shared>>
      tpu.enqueue_indirect_dma source(%dma_start3A_120 : memref<32x128xf32, #tpu.memory_space<vmem>>) target(%dma_start3A_126 : memref<10112x128xf32, #tpu.memory_space<vmem_shared>>) offsets(%dma_start3A_123 : memref<32xi32, #tpu.memory_space<vmem>>) semaphore(%run_scoped3A_116 : memref<!tpu.dma_semaphore, #tpu.memory_space<semaphore_mem>>) {add = true}
      %dma_wait3A_127 = arith.constant 0 : i32
      %dma_wait3A_128 = arith.constant 0 : i32
      %dma_wait3A_129 = tpu.memref_slice %arg10[%run_scoped3A_95, %dma_wait3A_127, %dma_wait3A_128] : memref<4x32x128xf32, #tpu.memory_space<vmem>> -> memref<1x32x128xf32, #tpu.memory_space<vmem>>
      %dma_wait3A_130 = tpu.memref_squeeze %dma_wait3A_129 : memref<1x32x128xf32, #tpu.memory_space<vmem>> -> memref<32x128xf32, #tpu.memory_space<vmem>>
      %dma_wait3A_131 = arith.constant 64 : i32
      %dma_wait3A_132 = tpu.memref_slice %arg9[%run_scoped3A_96, %dma_wait3A_131] : memref<80x128xi32, #tpu.memory_space<vmem>> -> memref<1x32xi32, #tpu.memory_space<vmem>>
      %dma_wait3A_133 = tpu.memref_squeeze %dma_wait3A_132 : memref<1x32xi32, #tpu.memory_space<vmem>> -> memref<32xi32, #tpu.memory_space<vmem>>
      %dma_wait3A_134 = arith.constant 0 : i32
      %dma_wait3A_135 = arith.constant 0 : i32
      %dma_wait3A_136 = tpu.memref_slice %arg7[%dma_wait3A_134, %dma_wait3A_135] : memref<10112x128xf32, #tpu.memory_space<vmem_shared>> -> memref<10112x128xf32, #tpu.memory_space<vmem_shared>>
      tpu.wait_indirect_dma semaphore(%run_scoped3A_116 : memref<!tpu.dma_semaphore, #tpu.memory_space<semaphore_mem>>) src(%dma_wait3A_130 : memref<32x128xf32, #tpu.memory_space<vmem>>) dst(%dma_wait3A_136 : memref<10112x128xf32, #tpu.memory_space<vmem_shared>>)
      tpu.yield
    }) : () -> ()
    %dma_wait3A_97 = arith.constant 79 : i32
    %dma_wait3A_98 = arith.constant 3 : i32
    %dma_wait3A_99 = arith.constant 0 : i32
    %dma_wait3A_100 = arith.constant 0 : i32
    %dma_wait3A_101 = tpu.memref_slice %arg10[%dma_wait3A_98, %dma_wait3A_99, %dma_wait3A_100] : memref<4x32x128xf32, #tpu.memory_space<vmem>> -> memref<1x32x128xf32, #tpu.memory_space<vmem>>
    %dma_wait3A_102 = tpu.memref_squeeze %dma_wait3A_101 : memref<1x32x128xf32, #tpu.memory_space<vmem>> -> memref<32x128xf32, #tpu.memory_space<vmem>>
    %dma_wait3A_103 = arith.constant 96 : i32
    %dma_wait3A_104 = tpu.memref_slice %arg8[%dma_wait3A_97, %dma_wait3A_103] : memref<80x128xi32, #tpu.memory_space<vmem>> -> memref<1x32xi32, #tpu.memory_space<vmem>>
    %dma_wait3A_105 = tpu.memref_squeeze %dma_wait3A_104 : memref<1x32xi32, #tpu.memory_space<vmem>> -> memref<32xi32, #tpu.memory_space<vmem>>
    %dma_wait3A_106 = arith.constant 0 : i32
    %dma_wait3A_107 = arith.constant 0 : i32
    %dma_wait3A_108 = tpu.memref_slice %arg2[%dma_wait3A_106, %dma_wait3A_107] : memref<10000x128xf32, #tpu.memory_space<hbm>> -> memref<10000x128xf32, #tpu.memory_space<hbm>>
    tpu.wait_indirect_dma semaphore(%arg14 : memref<!tpu.dma_semaphore, #tpu.memory_space<semaphore_mem>>) src(%dma_wait3A_108 : memref<10000x128xf32, #tpu.memory_space<hbm>>) dst(%dma_wait3A_102 : memref<32x128xf32, #tpu.memory_space<vmem>>)
    %run_scoped3A_109 = arith.constant 3 : i32
    %run_scoped3A_110 = arith.constant 79 : i32
    "tpu.region"() ({
      %run_scoped3A_116 = tpu.sem_alloc : memref<!tpu.dma_semaphore, #tpu.memory_space<semaphore_mem>>
      %dma_start3A_117 = arith.constant 0 : i32
      %dma_start3A_118 = arith.constant 0 : i32
      %dma_start3A_119 = tpu.memref_slice %arg10[%run_scoped3A_109, %dma_start3A_117, %dma_start3A_118] : memref<4x32x128xf32, #tpu.memory_space<vmem>> -> memref<1x32x128xf32, #tpu.memory_space<vmem>>
      %dma_start3A_120 = tpu.memref_squeeze %dma_start3A_119 : memref<1x32x128xf32, #tpu.memory_space<vmem>> -> memref<32x128xf32, #tpu.memory_space<vmem>>
      %dma_start3A_121 = arith.constant 96 : i32
      %dma_start3A_122 = tpu.memref_slice %arg9[%run_scoped3A_110, %dma_start3A_121] : memref<80x128xi32, #tpu.memory_space<vmem>> -> memref<1x32xi32, #tpu.memory_space<vmem>>
      %dma_start3A_123 = tpu.memref_squeeze %dma_start3A_122 : memref<1x32xi32, #tpu.memory_space<vmem>> -> memref<32xi32, #tpu.memory_space<vmem>>
      %dma_start3A_124 = arith.constant 0 : i32
      %dma_start3A_125 = arith.constant 0 : i32
      %dma_start3A_126 = tpu.memref_slice %arg7[%dma_start3A_124, %dma_start3A_125] : memref<10112x128xf32, #tpu.memory_space<vmem_shared>> -> memref<10112x128xf32, #tpu.memory_space<vmem_shared>>
      tpu.enqueue_indirect_dma source(%dma_start3A_120 : memref<32x128xf32, #tpu.memory_space<vmem>>) target(%dma_start3A_126 : memref<10112x128xf32, #tpu.memory_space<vmem_shared>>) offsets(%dma_start3A_123 : memref<32xi32, #tpu.memory_space<vmem>>) semaphore(%run_scoped3A_116 : memref<!tpu.dma_semaphore, #tpu.memory_space<semaphore_mem>>) {add = true}
      %dma_wait3A_127 = arith.constant 0 : i32
      %dma_wait3A_128 = arith.constant 0 : i32
      %dma_wait3A_129 = tpu.memref_slice %arg10[%run_scoped3A_109, %dma_wait3A_127, %dma_wait3A_128] : memref<4x32x128xf32, #tpu.memory_space<vmem>> -> memref<1x32x128xf32, #tpu.memory_space<vmem>>
      %dma_wait3A_130 = tpu.memref_squeeze %dma_wait3A_129 : memref<1x32x128xf32, #tpu.memory_space<vmem>> -> memref<32x128xf32, #tpu.memory_space<vmem>>
      %dma_wait3A_131 = arith.constant 96 : i32
      %dma_wait3A_132 = tpu.memref_slice %arg9[%run_scoped3A_110, %dma_wait3A_131] : memref<80x128xi32, #tpu.memory_space<vmem>> -> memref<1x32xi32, #tpu.memory_space<vmem>>
      %dma_wait3A_133 = tpu.memref_squeeze %dma_wait3A_132 : memref<1x32xi32, #tpu.memory_space<vmem>> -> memref<32xi32, #tpu.memory_space<vmem>>
      %dma_wait3A_134 = arith.constant 0 : i32
      %dma_wait3A_135 = arith.constant 0 : i32
      %dma_wait3A_136 = tpu.memref_slice %arg7[%dma_wait3A_134, %dma_wait3A_135] : memref<10112x128xf32, #tpu.memory_space<vmem_shared>> -> memref<10112x128xf32, #tpu.memory_space<vmem_shared>>
      tpu.wait_indirect_dma semaphore(%run_scoped3A_116 : memref<!tpu.dma_semaphore, #tpu.memory_space<semaphore_mem>>) src(%dma_wait3A_130 : memref<32x128xf32, #tpu.memory_space<vmem>>) dst(%dma_wait3A_136 : memref<10112x128xf32, #tpu.memory_space<vmem_shared>>)
      tpu.yield
    }) : () -> ()
    %barrier3A_111 = arith.constant 0 : index
    tpu.barrier barrier_id(%barrier3A_111)
    %mul3A_112 = arith.constant 632 : i32
    %mul3A_113 = arith.muli %arg1, %mul3A_112 : i32
    %mul3A_114 = arith.constant 632 : i32
    %mul3A_115 = arith.muli %arg1, %mul3A_114 : i32
    "tpu.region"() ({
      %run_scoped3A_116 = tpu.sem_alloc : memref<!tpu.dma_semaphore, #tpu.memory_space<semaphore_mem>>
      %dma_start3A_117 = arith.constant 0 : i32
      %dma_start3A_118 = tpu.memref_slice %arg6[%arg0, %mul3A_115, %dma_start3A_117] : memref<2x10112x128xf32, #tpu.memory_space<hbm>> -> memref<1x632x128xf32, #tpu.memory_space<hbm>>
      %dma_start3A_119 = tpu.memref_squeeze %dma_start3A_118 : memref<1x632x128xf32, #tpu.memory_space<hbm>> -> memref<632x128xf32, #tpu.memory_space<hbm>>
      %dma_start3A_120 = arith.constant 0 : i32
      %dma_start3A_121 = tpu.memref_slice %arg7[%mul3A_113, %dma_start3A_120] : memref<10112x128xf32, #tpu.memory_space<vmem_shared>> -> memref<632x128xf32, #tpu.memory_space<vmem_shared>>
      tpu.enqueue_dma source(%dma_start3A_121 : memref<632x128xf32, #tpu.memory_space<vmem_shared>>) target(%dma_start3A_119 : memref<632x128xf32, #tpu.memory_space<hbm>>) target_semaphore(%run_scoped3A_116 : memref<!tpu.dma_semaphore, #tpu.memory_space<semaphore_mem>>)
      %dma_wait3A_122 = arith.constant 0 : i32
      %dma_wait3A_123 = tpu.memref_slice %arg6[%arg0, %mul3A_115, %dma_wait3A_122] : memref<2x10112x128xf32, #tpu.memory_space<hbm>> -> memref<1x632x128xf32, #tpu.memory_space<hbm>>
      %dma_wait3A_124 = tpu.memref_squeeze %dma_wait3A_123 : memref<1x632x128xf32, #tpu.memory_space<hbm>> -> memref<632x128xf32, #tpu.memory_space<hbm>>
      %dma_wait3A_125 = arith.constant 0 : i32
      %dma_wait3A_126 = tpu.memref_slice %arg7[%mul3A_113, %dma_wait3A_125] : memref<10112x128xf32, #tpu.memory_space<vmem_shared>> -> memref<632x128xf32, #tpu.memory_space<vmem_shared>>
      tpu.wait_dma2 semaphore(%run_scoped3A_116 : memref<!tpu.dma_semaphore, #tpu.memory_space<semaphore_mem>>) src(%dma_wait3A_126 : memref<632x128xf32, #tpu.memory_space<vmem_shared>>) dst(%dma_wait3A_124 : memref<632x128xf32, #tpu.memory_space<hbm>>)
      tpu.yield
    }) : () -> ()
    return
  }
}

#map = affine_map<(d0, d1) -> (0, 0, 0)>
#map1 = affine_map<(d0, d1) -> (0, 0)>
module attributes {stable_mosaic.version = 14 : i64} {
  func.func @body(%arg0: i32, %arg1: i32, %arg2: memref<32x80x128xi32, #tpu.memory_space<hbm>>, %arg3: memref<128x128xf32, #tpu.memory_space<hbm>>, %arg4: memref<10112x128xf32, #tpu.memory_space<hbm>>, %arg5: memref<2x10112x128xf32, #tpu.memory_space<hbm>>, %arg6: memref<10112x128xf32, #tpu.memory_space<vmem_shared>>, %arg7: memref<80x128xi32, #tpu.memory_space<vmem>>, %arg8: memref<128x128xf32, #tpu.memory_space<vmem>>, %arg9: memref<!tpu.dma_semaphore, #tpu.memory_space<semaphore_mem>>) attributes {dimension_semantics = [#tpu.dimension_semantics<core_parallel>, #tpu.dimension_semantics<subcore_parallel>], iteration_bounds = array<i64: 2, 16>, scalar_prefetch = 0 : i64, scratch_operands = 4 : i64, tpu.core_type = #tpu.core_type<sc_vector_subcore>, window_params = [{transform_indices = #map}, {transform_indices = #map1}, {transform_indices = #map1}, {transform_indices = #map}]} {
    %mul3A = arith.constant 16 : i32
    %mul3A_0 = arith.muli %arg0, %mul3A : i32
    %add3A = arith.addi %mul3A_0, %arg1 : i32
    %mul3A_1 = arith.constant 632 : i32
    %mul3A_2 = arith.muli %arg1, %mul3A_1 : i32
    %mul3A_3 = arith.constant 632 : i32
    %mul3A_4 = arith.muli %arg1, %mul3A_3 : i32
    "tpu.region"() ({
      %run_scoped3A = tpu.sem_alloc : memref<!tpu.dma_semaphore, #tpu.memory_space<semaphore_mem>>
      %dma_start3A = arith.constant 0 : i32
      %dma_start3A_21 = tpu.memref_slice %arg6[%mul3A_4, %dma_start3A] : memref<10112x128xf32, #tpu.memory_space<vmem_shared>> -> memref<632x128xf32, #tpu.memory_space<vmem_shared>>
      %dma_start3A_22 = arith.constant 0 : i32
      %dma_start3A_23 = tpu.memref_slice %arg4[%mul3A_2, %dma_start3A_22] : memref<10112x128xf32, #tpu.memory_space<hbm>> -> memref<632x128xf32, #tpu.memory_space<hbm>>
      tpu.enqueue_dma source(%dma_start3A_23 : memref<632x128xf32, #tpu.memory_space<hbm>>) target(%dma_start3A_21 : memref<632x128xf32, #tpu.memory_space<vmem_shared>>) target_semaphore(%run_scoped3A : memref<!tpu.dma_semaphore, #tpu.memory_space<semaphore_mem>>)
      %dma_wait3A = arith.constant 0 : i32
      %dma_wait3A_24 = tpu.memref_slice %arg6[%mul3A_4, %dma_wait3A] : memref<10112x128xf32, #tpu.memory_space<vmem_shared>> -> memref<632x128xf32, #tpu.memory_space<vmem_shared>>
      %dma_wait3A_25 = arith.constant 0 : i32
      %dma_wait3A_26 = tpu.memref_slice %arg4[%mul3A_2, %dma_wait3A_25] : memref<10112x128xf32, #tpu.memory_space<hbm>> -> memref<632x128xf32, #tpu.memory_space<hbm>>
      tpu.wait_dma2 semaphore(%run_scoped3A : memref<!tpu.dma_semaphore, #tpu.memory_space<semaphore_mem>>) src(%dma_wait3A_26 : memref<632x128xf32, #tpu.memory_space<hbm>>) dst(%dma_wait3A_24 : memref<632x128xf32, #tpu.memory_space<vmem_shared>>)
      tpu.yield
    }) : () -> ()
    "tpu.region"() ({
      %run_scoped3A = tpu.sem_alloc : memref<!tpu.dma_semaphore, #tpu.memory_space<semaphore_mem>>
      %dma_start3A = arith.constant 0 : i32
      %dma_start3A_21 = arith.constant 0 : i32
      %dma_start3A_22 = tpu.memref_slice %arg2[%add3A, %dma_start3A, %dma_start3A_21] : memref<32x80x128xi32, #tpu.memory_space<hbm>> -> memref<1x80x128xi32, #tpu.memory_space<hbm>>
      %dma_start3A_23 = tpu.memref_squeeze %dma_start3A_22 : memref<1x80x128xi32, #tpu.memory_space<hbm>> -> memref<80x128xi32, #tpu.memory_space<hbm>>
      %dma_start3A_24 = arith.constant 0 : i32
      %dma_start3A_25 = arith.constant 0 : i32
      %dma_start3A_26 = tpu.memref_slice %arg2[%add3A, %dma_start3A_24, %dma_start3A_25] : memref<32x80x128xi32, #tpu.memory_space<hbm>> -> memref<1x80x128xi32, #tpu.memory_space<hbm>>
      %dma_start3A_27 = tpu.memref_squeeze %dma_start3A_26 : memref<1x80x128xi32, #tpu.memory_space<hbm>> -> memref<80x128xi32, #tpu.memory_space<hbm>>
      tpu.enqueue_dma source(%dma_start3A_27 : memref<80x128xi32, #tpu.memory_space<hbm>>) target(%arg7 : memref<80x128xi32, #tpu.memory_space<vmem>>) target_semaphore(%run_scoped3A : memref<!tpu.dma_semaphore, #tpu.memory_space<semaphore_mem>>)
      %dma_wait3A = arith.constant 0 : i32
      %dma_wait3A_28 = arith.constant 0 : i32
      %dma_wait3A_29 = tpu.memref_slice %arg2[%add3A, %dma_wait3A, %dma_wait3A_28] : memref<32x80x128xi32, #tpu.memory_space<hbm>> -> memref<1x80x128xi32, #tpu.memory_space<hbm>>
      %dma_wait3A_30 = tpu.memref_squeeze %dma_wait3A_29 : memref<1x80x128xi32, #tpu.memory_space<hbm>> -> memref<80x128xi32, #tpu.memory_space<hbm>>
      %dma_wait3A_31 = arith.constant 0 : i32
      %dma_wait3A_32 = arith.constant 0 : i32
      %dma_wait3A_33 = tpu.memref_slice %arg2[%add3A, %dma_wait3A_31, %dma_wait3A_32] : memref<32x80x128xi32, #tpu.memory_space<hbm>> -> memref<1x80x128xi32, #tpu.memory_space<hbm>>
      %dma_wait3A_34 = tpu.memref_squeeze %dma_wait3A_33 : memref<1x80x128xi32, #tpu.memory_space<hbm>> -> memref<80x128xi32, #tpu.memory_space<hbm>>
      tpu.wait_dma2 semaphore(%run_scoped3A : memref<!tpu.dma_semaphore, #tpu.memory_space<semaphore_mem>>) src(%dma_wait3A_34 : memref<80x128xi32, #tpu.memory_space<hbm>>) dst(%arg7 : memref<80x128xi32, #tpu.memory_space<vmem>>)
      tpu.yield
    }) : () -> ()
    "tpu.region"() ({
      %run_scoped3A = tpu.sem_alloc : memref<!tpu.dma_semaphore, #tpu.memory_space<semaphore_mem>>
      tpu.enqueue_dma source(%arg3 : memref<128x128xf32, #tpu.memory_space<hbm>>) target(%arg8 : memref<128x128xf32, #tpu.memory_space<vmem>>) target_semaphore(%run_scoped3A : memref<!tpu.dma_semaphore, #tpu.memory_space<semaphore_mem>>)
      tpu.wait_dma2 semaphore(%run_scoped3A : memref<!tpu.dma_semaphore, #tpu.memory_space<semaphore_mem>>) src(%arg3 : memref<128x128xf32, #tpu.memory_space<hbm>>) dst(%arg8 : memref<128x128xf32, #tpu.memory_space<vmem>>)
      tpu.yield
    }) : () -> ()
    %barrier3A = arith.constant 0 : index
    tpu.barrier barrier_id(%barrier3A)
    %scan3A = arith.constant 0 : i32
    %scan3A_5 = arith.constant 0 : i32
    %scan3A_6 = arith.constant 80 : i32
    %scan3A_7 = arith.addi %scan3A_5, %scan3A_6 : i32
    %scan3A_8 = arith.constant 1 : i32
    scf.for %scan3A_21 = %scan3A_5 to %scan3A_7 step %scan3A_8  : i32 {
      %dma_start3A = arith.constant 0 : i32
      %dma_start3A_22 = tpu.memref_slice %arg7[%scan3A_21, %dma_start3A] : memref<80x128xi32, #tpu.memory_space<vmem>> -> memref<1x128xi32, #tpu.memory_space<vmem>>
      %dma_start3A_23 = tpu.memref_squeeze %dma_start3A_22 : memref<1x128xi32, #tpu.memory_space<vmem>> -> memref<128xi32, #tpu.memory_space<vmem>>
      %dma_start3A_24 = arith.constant 0 : i32
      %dma_start3A_25 = arith.constant 0 : i32
      %dma_start3A_26 = tpu.memref_slice %arg6[%dma_start3A_24, %dma_start3A_25] : memref<10112x128xf32, #tpu.memory_space<vmem_shared>> -> memref<10112x128xf32, #tpu.memory_space<vmem_shared>>
      tpu.enqueue_indirect_dma source(%arg8 : memref<128x128xf32, #tpu.memory_space<vmem>>) target(%dma_start3A_26 : memref<10112x128xf32, #tpu.memory_space<vmem_shared>>) offsets(%dma_start3A_23 : memref<128xi32, #tpu.memory_space<vmem>>) semaphore(%arg9 : memref<!tpu.dma_semaphore, #tpu.memory_space<semaphore_mem>>) {add = true}
    }
    %scan3A_9 = arith.constant 80 : i32
    %scan3A_10 = arith.constant 0 : i32
    %scan3A_11 = arith.constant 0 : i32
    %scan3A_12 = arith.constant 80 : i32
    %scan3A_13 = arith.addi %scan3A_11, %scan3A_12 : i32
    %scan3A_14 = arith.constant 1 : i32
    scf.for %scan3A_21 = %scan3A_11 to %scan3A_13 step %scan3A_14  : i32 {
      %dma_wait3A = arith.constant 0 : i32
      %dma_wait3A_22 = tpu.memref_slice %arg7[%scan3A_21, %dma_wait3A] : memref<80x128xi32, #tpu.memory_space<vmem>> -> memref<1x128xi32, #tpu.memory_space<vmem>>
      %dma_wait3A_23 = tpu.memref_squeeze %dma_wait3A_22 : memref<1x128xi32, #tpu.memory_space<vmem>> -> memref<128xi32, #tpu.memory_space<vmem>>
      %dma_wait3A_24 = arith.constant 0 : i32
      %dma_wait3A_25 = arith.constant 0 : i32
      %dma_wait3A_26 = tpu.memref_slice %arg6[%dma_wait3A_24, %dma_wait3A_25] : memref<10112x128xf32, #tpu.memory_space<vmem_shared>> -> memref<10112x128xf32, #tpu.memory_space<vmem_shared>>
      tpu.wait_indirect_dma semaphore(%arg9 : memref<!tpu.dma_semaphore, #tpu.memory_space<semaphore_mem>>) src(%arg8 : memref<128x128xf32, #tpu.memory_space<vmem>>) dst(%dma_wait3A_26 : memref<10112x128xf32, #tpu.memory_space<vmem_shared>>)
    }
    %scan3A_15 = arith.constant 80 : i32
    %barrier3A_16 = arith.constant 0 : index
    tpu.barrier barrier_id(%barrier3A_16)
    %mul3A_17 = arith.constant 632 : i32
    %mul3A_18 = arith.muli %arg1, %mul3A_17 : i32
    %mul3A_19 = arith.constant 632 : i32
    %mul3A_20 = arith.muli %arg1, %mul3A_19 : i32
    "tpu.region"() ({
      %run_scoped3A = tpu.sem_alloc : memref<!tpu.dma_semaphore, #tpu.memory_space<semaphore_mem>>
      %dma_start3A = arith.constant 0 : i32
      %dma_start3A_21 = tpu.memref_slice %arg5[%arg0, %mul3A_20, %dma_start3A] : memref<2x10112x128xf32, #tpu.memory_space<hbm>> -> memref<1x632x128xf32, #tpu.memory_space<hbm>>
      %dma_start3A_22 = tpu.memref_squeeze %dma_start3A_21 : memref<1x632x128xf32, #tpu.memory_space<hbm>> -> memref<632x128xf32, #tpu.memory_space<hbm>>
      %dma_start3A_23 = arith.constant 0 : i32
      %dma_start3A_24 = tpu.memref_slice %arg6[%mul3A_18, %dma_start3A_23] : memref<10112x128xf32, #tpu.memory_space<vmem_shared>> -> memref<632x128xf32, #tpu.memory_space<vmem_shared>>
      tpu.enqueue_dma source(%dma_start3A_24 : memref<632x128xf32, #tpu.memory_space<vmem_shared>>) target(%dma_start3A_22 : memref<632x128xf32, #tpu.memory_space<hbm>>) target_semaphore(%run_scoped3A : memref<!tpu.dma_semaphore, #tpu.memory_space<semaphore_mem>>)
      %dma_wait3A = arith.constant 0 : i32
      %dma_wait3A_25 = tpu.memref_slice %arg5[%arg0, %mul3A_20, %dma_wait3A] : memref<2x10112x128xf32, #tpu.memory_space<hbm>> -> memref<1x632x128xf32, #tpu.memory_space<hbm>>
      %dma_wait3A_26 = tpu.memref_squeeze %dma_wait3A_25 : memref<1x632x128xf32, #tpu.memory_space<hbm>> -> memref<632x128xf32, #tpu.memory_space<hbm>>
      %dma_wait3A_27 = arith.constant 0 : i32
      %dma_wait3A_28 = tpu.memref_slice %arg6[%mul3A_18, %dma_wait3A_27] : memref<10112x128xf32, #tpu.memory_space<vmem_shared>> -> memref<632x128xf32, #tpu.memory_space<vmem_shared>>
      tpu.wait_dma2 semaphore(%run_scoped3A : memref<!tpu.dma_semaphore, #tpu.memory_space<semaphore_mem>>) src(%dma_wait3A_28 : memref<632x128xf32, #tpu.memory_space<vmem_shared>>) dst(%dma_wait3A_26 : memref<632x128xf32, #tpu.memory_space<hbm>>)
      tpu.yield
    }) : () -> ()
    return
  }
}

#map = affine_map<(d0, d1) -> (0, 0)>
#map1 = affine_map<(d0, d1) -> (0, 0, 0)>
module attributes {stable_mosaic.version = 14 : i64} {
  func.func @body(%arg0: i32, %arg1: i32, %arg2: memref<10000x128xf32, #tpu.memory_space<hbm>>, %arg3: memref<32x80x128xi32, #tpu.memory_space<hbm>>, %arg4: memref<32x80x128xi32, #tpu.memory_space<hbm>>, %arg5: memref<10112x128xf32, #tpu.memory_space<hbm>>, %arg6: memref<2x10112x128xf32, #tpu.memory_space<hbm>>, %arg7: memref<10112x128xf32, #tpu.memory_space<vmem_shared>>, %arg8: memref<80x128xi32, #tpu.memory_space<vmem>>, %arg9: memref<80x128xi32, #tpu.memory_space<vmem>>, %arg10: memref<4x32x128xf32, #tpu.memory_space<vmem>>, %arg11: memref<!tpu.dma_semaphore, #tpu.memory_space<semaphore_mem>>, %arg12: memref<!tpu.dma_semaphore, #tpu.memory_space<semaphore_mem>>, %arg13: memref<!tpu.dma_semaphore, #tpu.memory_space<semaphore_mem>>, %arg14: memref<!tpu.dma_semaphore, #tpu.memory_space<semaphore_mem>>) attributes {dimension_semantics = [#tpu.dimension_semantics<core_parallel>, #tpu.dimension_semantics<subcore_parallel>], iteration_bounds = array<i64: 2, 16>, scalar_prefetch = 0 : i64, scratch_operands = 8 : i64, tpu.core_type = #tpu.core_type<sc_vector_subcore>, window_params = [{transform_indices = #map}, {transform_indices = #map1}, {transform_indices = #map1}, {transform_indices = #map}, {transform_indices = #map1}]} {
    %mul3A = arith.constant 16 : i32
    %mul3A_0 = arith.muli %arg0, %mul3A : i32
    %add3A = arith.addi %mul3A_0, %arg1 : i32
    %mul3A_1 = arith.constant 632 : i32
    %mul3A_2 = arith.muli %arg1, %mul3A_1 : i32
    %mul3A_3 = arith.constant 632 : i32
    %mul3A_4 = arith.muli %arg1, %mul3A_3 : i32
    "tpu.region"() ({
      %run_scoped3A_116 = tpu.sem_alloc : memref<!tpu.dma_semaphore, #tpu.memory_space<semaphore_mem>>
      %dma_start3A_117 = arith.constant 0 : i32
      %dma_start3A_118 = tpu.memref_slice %arg7[%mul3A_4, %dma_start3A_117] : memref<10112x128xf32, #tpu.memory_space<vmem_shared>> -> memref<632x128xf32, #tpu.memory_space<vmem_shared>>
      %dma_start3A_119 = arith.constant 0 : i32
      %dma_start3A_120 = tpu.memref_slice %arg5[%mul3A_2, %dma_start3A_119] : memref<10112x128xf32, #tpu.memory_space<hbm>> -> memref<632x128xf32, #tpu.memory_space<hbm>>
      tpu.enqueue_dma source(%dma_start3A_120 : memref<632x128xf32, #tpu.memory_space<hbm>>) target(%dma_start3A_118 : memref<632x128xf32, #tpu.memory_space<vmem_shared>>) target_semaphore(%run_scoped3A_116 : memref<!tpu.dma_semaphore, #tpu.memory_space<semaphore_mem>>)
      %dma_wait3A_121 = arith.constant 0 : i32
      %dma_wait3A_122 = tpu.memref_slice %arg7[%mul3A_4, %dma_wait3A_121] : memref<10112x128xf32, #tpu.memory_space<vmem_shared>> -> memref<632x128xf32, #tpu.memory_space<vmem_shared>>
      %dma_wait3A_123 = arith.constant 0 : i32
      %dma_wait3A_124 = tpu.memref_slice %arg5[%mul3A_2, %dma_wait3A_123] : memref<10112x128xf32, #tpu.memory_space<hbm>> -> memref<632x128xf32, #tpu.memory_space<hbm>>
      tpu.wait_dma2 semaphore(%run_scoped3A_116 : memref<!tpu.dma_semaphore, #tpu.memory_space<semaphore_mem>>) src(%dma_wait3A_124 : memref<632x128xf32, #tpu.memory_space<hbm>>) dst(%dma_wait3A_122 : memref<632x128xf32, #tpu.memory_space<vmem_shared>>)
      tpu.yield
    }) : () -> ()
    "tpu.region"() ({
      %run_scoped3A_116 = tpu.sem_alloc : memref<!tpu.dma_semaphore, #tpu.memory_space<semaphore_mem>>
      %dma_start3A_117 = arith.constant 0 : i32
      %dma_start3A_118 = arith.constant 0 : i32
      %dma_start3A_119 = tpu.memref_slice %arg3[%add3A, %dma_start3A_117, %dma_start3A_118] : memref<32x80x128xi32, #tpu.memory_space<hbm>> -> memref<1x80x128xi32, #tpu.memory_space<hbm>>
      %dma_start3A_120 = tpu.memref_squeeze %dma_start3A_119 : memref<1x80x128xi32, #tpu.memory_space<hbm>> -> memref<80x128xi32, #tpu.memory_space<hbm>>
      %dma_start3A_121 = arith.constant 0 : i32
      %dma_start3A_122 = arith.constant 0 : i32
      %dma_start3A_123 = tpu.memref_slice %arg3[%add3A, %dma_start3A_121, %dma_start3A_122] : memref<32x80x128xi32, #tpu.memory_space<hbm>> -> memref<1x80x128xi32, #tpu.memory_space<hbm>>
      %dma_start3A_124 = tpu.memref_squeeze %dma_start3A_123 : memref<1x80x128xi32, #tpu.memory_space<hbm>> -> memref<80x128xi32, #tpu.memory_space<hbm>>
      tpu.enqueue_dma source(%dma_start3A_124 : memref<80x128xi32, #tpu.memory_space<hbm>>) target(%arg8 : memref<80x128xi32, #tpu.memory_space<vmem>>) target_semaphore(%run_scoped3A_116 : memref<!tpu.dma_semaphore, #tpu.memory_space<semaphore_mem>>)
      %dma_wait3A_125 = arith.constant 0 : i32
      %dma_wait3A_126 = arith.constant 0 : i32
      %dma_wait3A_127 = tpu.memref_slice %arg3[%add3A, %dma_wait3A_125, %dma_wait3A_126] : memref<32x80x128xi32, #tpu.memory_space<hbm>> -> memref<1x80x128xi32, #tpu.memory_space<hbm>>
      %dma_wait3A_128 = tpu.memref_squeeze %dma_wait3A_127 : memref<1x80x128xi32, #tpu.memory_space<hbm>> -> memref<80x128xi32, #tpu.memory_space<hbm>>
      %dma_wait3A_129 = arith.constant 0 : i32
      %dma_wait3A_130 = arith.constant 0 : i32
      %dma_wait3A_131 = tpu.memref_slice %arg3[%add3A, %dma_wait3A_129, %dma_wait3A_130] : memref<32x80x128xi32, #tpu.memory_space<hbm>> -> memref<1x80x128xi32, #tpu.memory_space<hbm>>
      %dma_wait3A_132 = tpu.memref_squeeze %dma_wait3A_131 : memref<1x80x128xi32, #tpu.memory_space<hbm>> -> memref<80x128xi32, #tpu.memory_space<hbm>>
      tpu.wait_dma2 semaphore(%run_scoped3A_116 : memref<!tpu.dma_semaphore, #tpu.memory_space<semaphore_mem>>) src(%dma_wait3A_132 : memref<80x128xi32, #tpu.memory_space<hbm>>) dst(%arg8 : memref<80x128xi32, #tpu.memory_space<vmem>>)
      tpu.yield
    }) : () -> ()
    "tpu.region"() ({
      %run_scoped3A_116 = tpu.sem_alloc : memref<!tpu.dma_semaphore, #tpu.memory_space<semaphore_mem>>
      %dma_start3A_117 = arith.constant 0 : i32
      %dma_start3A_118 = arith.constant 0 : i32
      %dma_start3A_119 = tpu.memref_slice %arg4[%add3A, %dma_start3A_117, %dma_start3A_118] : memref<32x80x128xi32, #tpu.memory_space<hbm>> -> memref<1x80x128xi32, #tpu.memory_space<hbm>>
      %dma_start3A_120 = tpu.memref_squeeze %dma_start3A_119 : memref<1x80x128xi32, #tpu.memory_space<hbm>> -> memref<80x128xi32, #tpu.memory_space<hbm>>
      %dma_start3A_121 = arith.constant 0 : i32
      %dma_start3A_122 = arith.constant 0 : i32
      %dma_start3A_123 = tpu.memref_slice %arg4[%add3A, %dma_start3A_121, %dma_start3A_122] : memref<32x80x128xi32, #tpu.memory_space<hbm>> -> memref<1x80x128xi32, #tpu.memory_space<hbm>>
      %dma_start3A_124 = tpu.memref_squeeze %dma_start3A_123 : memref<1x80x128xi32, #tpu.memory_space<hbm>> -> memref<80x128xi32, #tpu.memory_space<hbm>>
      tpu.enqueue_dma source(%dma_start3A_124 : memref<80x128xi32, #tpu.memory_space<hbm>>) target(%arg9 : memref<80x128xi32, #tpu.memory_space<vmem>>) target_semaphore(%run_scoped3A_116 : memref<!tpu.dma_semaphore, #tpu.memory_space<semaphore_mem>>)
      %dma_wait3A_125 = arith.constant 0 : i32
      %dma_wait3A_126 = arith.constant 0 : i32
      %dma_wait3A_127 = tpu.memref_slice %arg4[%add3A, %dma_wait3A_125, %dma_wait3A_126] : memref<32x80x128xi32, #tpu.memory_space<hbm>> -> memref<1x80x128xi32, #tpu.memory_space<hbm>>
      %dma_wait3A_128 = tpu.memref_squeeze %dma_wait3A_127 : memref<1x80x128xi32, #tpu.memory_space<hbm>> -> memref<80x128xi32, #tpu.memory_space<hbm>>
      %dma_wait3A_129 = arith.constant 0 : i32
      %dma_wait3A_130 = arith.constant 0 : i32
      %dma_wait3A_131 = tpu.memref_slice %arg4[%add3A, %dma_wait3A_129, %dma_wait3A_130] : memref<32x80x128xi32, #tpu.memory_space<hbm>> -> memref<1x80x128xi32, #tpu.memory_space<hbm>>
      %dma_wait3A_132 = tpu.memref_squeeze %dma_wait3A_131 : memref<1x80x128xi32, #tpu.memory_space<hbm>> -> memref<80x128xi32, #tpu.memory_space<hbm>>
      tpu.wait_dma2 semaphore(%run_scoped3A_116 : memref<!tpu.dma_semaphore, #tpu.memory_space<semaphore_mem>>) src(%dma_wait3A_132 : memref<80x128xi32, #tpu.memory_space<hbm>>) dst(%arg9 : memref<80x128xi32, #tpu.memory_space<vmem>>)
      tpu.yield
    }) : () -> ()
    %barrier3A = arith.constant 0 : index
    tpu.barrier barrier_id(%barrier3A)
    %dma_start3A = arith.constant 0 : i32
    %dma_start3A_5 = arith.constant 0 : i32
    %dma_start3A_6 = arith.constant 0 : i32
    %dma_start3A_7 = arith.constant 0 : i32
    %dma_start3A_8 = tpu.memref_slice %arg10[%dma_start3A_5, %dma_start3A_6, %dma_start3A_7] : memref<4x32x128xf32, #tpu.memory_space<vmem>> -> memref<1x32x128xf32, #tpu.memory_space<vmem>>
    %dma_start3A_9 = tpu.memref_squeeze %dma_start3A_8 : memref<1x32x128xf32, #tpu.memory_space<vmem>> -> memref<32x128xf32, #tpu.memory_space<vmem>>
    %dma_start3A_10 = arith.constant 0 : i32
    %dma_start3A_11 = tpu.memref_slice %arg8[%dma_start3A, %dma_start3A_10] : memref<80x128xi32, #tpu.memory_space<vmem>> -> memref<1x32xi32, #tpu.memory_space<vmem>>
    %dma_start3A_12 = tpu.memref_squeeze %dma_start3A_11 : memref<1x32xi32, #tpu.memory_space<vmem>> -> memref<32xi32, #tpu.memory_space<vmem>>
    %dma_start3A_13 = arith.constant 0 : i32
    %dma_start3A_14 = arith.constant 0 : i32
    %dma_start3A_15 = tpu.memref_slice %arg2[%dma_start3A_13, %dma_start3A_14] : memref<10000x128xf32, #tpu.memory_space<hbm>> -> memref<10000x128xf32, #tpu.memory_space<hbm>>
    tpu.enqueue_indirect_dma source(%dma_start3A_15 : memref<10000x128xf32, #tpu.memory_space<hbm>>) target(%dma_start3A_9 : memref<32x128xf32, #tpu.memory_space<vmem>>) offsets(%dma_start3A_12 : memref<32xi32, #tpu.memory_space<vmem>>) semaphore(%arg11 : memref<!tpu.dma_semaphore, #tpu.memory_space<semaphore_mem>>)
    %dma_start3A_16 = arith.constant 0 : i32
    %dma_start3A_17 = arith.constant 1 : i32
    %dma_start3A_18 = arith.constant 0 : i32
    %dma_start3A_19 = arith.constant 0 : i32
    %dma_start3A_20 = tpu.memref_slice %arg10[%dma_start3A_17, %dma_start3A_18, %dma_start3A_19] : memref<4x32x128xf32, #tpu.memory_space<vmem>> -> memref<1x32x128xf32, #tpu.memory_space<vmem>>
    %dma_start3A_21 = tpu.memref_squeeze %dma_start3A_20 : memref<1x32x128xf32, #tpu.memory_space<vmem>> -> memref<32x128xf32, #tpu.memory_space<vmem>>
    %dma_start3A_22 = arith.constant 32 : i32
    %dma_start3A_23 = tpu.memref_slice %arg8[%dma_start3A_16, %dma_start3A_22] : memref<80x128xi32, #tpu.memory_space<vmem>> -> memref<1x32xi32, #tpu.memory_space<vmem>>
    %dma_start3A_24 = tpu.memref_squeeze %dma_start3A_23 : memref<1x32xi32, #tpu.memory_space<vmem>> -> memref<32xi32, #tpu.memory_space<vmem>>
    %dma_start3A_25 = arith.constant 0 : i32
    %dma_start3A_26 = arith.constant 0 : i32
    %dma_start3A_27 = tpu.memref_slice %arg2[%dma_start3A_25, %dma_start3A_26] : memref<10000x128xf32, #tpu.memory_space<hbm>> -> memref<10000x128xf32, #tpu.memory_space<hbm>>
    tpu.enqueue_indirect_dma source(%dma_start3A_27 : memref<10000x128xf32, #tpu.memory_space<hbm>>) target(%dma_start3A_21 : memref<32x128xf32, #tpu.memory_space<vmem>>) offsets(%dma_start3A_24 : memref<32xi32, #tpu.memory_space<vmem>>) semaphore(%arg12 : memref<!tpu.dma_semaphore, #tpu.memory_space<semaphore_mem>>)
    %dma_start3A_28 = arith.constant 0 : i32
    %dma_start3A_29 = arith.constant 2 : i32
    %dma_start3A_30 = arith.constant 0 : i32
    %dma_start3A_31 = arith.constant 0 : i32
    %dma_start3A_32 = tpu.memref_slice %arg10[%dma_start3A_29, %dma_start3A_30, %dma_start3A_31] : memref<4x32x128xf32, #tpu.memory_space<vmem>> -> memref<1x32x128xf32, #tpu.memory_space<vmem>>
    %dma_start3A_33 = tpu.memref_squeeze %dma_start3A_32 : memref<1x32x128xf32, #tpu.memory_space<vmem>> -> memref<32x128xf32, #tpu.memory_space<vmem>>
    %dma_start3A_34 = arith.constant 64 : i32
    %dma_start3A_35 = tpu.memref_slice %arg8[%dma_start3A_28, %dma_start3A_34] : memref<80x128xi32, #tpu.memory_space<vmem>> -> memref<1x32xi32, #tpu.memory_space<vmem>>
    %dma_start3A_36 = tpu.memref_squeeze %dma_start3A_35 : memref<1x32xi32, #tpu.memory_space<vmem>> -> memref<32xi32, #tpu.memory_space<vmem>>
    %dma_start3A_37 = arith.constant 0 : i32
    %dma_start3A_38 = arith.constant 0 : i32
    %dma_start3A_39 = tpu.memref_slice %arg2[%dma_start3A_37, %dma_start3A_38] : memref<10000x128xf32, #tpu.memory_space<hbm>> -> memref<10000x128xf32, #tpu.memory_space<hbm>>
    tpu.enqueue_indirect_dma source(%dma_start3A_39 : memref<10000x128xf32, #tpu.memory_space<hbm>>) target(%dma_start3A_33 : memref<32x128xf32, #tpu.memory_space<vmem>>) offsets(%dma_start3A_36 : memref<32xi32, #tpu.memory_space<vmem>>) semaphore(%arg13 : memref<!tpu.dma_semaphore, #tpu.memory_space<semaphore_mem>>)
    %dma_start3A_40 = arith.constant 0 : i32
    %dma_start3A_41 = arith.constant 3 : i32
    %dma_start3A_42 = arith.constant 0 : i32
    %dma_start3A_43 = arith.constant 0 : i32
    %dma_start3A_44 = tpu.memref_slice %arg10[%dma_start3A_41, %dma_start3A_42, %dma_start3A_43] : memref<4x32x128xf32, #tpu.memory_space<vmem>> -> memref<1x32x128xf32, #tpu.memory_space<vmem>>
    %dma_start3A_45 = tpu.memref_squeeze %dma_start3A_44 : memref<1x32x128xf32, #tpu.memory_space<vmem>> -> memref<32x128xf32, #tpu.memory_space<vmem>>
    %dma_start3A_46 = arith.constant 96 : i32
    %dma_start3A_47 = tpu.memref_slice %arg8[%dma_start3A_40, %dma_start3A_46] : memref<80x128xi32, #tpu.memory_space<vmem>> -> memref<1x32xi32, #tpu.memory_space<vmem>>
    %dma_start3A_48 = tpu.memref_squeeze %dma_start3A_47 : memref<1x32xi32, #tpu.memory_space<vmem>> -> memref<32xi32, #tpu.memory_space<vmem>>
    %dma_start3A_49 = arith.constant 0 : i32
    %dma_start3A_50 = arith.constant 0 : i32
    %dma_start3A_51 = tpu.memref_slice %arg2[%dma_start3A_49, %dma_start3A_50] : memref<10000x128xf32, #tpu.memory_space<hbm>> -> memref<10000x128xf32, #tpu.memory_space<hbm>>
    tpu.enqueue_indirect_dma source(%dma_start3A_51 : memref<10000x128xf32, #tpu.memory_space<hbm>>) target(%dma_start3A_45 : memref<32x128xf32, #tpu.memory_space<vmem>>) offsets(%dma_start3A_48 : memref<32xi32, #tpu.memory_space<vmem>>) semaphore(%arg14 : memref<!tpu.dma_semaphore, #tpu.memory_space<semaphore_mem>>)
    %scan3A = arith.constant 0 : i32
    %scan3A_52 = arith.constant 0 : i32
    %scan3A_53 = arith.constant 79 : i32
    %scan3A_54 = arith.addi %scan3A_52, %scan3A_53 : i32
    %scan3A_55 = arith.constant 1 : i32
    scf.for %scan3A_116 = %scan3A_52 to %scan3A_54 step %scan3A_55  : i32 {
      %mul3A_117 = arith.constant 4 : i32
      %mul3A_118 = arith.muli %scan3A_116, %mul3A_117 : i32
      %add3A_119 = arith.constant 0 : i32
      %add3A_120 = arith.addi %mul3A_118, %add3A_119 : i32
      %jit3A = arith.constant 4 : i32
      %div3A = arith.divsi %add3A_120, %jit3A : i32
      %sign3A = arith.constant 0 : i32
      %sign3A_121 = arith.cmpi sgt, %add3A_120, %sign3A : i32
      %sign3A_122 = arith.extui %sign3A_121 : i1 to i32
      %sign3A_123 = arith.constant 0 : i32
      %sign3A_124 = arith.cmpi slt, %add3A_120, %sign3A_123 : i32
      %sign3A_125 = arith.extui %sign3A_124 : i1 to i32
      %sign3A_126 = arith.subi %sign3A_122, %sign3A_125 : i32
      %sign3A_127 = arith.constant 0 : i32
      %sign3A_128 = arith.cmpi sgt, %jit3A, %sign3A_127 : i32
      %sign3A_129 = arith.extui %sign3A_128 : i1 to i32
      %sign3A_130 = arith.constant 0 : i32
      %sign3A_131 = arith.cmpi slt, %jit3A, %sign3A_130 : i32
      %sign3A_132 = arith.extui %sign3A_131 : i1 to i32
      %sign3A_133 = arith.subi %sign3A_129, %sign3A_132 : i32
      %ne3A = arith.cmpi ne, %sign3A_126, %sign3A_133 : i32
      %rem3A = arith.remsi %add3A_120, %jit3A : i32
      %ne3A_134 = arith.constant 0 : i32
      %ne3A_135 = arith.cmpi ne, %rem3A, %ne3A_134 : i32
      %and3A = arith.andi %ne3A, %ne3A_135 : i1
      %sub3A = arith.constant 1 : i32
      %sub3A_136 = arith.subi %div3A, %sub3A : i32
      %select_n3A = arith.select %and3A, %sub3A_136, %div3A : i32
      %jit3A_137 = arith.constant 4 : i32
      %eq3A = arith.constant 0 : i32
      %eq3A_138 = arith.cmpi eq, %jit3A_137, %eq3A : i32
      %jit3A_139 = arith.constant 1 : i32
      %select_n3A_140 = arith.select %eq3A_138, %jit3A_139, %jit3A_137 : i32
      %rem3A_141 = arith.remsi %add3A_120, %select_n3A_140 : i32
      %ne3A_142 = arith.constant 0 : i32
      %ne3A_143 = arith.cmpi ne, %rem3A_141, %ne3A_142 : i32
      %lt3A = arith.constant 0 : i32
      %lt3A_144 = arith.cmpi slt, %rem3A_141, %lt3A : i32
      %lt3A_145 = arith.constant 0 : i32
      %lt3A_146 = arith.cmpi slt, %select_n3A_140, %lt3A_145 : i32
      %ne3A_147 = arith.xori %lt3A_144, %lt3A_146 : i1
      %and3A_148 = arith.andi %ne3A_147, %ne3A_143 : i1
      %add3A_149 = arith.addi %rem3A_141, %select_n3A_140 : i32
      %select_n3A_150 = arith.select %and3A_148, %add3A_149, %rem3A_141 : i32
      %mul3A_151 = arith.constant 32 : i32
      %mul3A_152 = arith.muli %select_n3A_150, %mul3A_151 : i32
      %dma_wait3A_153 = arith.constant 0 : i32
      %dma_wait3A_154 = arith.constant 0 : i32
      %dma_wait3A_155 = arith.constant 0 : i32
      %dma_wait3A_156 = tpu.memref_slice %arg10[%dma_wait3A_153, %dma_wait3A_154, %dma_wait3A_155] : memref<4x32x128xf32, #tpu.memory_space<vmem>> -> memref<1x32x128xf32, #tpu.memory_space<vmem>>
      %dma_wait3A_157 = tpu.memref_squeeze %dma_wait3A_156 : memref<1x32x128xf32, #tpu.memory_space<vmem>> -> memref<32x128xf32, #tpu.memory_space<vmem>>
      %dma_wait3A_158 = tpu.memref_slice %arg8[%select_n3A, %mul3A_152] : memref<80x128xi32, #tpu.memory_space<vmem>> -> memref<1x32xi32, #tpu.memory_space<vmem>>
      %dma_wait3A_159 = tpu.memref_squeeze %dma_wait3A_158 : memref<1x32xi32, #tpu.memory_space<vmem>> -> memref<32xi32, #tpu.memory_space<vmem>>
      %dma_wait3A_160 = arith.constant 0 : i32
      %dma_wait3A_161 = arith.constant 0 : i32
      %dma_wait3A_162 = tpu.memref_slice %arg2[%dma_wait3A_160, %dma_wait3A_161] : memref<10000x128xf32, #tpu.memory_space<hbm>> -> memref<10000x128xf32, #tpu.memory_space<hbm>>
      tpu.wait_indirect_dma semaphore(%arg11 : memref<!tpu.dma_semaphore, #tpu.memory_space<semaphore_mem>>) src(%dma_wait3A_162 : memref<10000x128xf32, #tpu.memory_space<hbm>>) dst(%dma_wait3A_157 : memref<32x128xf32, #tpu.memory_space<vmem>>)
      %jit3A_163 = arith.constant 4 : i32
      %div3A_164 = arith.divsi %add3A_120, %jit3A_163 : i32
      %sign3A_165 = arith.constant 0 : i32
      %sign3A_166 = arith.cmpi sgt, %add3A_120, %sign3A_165 : i32
      %sign3A_167 = arith.extui %sign3A_166 : i1 to i32
      %sign3A_168 = arith.constant 0 : i32
      %sign3A_169 = arith.cmpi slt, %add3A_120, %sign3A_168 : i32
      %sign3A_170 = arith.extui %sign3A_169 : i1 to i32
      %sign3A_171 = arith.subi %sign3A_167, %sign3A_170 : i32
      %sign3A_172 = arith.constant 0 : i32
      %sign3A_173 = arith.cmpi sgt, %jit3A_163, %sign3A_172 : i32
      %sign3A_174 = arith.extui %sign3A_173 : i1 to i32
      %sign3A_175 = arith.constant 0 : i32
      %sign3A_176 = arith.cmpi slt, %jit3A_163, %sign3A_175 : i32
      %sign3A_177 = arith.extui %sign3A_176 : i1 to i32
      %sign3A_178 = arith.subi %sign3A_174, %sign3A_177 : i32
      %ne3A_179 = arith.cmpi ne, %sign3A_171, %sign3A_178 : i32
      %rem3A_180 = arith.remsi %add3A_120, %jit3A_163 : i32
      %ne3A_181 = arith.constant 0 : i32
      %ne3A_182 = arith.cmpi ne, %rem3A_180, %ne3A_181 : i32
      %and3A_183 = arith.andi %ne3A_179, %ne3A_182 : i1
      %sub3A_184 = arith.constant 1 : i32
      %sub3A_185 = arith.subi %div3A_164, %sub3A_184 : i32
      %select_n3A_186 = arith.select %and3A_183, %sub3A_185, %div3A_164 : i32
      %jit3A_187 = arith.constant 4 : i32
      %eq3A_188 = arith.constant 0 : i32
      %eq3A_189 = arith.cmpi eq, %jit3A_187, %eq3A_188 : i32
      %jit3A_190 = arith.constant 1 : i32
      %select_n3A_191 = arith.select %eq3A_189, %jit3A_190, %jit3A_187 : i32
      %rem3A_192 = arith.remsi %add3A_120, %select_n3A_191 : i32
      %ne3A_193 = arith.constant 0 : i32
      %ne3A_194 = arith.cmpi ne, %rem3A_192, %ne3A_193 : i32
      %lt3A_195 = arith.constant 0 : i32
      %lt3A_196 = arith.cmpi slt, %rem3A_192, %lt3A_195 : i32
      %lt3A_197 = arith.constant 0 : i32
      %lt3A_198 = arith.cmpi slt, %select_n3A_191, %lt3A_197 : i32
      %ne3A_199 = arith.xori %lt3A_196, %lt3A_198 : i1
      %and3A_200 = arith.andi %ne3A_199, %ne3A_194 : i1
      %add3A_201 = arith.addi %rem3A_192, %select_n3A_191 : i32
      %select_n3A_202 = arith.select %and3A_200, %add3A_201, %rem3A_192 : i32
      %mul3A_203 = arith.constant 32 : i32
      %mul3A_204 = arith.muli %select_n3A_202, %mul3A_203 : i32
      %run_scoped3A_205 = arith.constant 0 : i32
      "tpu.region"() ({
        %run_scoped3A_719 = tpu.sem_alloc : memref<!tpu.dma_semaphore, #tpu.memory_space<semaphore_mem>>
        %dma_start3A_720 = arith.constant 0 : i32
        %dma_start3A_721 = arith.constant 0 : i32
        %dma_start3A_722 = tpu.memref_slice %arg10[%run_scoped3A_205, %dma_start3A_720, %dma_start3A_721] : memref<4x32x128xf32, #tpu.memory_space<vmem>> -> memref<1x32x128xf32, #tpu.memory_space<vmem>>
        %dma_start3A_723 = tpu.memref_squeeze %dma_start3A_722 : memref<1x32x128xf32, #tpu.memory_space<vmem>> -> memref<32x128xf32, #tpu.memory_space<vmem>>
        %dma_start3A_724 = tpu.memref_slice %arg9[%select_n3A_186, %mul3A_204] : memref<80x128xi32, #tpu.memory_space<vmem>> -> memref<1x32xi32, #tpu.memory_space<vmem>>
        %dma_start3A_725 = tpu.memref_squeeze %dma_start3A_724 : memref<1x32xi32, #tpu.memory_space<vmem>> -> memref<32xi32, #tpu.memory_space<vmem>>
        %dma_start3A_726 = arith.constant 0 : i32
        %dma_start3A_727 = arith.constant 0 : i32
        %dma_start3A_728 = tpu.memref_slice %arg7[%dma_start3A_726, %dma_start3A_727] : memref<10112x128xf32, #tpu.memory_space<vmem_shared>> -> memref<10112x128xf32, #tpu.memory_space<vmem_shared>>
        tpu.enqueue_indirect_dma source(%dma_start3A_723 : memref<32x128xf32, #tpu.memory_space<vmem>>) target(%dma_start3A_728 : memref<10112x128xf32, #tpu.memory_space<vmem_shared>>) offsets(%dma_start3A_725 : memref<32xi32, #tpu.memory_space<vmem>>) semaphore(%run_scoped3A_719 : memref<!tpu.dma_semaphore, #tpu.memory_space<semaphore_mem>>) {add = true}
        %dma_wait3A_729 = arith.constant 0 : i32
        %dma_wait3A_730 = arith.constant 0 : i32
        %dma_wait3A_731 = tpu.memref_slice %arg10[%run_scoped3A_205, %dma_wait3A_729, %dma_wait3A_730] : memref<4x32x128xf32, #tpu.memory_space<vmem>> -> memref<1x32x128xf32, #tpu.memory_space<vmem>>
        %dma_wait3A_732 = tpu.memref_squeeze %dma_wait3A_731 : memref<1x32x128xf32, #tpu.memory_space<vmem>> -> memref<32x128xf32, #tpu.memory_space<vmem>>
        %dma_wait3A_733 = tpu.memref_slice %arg9[%select_n3A_186, %mul3A_204] : memref<80x128xi32, #tpu.memory_space<vmem>> -> memref<1x32xi32, #tpu.memory_space<vmem>>
        %dma_wait3A_734 = tpu.memref_squeeze %dma_wait3A_733 : memref<1x32xi32, #tpu.memory_space<vmem>> -> memref<32xi32, #tpu.memory_space<vmem>>
        %dma_wait3A_735 = arith.constant 0 : i32
        %dma_wait3A_736 = arith.constant 0 : i32
        %dma_wait3A_737 = tpu.memref_slice %arg7[%dma_wait3A_735, %dma_wait3A_736] : memref<10112x128xf32, #tpu.memory_space<vmem_shared>> -> memref<10112x128xf32, #tpu.memory_space<vmem_shared>>
        tpu.wait_indirect_dma semaphore(%run_scoped3A_719 : memref<!tpu.dma_semaphore, #tpu.memory_space<semaphore_mem>>) src(%dma_wait3A_732 : memref<32x128xf32, #tpu.memory_space<vmem>>) dst(%dma_wait3A_737 : memref<10112x128xf32, #tpu.memory_space<vmem_shared>>)
        tpu.yield
      }) : () -> ()
      %add3A_206 = arith.constant 4 : i32
      %add3A_207 = arith.addi %add3A_120, %add3A_206 : i32
      %jit3A_208 = arith.constant 4 : i32
      %div3A_209 = arith.divsi %add3A_207, %jit3A_208 : i32
      %sign3A_210 = arith.constant 0 : i32
      %sign3A_211 = arith.cmpi sgt, %add3A_207, %sign3A_210 : i32
      %sign3A_212 = arith.extui %sign3A_211 : i1 to i32
      %sign3A_213 = arith.constant 0 : i32
      %sign3A_214 = arith.cmpi slt, %add3A_207, %sign3A_213 : i32
      %sign3A_215 = arith.extui %sign3A_214 : i1 to i32
      %sign3A_216 = arith.subi %sign3A_212, %sign3A_215 : i32
      %sign3A_217 = arith.constant 0 : i32
      %sign3A_218 = arith.cmpi sgt, %jit3A_208, %sign3A_217 : i32
      %sign3A_219 = arith.extui %sign3A_218 : i1 to i32
      %sign3A_220 = arith.constant 0 : i32
      %sign3A_221 = arith.cmpi slt, %jit3A_208, %sign3A_220 : i32
      %sign3A_222 = arith.extui %sign3A_221 : i1 to i32
      %sign3A_223 = arith.subi %sign3A_219, %sign3A_222 : i32
      %ne3A_224 = arith.cmpi ne, %sign3A_216, %sign3A_223 : i32
      %rem3A_225 = arith.remsi %add3A_207, %jit3A_208 : i32
      %ne3A_226 = arith.constant 0 : i32
      %ne3A_227 = arith.cmpi ne, %rem3A_225, %ne3A_226 : i32
      %and3A_228 = arith.andi %ne3A_224, %ne3A_227 : i1
      %sub3A_229 = arith.constant 1 : i32
      %sub3A_230 = arith.subi %div3A_209, %sub3A_229 : i32
      %select_n3A_231 = arith.select %and3A_228, %sub3A_230, %div3A_209 : i32
      %jit3A_232 = arith.constant 4 : i32
      %eq3A_233 = arith.constant 0 : i32
      %eq3A_234 = arith.cmpi eq, %jit3A_232, %eq3A_233 : i32
      %jit3A_235 = arith.constant 1 : i32
      %select_n3A_236 = arith.select %eq3A_234, %jit3A_235, %jit3A_232 : i32
      %rem3A_237 = arith.remsi %add3A_207, %select_n3A_236 : i32
      %ne3A_238 = arith.constant 0 : i32
      %ne3A_239 = arith.cmpi ne, %rem3A_237, %ne3A_238 : i32
      %lt3A_240 = arith.constant 0 : i32
      %lt3A_241 = arith.cmpi slt, %rem3A_237, %lt3A_240 : i32
      %lt3A_242 = arith.constant 0 : i32
      %lt3A_243 = arith.cmpi slt, %select_n3A_236, %lt3A_242 : i32
      %ne3A_244 = arith.xori %lt3A_241, %lt3A_243 : i1
      %and3A_245 = arith.andi %ne3A_244, %ne3A_239 : i1
      %add3A_246 = arith.addi %rem3A_237, %select_n3A_236 : i32
      %select_n3A_247 = arith.select %and3A_245, %add3A_246, %rem3A_237 : i32
      %mul3A_248 = arith.constant 32 : i32
      %mul3A_249 = arith.muli %select_n3A_247, %mul3A_248 : i32
      %dma_start3A_250 = arith.constant 0 : i32
      %dma_start3A_251 = arith.constant 0 : i32
      %dma_start3A_252 = arith.constant 0 : i32
      %dma_start3A_253 = tpu.memref_slice %arg10[%dma_start3A_250, %dma_start3A_251, %dma_start3A_252] : memref<4x32x128xf32, #tpu.memory_space<vmem>> -> memref<1x32x128xf32, #tpu.memory_space<vmem>>
      %dma_start3A_254 = tpu.memref_squeeze %dma_start3A_253 : memref<1x32x128xf32, #tpu.memory_space<vmem>> -> memref<32x128xf32, #tpu.memory_space<vmem>>
      %dma_start3A_255 = tpu.memref_slice %arg8[%select_n3A_231, %mul3A_249] : memref<80x128xi32, #tpu.memory_space<vmem>> -> memref<1x32xi32, #tpu.memory_space<vmem>>
      %dma_start3A_256 = tpu.memref_squeeze %dma_start3A_255 : memref<1x32xi32, #tpu.memory_space<vmem>> -> memref<32xi32, #tpu.memory_space<vmem>>
      %dma_start3A_257 = arith.constant 0 : i32
      %dma_start3A_258 = arith.constant 0 : i32
      %dma_start3A_259 = tpu.memref_slice %arg2[%dma_start3A_257, %dma_start3A_258] : memref<10000x128xf32, #tpu.memory_space<hbm>> -> memref<10000x128xf32, #tpu.memory_space<hbm>>
      tpu.enqueue_indirect_dma source(%dma_start3A_259 : memref<10000x128xf32, #tpu.memory_space<hbm>>) target(%dma_start3A_254 : memref<32x128xf32, #tpu.memory_space<vmem>>) offsets(%dma_start3A_256 : memref<32xi32, #tpu.memory_space<vmem>>) semaphore(%arg11 : memref<!tpu.dma_semaphore, #tpu.memory_space<semaphore_mem>>)
      %mul3A_260 = arith.constant 4 : i32
      %mul3A_261 = arith.muli %scan3A_116, %mul3A_260 : i32
      %add3A_262 = arith.constant 1 : i32
      %add3A_263 = arith.addi %mul3A_261, %add3A_262 : i32
      %jit3A_264 = arith.constant 4 : i32
      %div3A_265 = arith.divsi %add3A_263, %jit3A_264 : i32
      %sign3A_266 = arith.constant 0 : i32
      %sign3A_267 = arith.cmpi sgt, %add3A_263, %sign3A_266 : i32
      %sign3A_268 = arith.extui %sign3A_267 : i1 to i32
      %sign3A_269 = arith.constant 0 : i32
      %sign3A_270 = arith.cmpi slt, %add3A_263, %sign3A_269 : i32
      %sign3A_271 = arith.extui %sign3A_270 : i1 to i32
      %sign3A_272 = arith.subi %sign3A_268, %sign3A_271 : i32
      %sign3A_273 = arith.constant 0 : i32
      %sign3A_274 = arith.cmpi sgt, %jit3A_264, %sign3A_273 : i32
      %sign3A_275 = arith.extui %sign3A_274 : i1 to i32
      %sign3A_276 = arith.constant 0 : i32
      %sign3A_277 = arith.cmpi slt, %jit3A_264, %sign3A_276 : i32
      %sign3A_278 = arith.extui %sign3A_277 : i1 to i32
      %sign3A_279 = arith.subi %sign3A_275, %sign3A_278 : i32
      %ne3A_280 = arith.cmpi ne, %sign3A_272, %sign3A_279 : i32
      %rem3A_281 = arith.remsi %add3A_263, %jit3A_264 : i32
      %ne3A_282 = arith.constant 0 : i32
      %ne3A_283 = arith.cmpi ne, %rem3A_281, %ne3A_282 : i32
      %and3A_284 = arith.andi %ne3A_280, %ne3A_283 : i1
      %sub3A_285 = arith.constant 1 : i32
      %sub3A_286 = arith.subi %div3A_265, %sub3A_285 : i32
      %select_n3A_287 = arith.select %and3A_284, %sub3A_286, %div3A_265 : i32
      %jit3A_288 = arith.constant 4 : i32
      %eq3A_289 = arith.constant 0 : i32
      %eq3A_290 = arith.cmpi eq, %jit3A_288, %eq3A_289 : i32
      %jit3A_291 = arith.constant 1 : i32
      %select_n3A_292 = arith.select %eq3A_290, %jit3A_291, %jit3A_288 : i32
      %rem3A_293 = arith.remsi %add3A_263, %select_n3A_292 : i32
      %ne3A_294 = arith.constant 0 : i32
      %ne3A_295 = arith.cmpi ne, %rem3A_293, %ne3A_294 : i32
      %lt3A_296 = arith.constant 0 : i32
      %lt3A_297 = arith.cmpi slt, %rem3A_293, %lt3A_296 : i32
      %lt3A_298 = arith.constant 0 : i32
      %lt3A_299 = arith.cmpi slt, %select_n3A_292, %lt3A_298 : i32
      %ne3A_300 = arith.xori %lt3A_297, %lt3A_299 : i1
      %and3A_301 = arith.andi %ne3A_300, %ne3A_295 : i1
      %add3A_302 = arith.addi %rem3A_293, %select_n3A_292 : i32
      %select_n3A_303 = arith.select %and3A_301, %add3A_302, %rem3A_293 : i32
      %mul3A_304 = arith.constant 32 : i32
      %mul3A_305 = arith.muli %select_n3A_303, %mul3A_304 : i32
      %dma_wait3A_306 = arith.constant 1 : i32
      %dma_wait3A_307 = arith.constant 0 : i32
      %dma_wait3A_308 = arith.constant 0 : i32
      %dma_wait3A_309 = tpu.memref_slice %arg10[%dma_wait3A_306, %dma_wait3A_307, %dma_wait3A_308] : memref<4x32x128xf32, #tpu.memory_space<vmem>> -> memref<1x32x128xf32, #tpu.memory_space<vmem>>
      %dma_wait3A_310 = tpu.memref_squeeze %dma_wait3A_309 : memref<1x32x128xf32, #tpu.memory_space<vmem>> -> memref<32x128xf32, #tpu.memory_space<vmem>>
      %dma_wait3A_311 = tpu.memref_slice %arg8[%select_n3A_287, %mul3A_305] : memref<80x128xi32, #tpu.memory_space<vmem>> -> memref<1x32xi32, #tpu.memory_space<vmem>>
      %dma_wait3A_312 = tpu.memref_squeeze %dma_wait3A_311 : memref<1x32xi32, #tpu.memory_space<vmem>> -> memref<32xi32, #tpu.memory_space<vmem>>
      %dma_wait3A_313 = arith.constant 0 : i32
      %dma_wait3A_314 = arith.constant 0 : i32
      %dma_wait3A_315 = tpu.memref_slice %arg2[%dma_wait3A_313, %dma_wait3A_314] : memref<10000x128xf32, #tpu.memory_space<hbm>> -> memref<10000x128xf32, #tpu.memory_space<hbm>>
      tpu.wait_indirect_dma semaphore(%arg12 : memref<!tpu.dma_semaphore, #tpu.memory_space<semaphore_mem>>) src(%dma_wait3A_315 : memref<10000x128xf32, #tpu.memory_space<hbm>>) dst(%dma_wait3A_310 : memref<32x128xf32, #tpu.memory_space<vmem>>)
      %jit3A_316 = arith.constant 4 : i32
      %div3A_317 = arith.divsi %add3A_263, %jit3A_316 : i32
      %sign3A_318 = arith.constant 0 : i32
      %sign3A_319 = arith.cmpi sgt, %add3A_263, %sign3A_318 : i32
      %sign3A_320 = arith.extui %sign3A_319 : i1 to i32
      %sign3A_321 = arith.constant 0 : i32
      %sign3A_322 = arith.cmpi slt, %add3A_263, %sign3A_321 : i32
      %sign3A_323 = arith.extui %sign3A_322 : i1 to i32
      %sign3A_324 = arith.subi %sign3A_320, %sign3A_323 : i32
      %sign3A_325 = arith.constant 0 : i32
      %sign3A_326 = arith.cmpi sgt, %jit3A_316, %sign3A_325 : i32
      %sign3A_327 = arith.extui %sign3A_326 : i1 to i32
      %sign3A_328 = arith.constant 0 : i32
      %sign3A_329 = arith.cmpi slt, %jit3A_316, %sign3A_328 : i32
      %sign3A_330 = arith.extui %sign3A_329 : i1 to i32
      %sign3A_331 = arith.subi %sign3A_327, %sign3A_330 : i32
      %ne3A_332 = arith.cmpi ne, %sign3A_324, %sign3A_331 : i32
      %rem3A_333 = arith.remsi %add3A_263, %jit3A_316 : i32
      %ne3A_334 = arith.constant 0 : i32
      %ne3A_335 = arith.cmpi ne, %rem3A_333, %ne3A_334 : i32
      %and3A_336 = arith.andi %ne3A_332, %ne3A_335 : i1
      %sub3A_337 = arith.constant 1 : i32
      %sub3A_338 = arith.subi %div3A_317, %sub3A_337 : i32
      %select_n3A_339 = arith.select %and3A_336, %sub3A_338, %div3A_317 : i32
      %jit3A_340 = arith.constant 4 : i32
      %eq3A_341 = arith.constant 0 : i32
      %eq3A_342 = arith.cmpi eq, %jit3A_340, %eq3A_341 : i32
      %jit3A_343 = arith.constant 1 : i32
      %select_n3A_344 = arith.select %eq3A_342, %jit3A_343, %jit3A_340 : i32
      %rem3A_345 = arith.remsi %add3A_263, %select_n3A_344 : i32
      %ne3A_346 = arith.constant 0 : i32
      %ne3A_347 = arith.cmpi ne, %rem3A_345, %ne3A_346 : i32
      %lt3A_348 = arith.constant 0 : i32
      %lt3A_349 = arith.cmpi slt, %rem3A_345, %lt3A_348 : i32
      %lt3A_350 = arith.constant 0 : i32
      %lt3A_351 = arith.cmpi slt, %select_n3A_344, %lt3A_350 : i32
      %ne3A_352 = arith.xori %lt3A_349, %lt3A_351 : i1
      %and3A_353 = arith.andi %ne3A_352, %ne3A_347 : i1
      %add3A_354 = arith.addi %rem3A_345, %select_n3A_344 : i32
      %select_n3A_355 = arith.select %and3A_353, %add3A_354, %rem3A_345 : i32
      %mul3A_356 = arith.constant 32 : i32
      %mul3A_357 = arith.muli %select_n3A_355, %mul3A_356 : i32
      %run_scoped3A_358 = arith.constant 1 : i32
      "tpu.region"() ({
        %run_scoped3A_719 = tpu.sem_alloc : memref<!tpu.dma_semaphore, #tpu.memory_space<semaphore_mem>>
        %dma_start3A_720 = arith.constant 0 : i32
        %dma_start3A_721 = arith.constant 0 : i32
        %dma_start3A_722 = tpu.memref_slice %arg10[%run_scoped3A_358, %dma_start3A_720, %dma_start3A_721] : memref<4x32x128xf32, #tpu.memory_space<vmem>> -> memref<1x32x128xf32, #tpu.memory_space<vmem>>
        %dma_start3A_723 = tpu.memref_squeeze %dma_start3A_722 : memref<1x32x128xf32, #tpu.memory_space<vmem>> -> memref<32x128xf32, #tpu.memory_space<vmem>>
        %dma_start3A_724 = tpu.memref_slice %arg9[%select_n3A_339, %mul3A_357] : memref<80x128xi32, #tpu.memory_space<vmem>> -> memref<1x32xi32, #tpu.memory_space<vmem>>
        %dma_start3A_725 = tpu.memref_squeeze %dma_start3A_724 : memref<1x32xi32, #tpu.memory_space<vmem>> -> memref<32xi32, #tpu.memory_space<vmem>>
        %dma_start3A_726 = arith.constant 0 : i32
        %dma_start3A_727 = arith.constant 0 : i32
        %dma_start3A_728 = tpu.memref_slice %arg7[%dma_start3A_726, %dma_start3A_727] : memref<10112x128xf32, #tpu.memory_space<vmem_shared>> -> memref<10112x128xf32, #tpu.memory_space<vmem_shared>>
        tpu.enqueue_indirect_dma source(%dma_start3A_723 : memref<32x128xf32, #tpu.memory_space<vmem>>) target(%dma_start3A_728 : memref<10112x128xf32, #tpu.memory_space<vmem_shared>>) offsets(%dma_start3A_725 : memref<32xi32, #tpu.memory_space<vmem>>) semaphore(%run_scoped3A_719 : memref<!tpu.dma_semaphore, #tpu.memory_space<semaphore_mem>>) {add = true}
        %dma_wait3A_729 = arith.constant 0 : i32
        %dma_wait3A_730 = arith.constant 0 : i32
        %dma_wait3A_731 = tpu.memref_slice %arg10[%run_scoped3A_358, %dma_wait3A_729, %dma_wait3A_730] : memref<4x32x128xf32, #tpu.memory_space<vmem>> -> memref<1x32x128xf32, #tpu.memory_space<vmem>>
        %dma_wait3A_732 = tpu.memref_squeeze %dma_wait3A_731 : memref<1x32x128xf32, #tpu.memory_space<vmem>> -> memref<32x128xf32, #tpu.memory_space<vmem>>
        %dma_wait3A_733 = tpu.memref_slice %arg9[%select_n3A_339, %mul3A_357] : memref<80x128xi32, #tpu.memory_space<vmem>> -> memref<1x32xi32, #tpu.memory_space<vmem>>
        %dma_wait3A_734 = tpu.memref_squeeze %dma_wait3A_733 : memref<1x32xi32, #tpu.memory_space<vmem>> -> memref<32xi32, #tpu.memory_space<vmem>>
        %dma_wait3A_735 = arith.constant 0 : i32
        %dma_wait3A_736 = arith.constant 0 : i32
        %dma_wait3A_737 = tpu.memref_slice %arg7[%dma_wait3A_735, %dma_wait3A_736] : memref<10112x128xf32, #tpu.memory_space<vmem_shared>> -> memref<10112x128xf32, #tpu.memory_space<vmem_shared>>
        tpu.wait_indirect_dma semaphore(%run_scoped3A_719 : memref<!tpu.dma_semaphore, #tpu.memory_space<semaphore_mem>>) src(%dma_wait3A_732 : memref<32x128xf32, #tpu.memory_space<vmem>>) dst(%dma_wait3A_737 : memref<10112x128xf32, #tpu.memory_space<vmem_shared>>)
        tpu.yield
      }) : () -> ()
      %add3A_359 = arith.constant 4 : i32
      %add3A_360 = arith.addi %add3A_263, %add3A_359 : i32
      %jit3A_361 = arith.constant 4 : i32
      %div3A_362 = arith.divsi %add3A_360, %jit3A_361 : i32
      %sign3A_363 = arith.constant 0 : i32
      %sign3A_364 = arith.cmpi sgt, %add3A_360, %sign3A_363 : i32
      %sign3A_365 = arith.extui %sign3A_364 : i1 to i32
      %sign3A_366 = arith.constant 0 : i32
      %sign3A_367 = arith.cmpi slt, %add3A_360, %sign3A_366 : i32
      %sign3A_368 = arith.extui %sign3A_367 : i1 to i32
      %sign3A_369 = arith.subi %sign3A_365, %sign3A_368 : i32
      %sign3A_370 = arith.constant 0 : i32
      %sign3A_371 = arith.cmpi sgt, %jit3A_361, %sign3A_370 : i32
      %sign3A_372 = arith.extui %sign3A_371 : i1 to i32
      %sign3A_373 = arith.constant 0 : i32
      %sign3A_374 = arith.cmpi slt, %jit3A_361, %sign3A_373 : i32
      %sign3A_375 = arith.extui %sign3A_374 : i1 to i32
      %sign3A_376 = arith.subi %sign3A_372, %sign3A_375 : i32
      %ne3A_377 = arith.cmpi ne, %sign3A_369, %sign3A_376 : i32
      %rem3A_378 = arith.remsi %add3A_360, %jit3A_361 : i32
      %ne3A_379 = arith.constant 0 : i32
      %ne3A_380 = arith.cmpi ne, %rem3A_378, %ne3A_379 : i32
      %and3A_381 = arith.andi %ne3A_377, %ne3A_380 : i1
      %sub3A_382 = arith.constant 1 : i32
      %sub3A_383 = arith.subi %div3A_362, %sub3A_382 : i32
      %select_n3A_384 = arith.select %and3A_381, %sub3A_383, %div3A_362 : i32
      %jit3A_385 = arith.constant 4 : i32
      %eq3A_386 = arith.constant 0 : i32
      %eq3A_387 = arith.cmpi eq, %jit3A_385, %eq3A_386 : i32
      %jit3A_388 = arith.constant 1 : i32
      %select_n3A_389 = arith.select %eq3A_387, %jit3A_388, %jit3A_385 : i32
      %rem3A_390 = arith.remsi %add3A_360, %select_n3A_389 : i32
      %ne3A_391 = arith.constant 0 : i32
      %ne3A_392 = arith.cmpi ne, %rem3A_390, %ne3A_391 : i32
      %lt3A_393 = arith.constant 0 : i32
      %lt3A_394 = arith.cmpi slt, %rem3A_390, %lt3A_393 : i32
      %lt3A_395 = arith.constant 0 : i32
      %lt3A_396 = arith.cmpi slt, %select_n3A_389, %lt3A_395 : i32
      %ne3A_397 = arith.xori %lt3A_394, %lt3A_396 : i1
      %and3A_398 = arith.andi %ne3A_397, %ne3A_392 : i1
      %add3A_399 = arith.addi %rem3A_390, %select_n3A_389 : i32
      %select_n3A_400 = arith.select %and3A_398, %add3A_399, %rem3A_390 : i32
      %mul3A_401 = arith.constant 32 : i32
      %mul3A_402 = arith.muli %select_n3A_400, %mul3A_401 : i32
      %dma_start3A_403 = arith.constant 1 : i32
      %dma_start3A_404 = arith.constant 0 : i32
      %dma_start3A_405 = arith.constant 0 : i32
      %dma_start3A_406 = tpu.memref_slice %arg10[%dma_start3A_403, %dma_start3A_404, %dma_start3A_405] : memref<4x32x128xf32, #tpu.memory_space<vmem>> -> memref<1x32x128xf32, #tpu.memory_space<vmem>>
      %dma_start3A_407 = tpu.memref_squeeze %dma_start3A_406 : memref<1x32x128xf32, #tpu.memory_space<vmem>> -> memref<32x128xf32, #tpu.memory_space<vmem>>
      %dma_start3A_408 = tpu.memref_slice %arg8[%select_n3A_384, %mul3A_402] : memref<80x128xi32, #tpu.memory_space<vmem>> -> memref<1x32xi32, #tpu.memory_space<vmem>>
      %dma_start3A_409 = tpu.memref_squeeze %dma_start3A_408 : memref<1x32xi32, #tpu.memory_space<vmem>> -> memref<32xi32, #tpu.memory_space<vmem>>
      %dma_start3A_410 = arith.constant 0 : i32
      %dma_start3A_411 = arith.constant 0 : i32
      %dma_start3A_412 = tpu.memref_slice %arg2[%dma_start3A_410, %dma_start3A_411] : memref<10000x128xf32, #tpu.memory_space<hbm>> -> memref<10000x128xf32, #tpu.memory_space<hbm>>
      tpu.enqueue_indirect_dma source(%dma_start3A_412 : memref<10000x128xf32, #tpu.memory_space<hbm>>) target(%dma_start3A_407 : memref<32x128xf32, #tpu.memory_space<vmem>>) offsets(%dma_start3A_409 : memref<32xi32, #tpu.memory_space<vmem>>) semaphore(%arg12 : memref<!tpu.dma_semaphore, #tpu.memory_space<semaphore_mem>>)
      %mul3A_413 = arith.constant 4 : i32
      %mul3A_414 = arith.muli %scan3A_116, %mul3A_413 : i32
      %add3A_415 = arith.constant 2 : i32
      %add3A_416 = arith.addi %mul3A_414, %add3A_415 : i32
      %jit3A_417 = arith.constant 4 : i32
      %div3A_418 = arith.divsi %add3A_416, %jit3A_417 : i32
      %sign3A_419 = arith.constant 0 : i32
      %sign3A_420 = arith.cmpi sgt, %add3A_416, %sign3A_419 : i32
      %sign3A_421 = arith.extui %sign3A_420 : i1 to i32
      %sign3A_422 = arith.constant 0 : i32
      %sign3A_423 = arith.cmpi slt, %add3A_416, %sign3A_422 : i32
      %sign3A_424 = arith.extui %sign3A_423 : i1 to i32
      %sign3A_425 = arith.subi %sign3A_421, %sign3A_424 : i32
      %sign3A_426 = arith.constant 0 : i32
      %sign3A_427 = arith.cmpi sgt, %jit3A_417, %sign3A_426 : i32
      %sign3A_428 = arith.extui %sign3A_427 : i1 to i32
      %sign3A_429 = arith.constant 0 : i32
      %sign3A_430 = arith.cmpi slt, %jit3A_417, %sign3A_429 : i32
      %sign3A_431 = arith.extui %sign3A_430 : i1 to i32
      %sign3A_432 = arith.subi %sign3A_428, %sign3A_431 : i32
      %ne3A_433 = arith.cmpi ne, %sign3A_425, %sign3A_432 : i32
      %rem3A_434 = arith.remsi %add3A_416, %jit3A_417 : i32
      %ne3A_435 = arith.constant 0 : i32
      %ne3A_436 = arith.cmpi ne, %rem3A_434, %ne3A_435 : i32
      %and3A_437 = arith.andi %ne3A_433, %ne3A_436 : i1
      %sub3A_438 = arith.constant 1 : i32
      %sub3A_439 = arith.subi %div3A_418, %sub3A_438 : i32
      %select_n3A_440 = arith.select %and3A_437, %sub3A_439, %div3A_418 : i32
      %jit3A_441 = arith.constant 4 : i32
      %eq3A_442 = arith.constant 0 : i32
      %eq3A_443 = arith.cmpi eq, %jit3A_441, %eq3A_442 : i32
      %jit3A_444 = arith.constant 1 : i32
      %select_n3A_445 = arith.select %eq3A_443, %jit3A_444, %jit3A_441 : i32
      %rem3A_446 = arith.remsi %add3A_416, %select_n3A_445 : i32
      %ne3A_447 = arith.constant 0 : i32
      %ne3A_448 = arith.cmpi ne, %rem3A_446, %ne3A_447 : i32
      %lt3A_449 = arith.constant 0 : i32
      %lt3A_450 = arith.cmpi slt, %rem3A_446, %lt3A_449 : i32
      %lt3A_451 = arith.constant 0 : i32
      %lt3A_452 = arith.cmpi slt, %select_n3A_445, %lt3A_451 : i32
      %ne3A_453 = arith.xori %lt3A_450, %lt3A_452 : i1
      %and3A_454 = arith.andi %ne3A_453, %ne3A_448 : i1
      %add3A_455 = arith.addi %rem3A_446, %select_n3A_445 : i32
      %select_n3A_456 = arith.select %and3A_454, %add3A_455, %rem3A_446 : i32
      %mul3A_457 = arith.constant 32 : i32
      %mul3A_458 = arith.muli %select_n3A_456, %mul3A_457 : i32
      %dma_wait3A_459 = arith.constant 2 : i32
      %dma_wait3A_460 = arith.constant 0 : i32
      %dma_wait3A_461 = arith.constant 0 : i32
      %dma_wait3A_462 = tpu.memref_slice %arg10[%dma_wait3A_459, %dma_wait3A_460, %dma_wait3A_461] : memref<4x32x128xf32, #tpu.memory_space<vmem>> -> memref<1x32x128xf32, #tpu.memory_space<vmem>>
      %dma_wait3A_463 = tpu.memref_squeeze %dma_wait3A_462 : memref<1x32x128xf32, #tpu.memory_space<vmem>> -> memref<32x128xf32, #tpu.memory_space<vmem>>
      %dma_wait3A_464 = tpu.memref_slice %arg8[%select_n3A_440, %mul3A_458] : memref<80x128xi32, #tpu.memory_space<vmem>> -> memref<1x32xi32, #tpu.memory_space<vmem>>
      %dma_wait3A_465 = tpu.memref_squeeze %dma_wait3A_464 : memref<1x32xi32, #tpu.memory_space<vmem>> -> memref<32xi32, #tpu.memory_space<vmem>>
      %dma_wait3A_466 = arith.constant 0 : i32
      %dma_wait3A_467 = arith.constant 0 : i32
      %dma_wait3A_468 = tpu.memref_slice %arg2[%dma_wait3A_466, %dma_wait3A_467] : memref<10000x128xf32, #tpu.memory_space<hbm>> -> memref<10000x128xf32, #tpu.memory_space<hbm>>
      tpu.wait_indirect_dma semaphore(%arg13 : memref<!tpu.dma_semaphore, #tpu.memory_space<semaphore_mem>>) src(%dma_wait3A_468 : memref<10000x128xf32, #tpu.memory_space<hbm>>) dst(%dma_wait3A_463 : memref<32x128xf32, #tpu.memory_space<vmem>>)
      %jit3A_469 = arith.constant 4 : i32
      %div3A_470 = arith.divsi %add3A_416, %jit3A_469 : i32
      %sign3A_471 = arith.constant 0 : i32
      %sign3A_472 = arith.cmpi sgt, %add3A_416, %sign3A_471 : i32
      %sign3A_473 = arith.extui %sign3A_472 : i1 to i32
      %sign3A_474 = arith.constant 0 : i32
      %sign3A_475 = arith.cmpi slt, %add3A_416, %sign3A_474 : i32
      %sign3A_476 = arith.extui %sign3A_475 : i1 to i32
      %sign3A_477 = arith.subi %sign3A_473, %sign3A_476 : i32
      %sign3A_478 = arith.constant 0 : i32
      %sign3A_479 = arith.cmpi sgt, %jit3A_469, %sign3A_478 : i32
      %sign3A_480 = arith.extui %sign3A_479 : i1 to i32
      %sign3A_481 = arith.constant 0 : i32
      %sign3A_482 = arith.cmpi slt, %jit3A_469, %sign3A_481 : i32
      %sign3A_483 = arith.extui %sign3A_482 : i1 to i32
      %sign3A_484 = arith.subi %sign3A_480, %sign3A_483 : i32
      %ne3A_485 = arith.cmpi ne, %sign3A_477, %sign3A_484 : i32
      %rem3A_486 = arith.remsi %add3A_416, %jit3A_469 : i32
      %ne3A_487 = arith.constant 0 : i32
      %ne3A_488 = arith.cmpi ne, %rem3A_486, %ne3A_487 : i32
      %and3A_489 = arith.andi %ne3A_485, %ne3A_488 : i1
      %sub3A_490 = arith.constant 1 : i32
      %sub3A_491 = arith.subi %div3A_470, %sub3A_490 : i32
      %select_n3A_492 = arith.select %and3A_489, %sub3A_491, %div3A_470 : i32
      %jit3A_493 = arith.constant 4 : i32
      %eq3A_494 = arith.constant 0 : i32
      %eq3A_495 = arith.cmpi eq, %jit3A_493, %eq3A_494 : i32
      %jit3A_496 = arith.constant 1 : i32
      %select_n3A_497 = arith.select %eq3A_495, %jit3A_496, %jit3A_493 : i32
      %rem3A_498 = arith.remsi %add3A_416, %select_n3A_497 : i32
      %ne3A_499 = arith.constant 0 : i32
      %ne3A_500 = arith.cmpi ne, %rem3A_498, %ne3A_499 : i32
      %lt3A_501 = arith.constant 0 : i32
      %lt3A_502 = arith.cmpi slt, %rem3A_498, %lt3A_501 : i32
      %lt3A_503 = arith.constant 0 : i32
      %lt3A_504 = arith.cmpi slt, %select_n3A_497, %lt3A_503 : i32
      %ne3A_505 = arith.xori %lt3A_502, %lt3A_504 : i1
      %and3A_506 = arith.andi %ne3A_505, %ne3A_500 : i1
      %add3A_507 = arith.addi %rem3A_498, %select_n3A_497 : i32
      %select_n3A_508 = arith.select %and3A_506, %add3A_507, %rem3A_498 : i32
      %mul3A_509 = arith.constant 32 : i32
      %mul3A_510 = arith.muli %select_n3A_508, %mul3A_509 : i32
      %run_scoped3A_511 = arith.constant 2 : i32
      "tpu.region"() ({
        %run_scoped3A_719 = tpu.sem_alloc : memref<!tpu.dma_semaphore, #tpu.memory_space<semaphore_mem>>
        %dma_start3A_720 = arith.constant 0 : i32
        %dma_start3A_721 = arith.constant 0 : i32
        %dma_start3A_722 = tpu.memref_slice %arg10[%run_scoped3A_511, %dma_start3A_720, %dma_start3A_721] : memref<4x32x128xf32, #tpu.memory_space<vmem>> -> memref<1x32x128xf32, #tpu.memory_space<vmem>>
        %dma_start3A_723 = tpu.memref_squeeze %dma_start3A_722 : memref<1x32x128xf32, #tpu.memory_space<vmem>> -> memref<32x128xf32, #tpu.memory_space<vmem>>
        %dma_start3A_724 = tpu.memref_slice %arg9[%select_n3A_492, %mul3A_510] : memref<80x128xi32, #tpu.memory_space<vmem>> -> memref<1x32xi32, #tpu.memory_space<vmem>>
        %dma_start3A_725 = tpu.memref_squeeze %dma_start3A_724 : memref<1x32xi32, #tpu.memory_space<vmem>> -> memref<32xi32, #tpu.memory_space<vmem>>
        %dma_start3A_726 = arith.constant 0 : i32
        %dma_start3A_727 = arith.constant 0 : i32
        %dma_start3A_728 = tpu.memref_slice %arg7[%dma_start3A_726, %dma_start3A_727] : memref<10112x128xf32, #tpu.memory_space<vmem_shared>> -> memref<10112x128xf32, #tpu.memory_space<vmem_shared>>
        tpu.enqueue_indirect_dma source(%dma_start3A_723 : memref<32x128xf32, #tpu.memory_space<vmem>>) target(%dma_start3A_728 : memref<10112x128xf32, #tpu.memory_space<vmem_shared>>) offsets(%dma_start3A_725 : memref<32xi32, #tpu.memory_space<vmem>>) semaphore(%run_scoped3A_719 : memref<!tpu.dma_semaphore, #tpu.memory_space<semaphore_mem>>) {add = true}
        %dma_wait3A_729 = arith.constant 0 : i32
        %dma_wait3A_730 = arith.constant 0 : i32
        %dma_wait3A_731 = tpu.memref_slice %arg10[%run_scoped3A_511, %dma_wait3A_729, %dma_wait3A_730] : memref<4x32x128xf32, #tpu.memory_space<vmem>> -> memref<1x32x128xf32, #tpu.memory_space<vmem>>
        %dma_wait3A_732 = tpu.memref_squeeze %dma_wait3A_731 : memref<1x32x128xf32, #tpu.memory_space<vmem>> -> memref<32x128xf32, #tpu.memory_space<vmem>>
        %dma_wait3A_733 = tpu.memref_slice %arg9[%select_n3A_492, %mul3A_510] : memref<80x128xi32, #tpu.memory_space<vmem>> -> memref<1x32xi32, #tpu.memory_space<vmem>>
        %dma_wait3A_734 = tpu.memref_squeeze %dma_wait3A_733 : memref<1x32xi32, #tpu.memory_space<vmem>> -> memref<32xi32, #tpu.memory_space<vmem>>
        %dma_wait3A_735 = arith.constant 0 : i32
        %dma_wait3A_736 = arith.constant 0 : i32
        %dma_wait3A_737 = tpu.memref_slice %arg7[%dma_wait3A_735, %dma_wait3A_736] : memref<10112x128xf32, #tpu.memory_space<vmem_shared>> -> memref<10112x128xf32, #tpu.memory_space<vmem_shared>>
        tpu.wait_indirect_dma semaphore(%run_scoped3A_719 : memref<!tpu.dma_semaphore, #tpu.memory_space<semaphore_mem>>) src(%dma_wait3A_732 : memref<32x128xf32, #tpu.memory_space<vmem>>) dst(%dma_wait3A_737 : memref<10112x128xf32, #tpu.memory_space<vmem_shared>>)
        tpu.yield
      }) : () -> ()
      %add3A_512 = arith.constant 4 : i32
      %add3A_513 = arith.addi %add3A_416, %add3A_512 : i32
      %jit3A_514 = arith.constant 4 : i32
      %div3A_515 = arith.divsi %add3A_513, %jit3A_514 : i32
      %sign3A_516 = arith.constant 0 : i32
      %sign3A_517 = arith.cmpi sgt, %add3A_513, %sign3A_516 : i32
      %sign3A_518 = arith.extui %sign3A_517 : i1 to i32
      %sign3A_519 = arith.constant 0 : i32
      %sign3A_520 = arith.cmpi slt, %add3A_513, %sign3A_519 : i32
      %sign3A_521 = arith.extui %sign3A_520 : i1 to i32
      %sign3A_522 = arith.subi %sign3A_518, %sign3A_521 : i32
      %sign3A_523 = arith.constant 0 : i32
      %sign3A_524 = arith.cmpi sgt, %jit3A_514, %sign3A_523 : i32
      %sign3A_525 = arith.extui %sign3A_524 : i1 to i32
      %sign3A_526 = arith.constant 0 : i32
      %sign3A_527 = arith.cmpi slt, %jit3A_514, %sign3A_526 : i32
      %sign3A_528 = arith.extui %sign3A_527 : i1 to i32
      %sign3A_529 = arith.subi %sign3A_525, %sign3A_528 : i32
      %ne3A_530 = arith.cmpi ne, %sign3A_522, %sign3A_529 : i32
      %rem3A_531 = arith.remsi %add3A_513, %jit3A_514 : i32
      %ne3A_532 = arith.constant 0 : i32
      %ne3A_533 = arith.cmpi ne, %rem3A_531, %ne3A_532 : i32
      %and3A_534 = arith.andi %ne3A_530, %ne3A_533 : i1
      %sub3A_535 = arith.constant 1 : i32
      %sub3A_536 = arith.subi %div3A_515, %sub3A_535 : i32
      %select_n3A_537 = arith.select %and3A_534, %sub3A_536, %div3A_515 : i32
      %jit3A_538 = arith.constant 4 : i32
      %eq3A_539 = arith.constant 0 : i32
      %eq3A_540 = arith.cmpi eq, %jit3A_538, %eq3A_539 : i32
      %jit3A_541 = arith.constant 1 : i32
      %select_n3A_542 = arith.select %eq3A_540, %jit3A_541, %jit3A_538 : i32
      %rem3A_543 = arith.remsi %add3A_513, %select_n3A_542 : i32
      %ne3A_544 = arith.constant 0 : i32
      %ne3A_545 = arith.cmpi ne, %rem3A_543, %ne3A_544 : i32
      %lt3A_546 = arith.constant 0 : i32
      %lt3A_547 = arith.cmpi slt, %rem3A_543, %lt3A_546 : i32
      %lt3A_548 = arith.constant 0 : i32
      %lt3A_549 = arith.cmpi slt, %select_n3A_542, %lt3A_548 : i32
      %ne3A_550 = arith.xori %lt3A_547, %lt3A_549 : i1
      %and3A_551 = arith.andi %ne3A_550, %ne3A_545 : i1
      %add3A_552 = arith.addi %rem3A_543, %select_n3A_542 : i32
      %select_n3A_553 = arith.select %and3A_551, %add3A_552, %rem3A_543 : i32
      %mul3A_554 = arith.constant 32 : i32
      %mul3A_555 = arith.muli %select_n3A_553, %mul3A_554 : i32
      %dma_start3A_556 = arith.constant 2 : i32
      %dma_start3A_557 = arith.constant 0 : i32
      %dma_start3A_558 = arith.constant 0 : i32
      %dma_start3A_559 = tpu.memref_slice %arg10[%dma_start3A_556, %dma_start3A_557, %dma_start3A_558] : memref<4x32x128xf32, #tpu.memory_space<vmem>> -> memref<1x32x128xf32, #tpu.memory_space<vmem>>
      %dma_start3A_560 = tpu.memref_squeeze %dma_start3A_559 : memref<1x32x128xf32, #tpu.memory_space<vmem>> -> memref<32x128xf32, #tpu.memory_space<vmem>>
      %dma_start3A_561 = tpu.memref_slice %arg8[%select_n3A_537, %mul3A_555] : memref<80x128xi32, #tpu.memory_space<vmem>> -> memref<1x32xi32, #tpu.memory_space<vmem>>
      %dma_start3A_562 = tpu.memref_squeeze %dma_start3A_561 : memref<1x32xi32, #tpu.memory_space<vmem>> -> memref<32xi32, #tpu.memory_space<vmem>>
      %dma_start3A_563 = arith.constant 0 : i32
      %dma_start3A_564 = arith.constant 0 : i32
      %dma_start3A_565 = tpu.memref_slice %arg2[%dma_start3A_563, %dma_start3A_564] : memref<10000x128xf32, #tpu.memory_space<hbm>> -> memref<10000x128xf32, #tpu.memory_space<hbm>>
      tpu.enqueue_indirect_dma source(%dma_start3A_565 : memref<10000x128xf32, #tpu.memory_space<hbm>>) target(%dma_start3A_560 : memref<32x128xf32, #tpu.memory_space<vmem>>) offsets(%dma_start3A_562 : memref<32xi32, #tpu.memory_space<vmem>>) semaphore(%arg13 : memref<!tpu.dma_semaphore, #tpu.memory_space<semaphore_mem>>)
      %mul3A_566 = arith.constant 4 : i32
      %mul3A_567 = arith.muli %scan3A_116, %mul3A_566 : i32
      %add3A_568 = arith.constant 3 : i32
      %add3A_569 = arith.addi %mul3A_567, %add3A_568 : i32
      %jit3A_570 = arith.constant 4 : i32
      %div3A_571 = arith.divsi %add3A_569, %jit3A_570 : i32
      %sign3A_572 = arith.constant 0 : i32
      %sign3A_573 = arith.cmpi sgt, %add3A_569, %sign3A_572 : i32
      %sign3A_574 = arith.extui %sign3A_573 : i1 to i32
      %sign3A_575 = arith.constant 0 : i32
      %sign3A_576 = arith.cmpi slt, %add3A_569, %sign3A_575 : i32
      %sign3A_577 = arith.extui %sign3A_576 : i1 to i32
      %sign3A_578 = arith.subi %sign3A_574, %sign3A_577 : i32
      %sign3A_579 = arith.constant 0 : i32
      %sign3A_580 = arith.cmpi sgt, %jit3A_570, %sign3A_579 : i32
      %sign3A_581 = arith.extui %sign3A_580 : i1 to i32
      %sign3A_582 = arith.constant 0 : i32
      %sign3A_583 = arith.cmpi slt, %jit3A_570, %sign3A_582 : i32
      %sign3A_584 = arith.extui %sign3A_583 : i1 to i32
      %sign3A_585 = arith.subi %sign3A_581, %sign3A_584 : i32
      %ne3A_586 = arith.cmpi ne, %sign3A_578, %sign3A_585 : i32
      %rem3A_587 = arith.remsi %add3A_569, %jit3A_570 : i32
      %ne3A_588 = arith.constant 0 : i32
      %ne3A_589 = arith.cmpi ne, %rem3A_587, %ne3A_588 : i32
      %and3A_590 = arith.andi %ne3A_586, %ne3A_589 : i1
      %sub3A_591 = arith.constant 1 : i32
      %sub3A_592 = arith.subi %div3A_571, %sub3A_591 : i32
      %select_n3A_593 = arith.select %and3A_590, %sub3A_592, %div3A_571 : i32
      %jit3A_594 = arith.constant 4 : i32
      %eq3A_595 = arith.constant 0 : i32
      %eq3A_596 = arith.cmpi eq, %jit3A_594, %eq3A_595 : i32
      %jit3A_597 = arith.constant 1 : i32
      %select_n3A_598 = arith.select %eq3A_596, %jit3A_597, %jit3A_594 : i32
      %rem3A_599 = arith.remsi %add3A_569, %select_n3A_598 : i32
      %ne3A_600 = arith.constant 0 : i32
      %ne3A_601 = arith.cmpi ne, %rem3A_599, %ne3A_600 : i32
      %lt3A_602 = arith.constant 0 : i32
      %lt3A_603 = arith.cmpi slt, %rem3A_599, %lt3A_602 : i32
      %lt3A_604 = arith.constant 0 : i32
      %lt3A_605 = arith.cmpi slt, %select_n3A_598, %lt3A_604 : i32
      %ne3A_606 = arith.xori %lt3A_603, %lt3A_605 : i1
      %and3A_607 = arith.andi %ne3A_606, %ne3A_601 : i1
      %add3A_608 = arith.addi %rem3A_599, %select_n3A_598 : i32
      %select_n3A_609 = arith.select %and3A_607, %add3A_608, %rem3A_599 : i32
      %mul3A_610 = arith.constant 32 : i32
      %mul3A_611 = arith.muli %select_n3A_609, %mul3A_610 : i32
      %dma_wait3A_612 = arith.constant 3 : i32
      %dma_wait3A_613 = arith.constant 0 : i32
      %dma_wait3A_614 = arith.constant 0 : i32
      %dma_wait3A_615 = tpu.memref_slice %arg10[%dma_wait3A_612, %dma_wait3A_613, %dma_wait3A_614] : memref<4x32x128xf32, #tpu.memory_space<vmem>> -> memref<1x32x128xf32, #tpu.memory_space<vmem>>
      %dma_wait3A_616 = tpu.memref_squeeze %dma_wait3A_615 : memref<1x32x128xf32, #tpu.memory_space<vmem>> -> memref<32x128xf32, #tpu.memory_space<vmem>>
      %dma_wait3A_617 = tpu.memref_slice %arg8[%select_n3A_593, %mul3A_611] : memref<80x128xi32, #tpu.memory_space<vmem>> -> memref<1x32xi32, #tpu.memory_space<vmem>>
      %dma_wait3A_618 = tpu.memref_squeeze %dma_wait3A_617 : memref<1x32xi32, #tpu.memory_space<vmem>> -> memref<32xi32, #tpu.memory_space<vmem>>
      %dma_wait3A_619 = arith.constant 0 : i32
      %dma_wait3A_620 = arith.constant 0 : i32
      %dma_wait3A_621 = tpu.memref_slice %arg2[%dma_wait3A_619, %dma_wait3A_620] : memref<10000x128xf32, #tpu.memory_space<hbm>> -> memref<10000x128xf32, #tpu.memory_space<hbm>>
      tpu.wait_indirect_dma semaphore(%arg14 : memref<!tpu.dma_semaphore, #tpu.memory_space<semaphore_mem>>) src(%dma_wait3A_621 : memref<10000x128xf32, #tpu.memory_space<hbm>>) dst(%dma_wait3A_616 : memref<32x128xf32, #tpu.memory_space<vmem>>)
      %jit3A_622 = arith.constant 4 : i32
      %div3A_623 = arith.divsi %add3A_569, %jit3A_622 : i32
      %sign3A_624 = arith.constant 0 : i32
      %sign3A_625 = arith.cmpi sgt, %add3A_569, %sign3A_624 : i32
      %sign3A_626 = arith.extui %sign3A_625 : i1 to i32
      %sign3A_627 = arith.constant 0 : i32
      %sign3A_628 = arith.cmpi slt, %add3A_569, %sign3A_627 : i32
      %sign3A_629 = arith.extui %sign3A_628 : i1 to i32
      %sign3A_630 = arith.subi %sign3A_626, %sign3A_629 : i32
      %sign3A_631 = arith.constant 0 : i32
      %sign3A_632 = arith.cmpi sgt, %jit3A_622, %sign3A_631 : i32
      %sign3A_633 = arith.extui %sign3A_632 : i1 to i32
      %sign3A_634 = arith.constant 0 : i32
      %sign3A_635 = arith.cmpi slt, %jit3A_622, %sign3A_634 : i32
      %sign3A_636 = arith.extui %sign3A_635 : i1 to i32
      %sign3A_637 = arith.subi %sign3A_633, %sign3A_636 : i32
      %ne3A_638 = arith.cmpi ne, %sign3A_630, %sign3A_637 : i32
      %rem3A_639 = arith.remsi %add3A_569, %jit3A_622 : i32
      %ne3A_640 = arith.constant 0 : i32
      %ne3A_641 = arith.cmpi ne, %rem3A_639, %ne3A_640 : i32
      %and3A_642 = arith.andi %ne3A_638, %ne3A_641 : i1
      %sub3A_643 = arith.constant 1 : i32
      %sub3A_644 = arith.subi %div3A_623, %sub3A_643 : i32
      %select_n3A_645 = arith.select %and3A_642, %sub3A_644, %div3A_623 : i32
      %jit3A_646 = arith.constant 4 : i32
      %eq3A_647 = arith.constant 0 : i32
      %eq3A_648 = arith.cmpi eq, %jit3A_646, %eq3A_647 : i32
      %jit3A_649 = arith.constant 1 : i32
      %select_n3A_650 = arith.select %eq3A_648, %jit3A_649, %jit3A_646 : i32
      %rem3A_651 = arith.remsi %add3A_569, %select_n3A_650 : i32
      %ne3A_652 = arith.constant 0 : i32
      %ne3A_653 = arith.cmpi ne, %rem3A_651, %ne3A_652 : i32
      %lt3A_654 = arith.constant 0 : i32
      %lt3A_655 = arith.cmpi slt, %rem3A_651, %lt3A_654 : i32
      %lt3A_656 = arith.constant 0 : i32
      %lt3A_657 = arith.cmpi slt, %select_n3A_650, %lt3A_656 : i32
      %ne3A_658 = arith.xori %lt3A_655, %lt3A_657 : i1
      %and3A_659 = arith.andi %ne3A_658, %ne3A_653 : i1
      %add3A_660 = arith.addi %rem3A_651, %select_n3A_650 : i32
      %select_n3A_661 = arith.select %and3A_659, %add3A_660, %rem3A_651 : i32
      %mul3A_662 = arith.constant 32 : i32
      %mul3A_663 = arith.muli %select_n3A_661, %mul3A_662 : i32
      %run_scoped3A_664 = arith.constant 3 : i32
      "tpu.region"() ({
        %run_scoped3A_719 = tpu.sem_alloc : memref<!tpu.dma_semaphore, #tpu.memory_space<semaphore_mem>>
        %dma_start3A_720 = arith.constant 0 : i32
        %dma_start3A_721 = arith.constant 0 : i32
        %dma_start3A_722 = tpu.memref_slice %arg10[%run_scoped3A_664, %dma_start3A_720, %dma_start3A_721] : memref<4x32x128xf32, #tpu.memory_space<vmem>> -> memref<1x32x128xf32, #tpu.memory_space<vmem>>
        %dma_start3A_723 = tpu.memref_squeeze %dma_start3A_722 : memref<1x32x128xf32, #tpu.memory_space<vmem>> -> memref<32x128xf32, #tpu.memory_space<vmem>>
        %dma_start3A_724 = tpu.memref_slice %arg9[%select_n3A_645, %mul3A_663] : memref<80x128xi32, #tpu.memory_space<vmem>> -> memref<1x32xi32, #tpu.memory_space<vmem>>
        %dma_start3A_725 = tpu.memref_squeeze %dma_start3A_724 : memref<1x32xi32, #tpu.memory_space<vmem>> -> memref<32xi32, #tpu.memory_space<vmem>>
        %dma_start3A_726 = arith.constant 0 : i32
        %dma_start3A_727 = arith.constant 0 : i32
        %dma_start3A_728 = tpu.memref_slice %arg7[%dma_start3A_726, %dma_start3A_727] : memref<10112x128xf32, #tpu.memory_space<vmem_shared>> -> memref<10112x128xf32, #tpu.memory_space<vmem_shared>>
        tpu.enqueue_indirect_dma source(%dma_start3A_723 : memref<32x128xf32, #tpu.memory_space<vmem>>) target(%dma_start3A_728 : memref<10112x128xf32, #tpu.memory_space<vmem_shared>>) offsets(%dma_start3A_725 : memref<32xi32, #tpu.memory_space<vmem>>) semaphore(%run_scoped3A_719 : memref<!tpu.dma_semaphore, #tpu.memory_space<semaphore_mem>>) {add = true}
        %dma_wait3A_729 = arith.constant 0 : i32
        %dma_wait3A_730 = arith.constant 0 : i32
        %dma_wait3A_731 = tpu.memref_slice %arg10[%run_scoped3A_664, %dma_wait3A_729, %dma_wait3A_730] : memref<4x32x128xf32, #tpu.memory_space<vmem>> -> memref<1x32x128xf32, #tpu.memory_space<vmem>>
        %dma_wait3A_732 = tpu.memref_squeeze %dma_wait3A_731 : memref<1x32x128xf32, #tpu.memory_space<vmem>> -> memref<32x128xf32, #tpu.memory_space<vmem>>
        %dma_wait3A_733 = tpu.memref_slice %arg9[%select_n3A_645, %mul3A_663] : memref<80x128xi32, #tpu.memory_space<vmem>> -> memref<1x32xi32, #tpu.memory_space<vmem>>
        %dma_wait3A_734 = tpu.memref_squeeze %dma_wait3A_733 : memref<1x32xi32, #tpu.memory_space<vmem>> -> memref<32xi32, #tpu.memory_space<vmem>>
        %dma_wait3A_735 = arith.constant 0 : i32
        %dma_wait3A_736 = arith.constant 0 : i32
        %dma_wait3A_737 = tpu.memref_slice %arg7[%dma_wait3A_735, %dma_wait3A_736] : memref<10112x128xf32, #tpu.memory_space<vmem_shared>> -> memref<10112x128xf32, #tpu.memory_space<vmem_shared>>
        tpu.wait_indirect_dma semaphore(%run_scoped3A_719 : memref<!tpu.dma_semaphore, #tpu.memory_space<semaphore_mem>>) src(%dma_wait3A_732 : memref<32x128xf32, #tpu.memory_space<vmem>>) dst(%dma_wait3A_737 : memref<10112x128xf32, #tpu.memory_space<vmem_shared>>)
        tpu.yield
      }) : () -> ()
      %add3A_665 = arith.constant 4 : i32
      %add3A_666 = arith.addi %add3A_569, %add3A_665 : i32
      %jit3A_667 = arith.constant 4 : i32
      %div3A_668 = arith.divsi %add3A_666, %jit3A_667 : i32
      %sign3A_669 = arith.constant 0 : i32
      %sign3A_670 = arith.cmpi sgt, %add3A_666, %sign3A_669 : i32
      %sign3A_671 = arith.extui %sign3A_670 : i1 to i32
      %sign3A_672 = arith.constant 0 : i32
      %sign3A_673 = arith.cmpi slt, %add3A_666, %sign3A_672 : i32
      %sign3A_674 = arith.extui %sign3A_673 : i1 to i32
      %sign3A_675 = arith.subi %sign3A_671, %sign3A_674 : i32
      %sign3A_676 = arith.constant 0 : i32
      %sign3A_677 = arith.cmpi sgt, %jit3A_667, %sign3A_676 : i32
      %sign3A_678 = arith.extui %sign3A_677 : i1 to i32
      %sign3A_679 = arith.constant 0 : i32
      %sign3A_680 = arith.cmpi slt, %jit3A_667, %sign3A_679 : i32
      %sign3A_681 = arith.extui %sign3A_680 : i1 to i32
      %sign3A_682 = arith.subi %sign3A_678, %sign3A_681 : i32
      %ne3A_683 = arith.cmpi ne, %sign3A_675, %sign3A_682 : i32
      %rem3A_684 = arith.remsi %add3A_666, %jit3A_667 : i32
      %ne3A_685 = arith.constant 0 : i32
      %ne3A_686 = arith.cmpi ne, %rem3A_684, %ne3A_685 : i32
      %and3A_687 = arith.andi %ne3A_683, %ne3A_686 : i1
      %sub3A_688 = arith.constant 1 : i32
      %sub3A_689 = arith.subi %div3A_668, %sub3A_688 : i32
      %select_n3A_690 = arith.select %and3A_687, %sub3A_689, %div3A_668 : i32
      %jit3A_691 = arith.constant 4 : i32
      %eq3A_692 = arith.constant 0 : i32
      %eq3A_693 = arith.cmpi eq, %jit3A_691, %eq3A_692 : i32
      %jit3A_694 = arith.constant 1 : i32
      %select_n3A_695 = arith.select %eq3A_693, %jit3A_694, %jit3A_691 : i32
      %rem3A_696 = arith.remsi %add3A_666, %select_n3A_695 : i32
      %ne3A_697 = arith.constant 0 : i32
      %ne3A_698 = arith.cmpi ne, %rem3A_696, %ne3A_697 : i32
      %lt3A_699 = arith.constant 0 : i32
      %lt3A_700 = arith.cmpi slt, %rem3A_696, %lt3A_699 : i32
      %lt3A_701 = arith.constant 0 : i32
      %lt3A_702 = arith.cmpi slt, %select_n3A_695, %lt3A_701 : i32
      %ne3A_703 = arith.xori %lt3A_700, %lt3A_702 : i1
      %and3A_704 = arith.andi %ne3A_703, %ne3A_698 : i1
      %add3A_705 = arith.addi %rem3A_696, %select_n3A_695 : i32
      %select_n3A_706 = arith.select %and3A_704, %add3A_705, %rem3A_696 : i32
      %mul3A_707 = arith.constant 32 : i32
      %mul3A_708 = arith.muli %select_n3A_706, %mul3A_707 : i32
      %dma_start3A_709 = arith.constant 3 : i32
      %dma_start3A_710 = arith.constant 0 : i32
      %dma_start3A_711 = arith.constant 0 : i32
      %dma_start3A_712 = tpu.memref_slice %arg10[%dma_start3A_709, %dma_start3A_710, %dma_start3A_711] : memref<4x32x128xf32, #tpu.memory_space<vmem>> -> memref<1x32x128xf32, #tpu.memory_space<vmem>>
      %dma_start3A_713 = tpu.memref_squeeze %dma_start3A_712 : memref<1x32x128xf32, #tpu.memory_space<vmem>> -> memref<32x128xf32, #tpu.memory_space<vmem>>
      %dma_start3A_714 = tpu.memref_slice %arg8[%select_n3A_690, %mul3A_708] : memref<80x128xi32, #tpu.memory_space<vmem>> -> memref<1x32xi32, #tpu.memory_space<vmem>>
      %dma_start3A_715 = tpu.memref_squeeze %dma_start3A_714 : memref<1x32xi32, #tpu.memory_space<vmem>> -> memref<32xi32, #tpu.memory_space<vmem>>
      %dma_start3A_716 = arith.constant 0 : i32
      %dma_start3A_717 = arith.constant 0 : i32
      %dma_start3A_718 = tpu.memref_slice %arg2[%dma_start3A_716, %dma_start3A_717] : memref<10000x128xf32, #tpu.memory_space<hbm>> -> memref<10000x128xf32, #tpu.memory_space<hbm>>
      tpu.enqueue_indirect_dma source(%dma_start3A_718 : memref<10000x128xf32, #tpu.memory_space<hbm>>) target(%dma_start3A_713 : memref<32x128xf32, #tpu.memory_space<vmem>>) offsets(%dma_start3A_715 : memref<32xi32, #tpu.memory_space<vmem>>) semaphore(%arg14 : memref<!tpu.dma_semaphore, #tpu.memory_space<semaphore_mem>>)
    }
    %scan3A_56 = arith.constant 79 : i32
    %dma_wait3A = arith.constant 79 : i32
    %dma_wait3A_57 = arith.constant 0 : i32
    %dma_wait3A_58 = arith.constant 0 : i32
    %dma_wait3A_59 = arith.constant 0 : i32
    %dma_wait3A_60 = tpu.memref_slice %arg10[%dma_wait3A_57, %dma_wait3A_58, %dma_wait3A_59] : memref<4x32x128xf32, #tpu.memory_space<vmem>> -> memref<1x32x128xf32, #tpu.memory_space<vmem>>
    %dma_wait3A_61 = tpu.memref_squeeze %dma_wait3A_60 : memref<1x32x128xf32, #tpu.memory_space<vmem>> -> memref<32x128xf32, #tpu.memory_space<vmem>>
    %dma_wait3A_62 = arith.constant 0 : i32
    %dma_wait3A_63 = tpu.memref_slice %arg8[%dma_wait3A, %dma_wait3A_62] : memref<80x128xi32, #tpu.memory_space<vmem>> -> memref<1x32xi32, #tpu.memory_space<vmem>>
    %dma_wait3A_64 = tpu.memref_squeeze %dma_wait3A_63 : memref<1x32xi32, #tpu.memory_space<vmem>> -> memref<32xi32, #tpu.memory_space<vmem>>
    %dma_wait3A_65 = arith.constant 0 : i32
    %dma_wait3A_66 = arith.constant 0 : i32
    %dma_wait3A_67 = tpu.memref_slice %arg2[%dma_wait3A_65, %dma_wait3A_66] : memref<10000x128xf32, #tpu.memory_space<hbm>> -> memref<10000x128xf32, #tpu.memory_space<hbm>>
    tpu.wait_indirect_dma semaphore(%arg11 : memref<!tpu.dma_semaphore, #tpu.memory_space<semaphore_mem>>) src(%dma_wait3A_67 : memref<10000x128xf32, #tpu.memory_space<hbm>>) dst(%dma_wait3A_61 : memref<32x128xf32, #tpu.memory_space<vmem>>)
    %run_scoped3A = arith.constant 0 : i32
    %run_scoped3A_68 = arith.constant 79 : i32
    "tpu.region"() ({
      %run_scoped3A_116 = tpu.sem_alloc : memref<!tpu.dma_semaphore, #tpu.memory_space<semaphore_mem>>
      %dma_start3A_117 = arith.constant 0 : i32
      %dma_start3A_118 = arith.constant 0 : i32
      %dma_start3A_119 = tpu.memref_slice %arg10[%run_scoped3A, %dma_start3A_117, %dma_start3A_118] : memref<4x32x128xf32, #tpu.memory_space<vmem>> -> memref<1x32x128xf32, #tpu.memory_space<vmem>>
      %dma_start3A_120 = tpu.memref_squeeze %dma_start3A_119 : memref<1x32x128xf32, #tpu.memory_space<vmem>> -> memref<32x128xf32, #tpu.memory_space<vmem>>
      %dma_start3A_121 = arith.constant 0 : i32
      %dma_start3A_122 = tpu.memref_slice %arg9[%run_scoped3A_68, %dma_start3A_121] : memref<80x128xi32, #tpu.memory_space<vmem>> -> memref<1x32xi32, #tpu.memory_space<vmem>>
      %dma_start3A_123 = tpu.memref_squeeze %dma_start3A_122 : memref<1x32xi32, #tpu.memory_space<vmem>> -> memref<32xi32, #tpu.memory_space<vmem>>
      %dma_start3A_124 = arith.constant 0 : i32
      %dma_start3A_125 = arith.constant 0 : i32
      %dma_start3A_126 = tpu.memref_slice %arg7[%dma_start3A_124, %dma_start3A_125] : memref<10112x128xf32, #tpu.memory_space<vmem_shared>> -> memref<10112x128xf32, #tpu.memory_space<vmem_shared>>
      tpu.enqueue_indirect_dma source(%dma_start3A_120 : memref<32x128xf32, #tpu.memory_space<vmem>>) target(%dma_start3A_126 : memref<10112x128xf32, #tpu.memory_space<vmem_shared>>) offsets(%dma_start3A_123 : memref<32xi32, #tpu.memory_space<vmem>>) semaphore(%run_scoped3A_116 : memref<!tpu.dma_semaphore, #tpu.memory_space<semaphore_mem>>) {add = true}
      %dma_wait3A_127 = arith.constant 0 : i32
      %dma_wait3A_128 = arith.constant 0 : i32
      %dma_wait3A_129 = tpu.memref_slice %arg10[%run_scoped3A, %dma_wait3A_127, %dma_wait3A_128] : memref<4x32x128xf32, #tpu.memory_space<vmem>> -> memref<1x32x128xf32, #tpu.memory_space<vmem>>
      %dma_wait3A_130 = tpu.memref_squeeze %dma_wait3A_129 : memref<1x32x128xf32, #tpu.memory_space<vmem>> -> memref<32x128xf32, #tpu.memory_space<vmem>>
      %dma_wait3A_131 = arith.constant 0 : i32
      %dma_wait3A_132 = tpu.memref_slice %arg9[%run_scoped3A_68, %dma_wait3A_131] : memref<80x128xi32, #tpu.memory_space<vmem>> -> memref<1x32xi32, #tpu.memory_space<vmem>>
      %dma_wait3A_133 = tpu.memref_squeeze %dma_wait3A_132 : memref<1x32xi32, #tpu.memory_space<vmem>> -> memref<32xi32, #tpu.memory_space<vmem>>
      %dma_wait3A_134 = arith.constant 0 : i32
      %dma_wait3A_135 = arith.constant 0 : i32
      %dma_wait3A_136 = tpu.memref_slice %arg7[%dma_wait3A_134, %dma_wait3A_135] : memref<10112x128xf32, #tpu.memory_space<vmem_shared>> -> memref<10112x128xf32, #tpu.memory_space<vmem_shared>>
      tpu.wait_indirect_dma semaphore(%run_scoped3A_116 : memref<!tpu.dma_semaphore, #tpu.memory_space<semaphore_mem>>) src(%dma_wait3A_130 : memref<32x128xf32, #tpu.memory_space<vmem>>) dst(%dma_wait3A_136 : memref<10112x128xf32, #tpu.memory_space<vmem_shared>>)
      tpu.yield
    }) : () -> ()
    %dma_wait3A_69 = arith.constant 79 : i32
    %dma_wait3A_70 = arith.constant 1 : i32
    %dma_wait3A_71 = arith.constant 0 : i32
    %dma_wait3A_72 = arith.constant 0 : i32
    %dma_wait3A_73 = tpu.memref_slice %arg10[%dma_wait3A_70, %dma_wait3A_71, %dma_wait3A_72] : memref<4x32x128xf32, #tpu.memory_space<vmem>> -> memref<1x32x128xf32, #tpu.memory_space<vmem>>
    %dma_wait3A_74 = tpu.memref_squeeze %dma_wait3A_73 : memref<1x32x128xf32, #tpu.memory_space<vmem>> -> memref<32x128xf32, #tpu.memory_space<vmem>>
    %dma_wait3A_75 = arith.constant 32 : i32
    %dma_wait3A_76 = tpu.memref_slice %arg8[%dma_wait3A_69, %dma_wait3A_75] : memref<80x128xi32, #tpu.memory_space<vmem>> -> memref<1x32xi32, #tpu.memory_space<vmem>>
    %dma_wait3A_77 = tpu.memref_squeeze %dma_wait3A_76 : memref<1x32xi32, #tpu.memory_space<vmem>> -> memref<32xi32, #tpu.memory_space<vmem>>
    %dma_wait3A_78 = arith.constant 0 : i32
    %dma_wait3A_79 = arith.constant 0 : i32
    %dma_wait3A_80 = tpu.memref_slice %arg2[%dma_wait3A_78, %dma_wait3A_79] : memref<10000x128xf32, #tpu.memory_space<hbm>> -> memref<10000x128xf32, #tpu.memory_space<hbm>>
    tpu.wait_indirect_dma semaphore(%arg12 : memref<!tpu.dma_semaphore, #tpu.memory_space<semaphore_mem>>) src(%dma_wait3A_80 : memref<10000x128xf32, #tpu.memory_space<hbm>>) dst(%dma_wait3A_74 : memref<32x128xf32, #tpu.memory_space<vmem>>)
    %run_scoped3A_81 = arith.constant 1 : i32
    %run_scoped3A_82 = arith.constant 79 : i32
    "tpu.region"() ({
      %run_scoped3A_116 = tpu.sem_alloc : memref<!tpu.dma_semaphore, #tpu.memory_space<semaphore_mem>>
      %dma_start3A_117 = arith.constant 0 : i32
      %dma_start3A_118 = arith.constant 0 : i32
      %dma_start3A_119 = tpu.memref_slice %arg10[%run_scoped3A_81, %dma_start3A_117, %dma_start3A_118] : memref<4x32x128xf32, #tpu.memory_space<vmem>> -> memref<1x32x128xf32, #tpu.memory_space<vmem>>
      %dma_start3A_120 = tpu.memref_squeeze %dma_start3A_119 : memref<1x32x128xf32, #tpu.memory_space<vmem>> -> memref<32x128xf32, #tpu.memory_space<vmem>>
      %dma_start3A_121 = arith.constant 32 : i32
      %dma_start3A_122 = tpu.memref_slice %arg9[%run_scoped3A_82, %dma_start3A_121] : memref<80x128xi32, #tpu.memory_space<vmem>> -> memref<1x32xi32, #tpu.memory_space<vmem>>
      %dma_start3A_123 = tpu.memref_squeeze %dma_start3A_122 : memref<1x32xi32, #tpu.memory_space<vmem>> -> memref<32xi32, #tpu.memory_space<vmem>>
      %dma_start3A_124 = arith.constant 0 : i32
      %dma_start3A_125 = arith.constant 0 : i32
      %dma_start3A_126 = tpu.memref_slice %arg7[%dma_start3A_124, %dma_start3A_125] : memref<10112x128xf32, #tpu.memory_space<vmem_shared>> -> memref<10112x128xf32, #tpu.memory_space<vmem_shared>>
      tpu.enqueue_indirect_dma source(%dma_start3A_120 : memref<32x128xf32, #tpu.memory_space<vmem>>) target(%dma_start3A_126 : memref<10112x128xf32, #tpu.memory_space<vmem_shared>>) offsets(%dma_start3A_123 : memref<32xi32, #tpu.memory_space<vmem>>) semaphore(%run_scoped3A_116 : memref<!tpu.dma_semaphore, #tpu.memory_space<semaphore_mem>>) {add = true}
      %dma_wait3A_127 = arith.constant 0 : i32
      %dma_wait3A_128 = arith.constant 0 : i32
      %dma_wait3A_129 = tpu.memref_slice %arg10[%run_scoped3A_81, %dma_wait3A_127, %dma_wait3A_128] : memref<4x32x128xf32, #tpu.memory_space<vmem>> -> memref<1x32x128xf32, #tpu.memory_space<vmem>>
      %dma_wait3A_130 = tpu.memref_squeeze %dma_wait3A_129 : memref<1x32x128xf32, #tpu.memory_space<vmem>> -> memref<32x128xf32, #tpu.memory_space<vmem>>
      %dma_wait3A_131 = arith.constant 32 : i32
      %dma_wait3A_132 = tpu.memref_slice %arg9[%run_scoped3A_82, %dma_wait3A_131] : memref<80x128xi32, #tpu.memory_space<vmem>> -> memref<1x32xi32, #tpu.memory_space<vmem>>
      %dma_wait3A_133 = tpu.memref_squeeze %dma_wait3A_132 : memref<1x32xi32, #tpu.memory_space<vmem>> -> memref<32xi32, #tpu.memory_space<vmem>>
      %dma_wait3A_134 = arith.constant 0 : i32
      %dma_wait3A_135 = arith.constant 0 : i32
      %dma_wait3A_136 = tpu.memref_slice %arg7[%dma_wait3A_134, %dma_wait3A_135] : memref<10112x128xf32, #tpu.memory_space<vmem_shared>> -> memref<10112x128xf32, #tpu.memory_space<vmem_shared>>
      tpu.wait_indirect_dma semaphore(%run_scoped3A_116 : memref<!tpu.dma_semaphore, #tpu.memory_space<semaphore_mem>>) src(%dma_wait3A_130 : memref<32x128xf32, #tpu.memory_space<vmem>>) dst(%dma_wait3A_136 : memref<10112x128xf32, #tpu.memory_space<vmem_shared>>)
      tpu.yield
    }) : () -> ()
    %dma_wait3A_83 = arith.constant 79 : i32
    %dma_wait3A_84 = arith.constant 2 : i32
    %dma_wait3A_85 = arith.constant 0 : i32
    %dma_wait3A_86 = arith.constant 0 : i32
    %dma_wait3A_87 = tpu.memref_slice %arg10[%dma_wait3A_84, %dma_wait3A_85, %dma_wait3A_86] : memref<4x32x128xf32, #tpu.memory_space<vmem>> -> memref<1x32x128xf32, #tpu.memory_space<vmem>>
    %dma_wait3A_88 = tpu.memref_squeeze %dma_wait3A_87 : memref<1x32x128xf32, #tpu.memory_space<vmem>> -> memref<32x128xf32, #tpu.memory_space<vmem>>
    %dma_wait3A_89 = arith.constant 64 : i32
    %dma_wait3A_90 = tpu.memref_slice %arg8[%dma_wait3A_83, %dma_wait3A_89] : memref<80x128xi32, #tpu.memory_space<vmem>> -> memref<1x32xi32, #tpu.memory_space<vmem>>
    %dma_wait3A_91 = tpu.memref_squeeze %dma_wait3A_90 : memref<1x32xi32, #tpu.memory_space<vmem>> -> memref<32xi32, #tpu.memory_space<vmem>>
    %dma_wait3A_92 = arith.constant 0 : i32
    %dma_wait3A_93 = arith.constant 0 : i32
    %dma_wait3A_94 = tpu.memref_slice %arg2[%dma_wait3A_92, %dma_wait3A_93] : memref<10000x128xf32, #tpu.memory_space<hbm>> -> memref<10000x128xf32, #tpu.memory_space<hbm>>
    tpu.wait_indirect_dma semaphore(%arg13 : memref<!tpu.dma_semaphore, #tpu.memory_space<semaphore_mem>>) src(%dma_wait3A_94 : memref<10000x128xf32, #tpu.memory_space<hbm>>) dst(%dma_wait3A_88 : memref<32x128xf32, #tpu.memory_space<vmem>>)
    %run_scoped3A_95 = arith.constant 2 : i32
    %run_scoped3A_96 = arith.constant 79 : i32
    "tpu.region"() ({
      %run_scoped3A_116 = tpu.sem_alloc : memref<!tpu.dma_semaphore, #tpu.memory_space<semaphore_mem>>
      %dma_start3A_117 = arith.constant 0 : i32
      %dma_start3A_118 = arith.constant 0 : i32
      %dma_start3A_119 = tpu.memref_slice %arg10[%run_scoped3A_95, %dma_start3A_117, %dma_start3A_118] : memref<4x32x128xf32, #tpu.memory_space<vmem>> -> memref<1x32x128xf32, #tpu.memory_space<vmem>>
      %dma_start3A_120 = tpu.memref_squeeze %dma_start3A_119 : memref<1x32x128xf32, #tpu.memory_space<vmem>> -> memref<32x128xf32, #tpu.memory_space<vmem>>
      %dma_start3A_121 = arith.constant 64 : i32
      %dma_start3A_122 = tpu.memref_slice %arg9[%run_scoped3A_96, %dma_start3A_121] : memref<80x128xi32, #tpu.memory_space<vmem>> -> memref<1x32xi32, #tpu.memory_space<vmem>>
      %dma_start3A_123 = tpu.memref_squeeze %dma_start3A_122 : memref<1x32xi32, #tpu.memory_space<vmem>> -> memref<32xi32, #tpu.memory_space<vmem>>
      %dma_start3A_124 = arith.constant 0 : i32
      %dma_start3A_125 = arith.constant 0 : i32
      %dma_start3A_126 = tpu.memref_slice %arg7[%dma_start3A_124, %dma_start3A_125] : memref<10112x128xf32, #tpu.memory_space<vmem_shared>> -> memref<10112x128xf32, #tpu.memory_space<vmem_shared>>
      tpu.enqueue_indirect_dma source(%dma_start3A_120 : memref<32x128xf32, #tpu.memory_space<vmem>>) target(%dma_start3A_126 : memref<10112x128xf32, #tpu.memory_space<vmem_shared>>) offsets(%dma_start3A_123 : memref<32xi32, #tpu.memory_space<vmem>>) semaphore(%run_scoped3A_116 : memref<!tpu.dma_semaphore, #tpu.memory_space<semaphore_mem>>) {add = true}
      %dma_wait3A_127 = arith.constant 0 : i32
      %dma_wait3A_128 = arith.constant 0 : i32
      %dma_wait3A_129 = tpu.memref_slice %arg10[%run_scoped3A_95, %dma_wait3A_127, %dma_wait3A_128] : memref<4x32x128xf32, #tpu.memory_space<vmem>> -> memref<1x32x128xf32, #tpu.memory_space<vmem>>
      %dma_wait3A_130 = tpu.memref_squeeze %dma_wait3A_129 : memref<1x32x128xf32, #tpu.memory_space<vmem>> -> memref<32x128xf32, #tpu.memory_space<vmem>>
      %dma_wait3A_131 = arith.constant 64 : i32
      %dma_wait3A_132 = tpu.memref_slice %arg9[%run_scoped3A_96, %dma_wait3A_131] : memref<80x128xi32, #tpu.memory_space<vmem>> -> memref<1x32xi32, #tpu.memory_space<vmem>>
      %dma_wait3A_133 = tpu.memref_squeeze %dma_wait3A_132 : memref<1x32xi32, #tpu.memory_space<vmem>> -> memref<32xi32, #tpu.memory_space<vmem>>
      %dma_wait3A_134 = arith.constant 0 : i32
      %dma_wait3A_135 = arith.constant 0 : i32
      %dma_wait3A_136 = tpu.memref_slice %arg7[%dma_wait3A_134, %dma_wait3A_135] : memref<10112x128xf32, #tpu.memory_space<vmem_shared>> -> memref<10112x128xf32, #tpu.memory_space<vmem_shared>>
      tpu.wait_indirect_dma semaphore(%run_scoped3A_116 : memref<!tpu.dma_semaphore, #tpu.memory_space<semaphore_mem>>) src(%dma_wait3A_130 : memref<32x128xf32, #tpu.memory_space<vmem>>) dst(%dma_wait3A_136 : memref<10112x128xf32, #tpu.memory_space<vmem_shared>>)
      tpu.yield
    }) : () -> ()
    %dma_wait3A_97 = arith.constant 79 : i32
    %dma_wait3A_98 = arith.constant 3 : i32
    %dma_wait3A_99 = arith.constant 0 : i32
    %dma_wait3A_100 = arith.constant 0 : i32
    %dma_wait3A_101 = tpu.memref_slice %arg10[%dma_wait3A_98, %dma_wait3A_99, %dma_wait3A_100] : memref<4x32x128xf32, #tpu.memory_space<vmem>> -> memref<1x32x128xf32, #tpu.memory_space<vmem>>
    %dma_wait3A_102 = tpu.memref_squeeze %dma_wait3A_101 : memref<1x32x128xf32, #tpu.memory_space<vmem>> -> memref<32x128xf32, #tpu.memory_space<vmem>>
    %dma_wait3A_103 = arith.constant 96 : i32
    %dma_wait3A_104 = tpu.memref_slice %arg8[%dma_wait3A_97, %dma_wait3A_103] : memref<80x128xi32, #tpu.memory_space<vmem>> -> memref<1x32xi32, #tpu.memory_space<vmem>>
    %dma_wait3A_105 = tpu.memref_squeeze %dma_wait3A_104 : memref<1x32xi32, #tpu.memory_space<vmem>> -> memref<32xi32, #tpu.memory_space<vmem>>
    %dma_wait3A_106 = arith.constant 0 : i32
    %dma_wait3A_107 = arith.constant 0 : i32
    %dma_wait3A_108 = tpu.memref_slice %arg2[%dma_wait3A_106, %dma_wait3A_107] : memref<10000x128xf32, #tpu.memory_space<hbm>> -> memref<10000x128xf32, #tpu.memory_space<hbm>>
    tpu.wait_indirect_dma semaphore(%arg14 : memref<!tpu.dma_semaphore, #tpu.memory_space<semaphore_mem>>) src(%dma_wait3A_108 : memref<10000x128xf32, #tpu.memory_space<hbm>>) dst(%dma_wait3A_102 : memref<32x128xf32, #tpu.memory_space<vmem>>)
    %run_scoped3A_109 = arith.constant 3 : i32
    %run_scoped3A_110 = arith.constant 79 : i32
    "tpu.region"() ({
      %run_scoped3A_116 = tpu.sem_alloc : memref<!tpu.dma_semaphore, #tpu.memory_space<semaphore_mem>>
      %dma_start3A_117 = arith.constant 0 : i32
      %dma_start3A_118 = arith.constant 0 : i32
      %dma_start3A_119 = tpu.memref_slice %arg10[%run_scoped3A_109, %dma_start3A_117, %dma_start3A_118] : memref<4x32x128xf32, #tpu.memory_space<vmem>> -> memref<1x32x128xf32, #tpu.memory_space<vmem>>
      %dma_start3A_120 = tpu.memref_squeeze %dma_start3A_119 : memref<1x32x128xf32, #tpu.memory_space<vmem>> -> memref<32x128xf32, #tpu.memory_space<vmem>>
      %dma_start3A_121 = arith.constant 96 : i32
      %dma_start3A_122 = tpu.memref_slice %arg9[%run_scoped3A_110, %dma_start3A_121] : memref<80x128xi32, #tpu.memory_space<vmem>> -> memref<1x32xi32, #tpu.memory_space<vmem>>
      %dma_start3A_123 = tpu.memref_squeeze %dma_start3A_122 : memref<1x32xi32, #tpu.memory_space<vmem>> -> memref<32xi32, #tpu.memory_space<vmem>>
      %dma_start3A_124 = arith.constant 0 : i32
      %dma_start3A_125 = arith.constant 0 : i32
      %dma_start3A_126 = tpu.memref_slice %arg7[%dma_start3A_124, %dma_start3A_125] : memref<10112x128xf32, #tpu.memory_space<vmem_shared>> -> memref<10112x128xf32, #tpu.memory_space<vmem_shared>>
      tpu.enqueue_indirect_dma source(%dma_start3A_120 : memref<32x128xf32, #tpu.memory_space<vmem>>) target(%dma_start3A_126 : memref<10112x128xf32, #tpu.memory_space<vmem_shared>>) offsets(%dma_start3A_123 : memref<32xi32, #tpu.memory_space<vmem>>) semaphore(%run_scoped3A_116 : memref<!tpu.dma_semaphore, #tpu.memory_space<semaphore_mem>>) {add = true}
      %dma_wait3A_127 = arith.constant 0 : i32
      %dma_wait3A_128 = arith.constant 0 : i32
      %dma_wait3A_129 = tpu.memref_slice %arg10[%run_scoped3A_109, %dma_wait3A_127, %dma_wait3A_128] : memref<4x32x128xf32, #tpu.memory_space<vmem>> -> memref<1x32x128xf32, #tpu.memory_space<vmem>>
      %dma_wait3A_130 = tpu.memref_squeeze %dma_wait3A_129 : memref<1x32x128xf32, #tpu.memory_space<vmem>> -> memref<32x128xf32, #tpu.memory_space<vmem>>
      %dma_wait3A_131 = arith.constant 96 : i32
      %dma_wait3A_132 = tpu.memref_slice %arg9[%run_scoped3A_110, %dma_wait3A_131] : memref<80x128xi32, #tpu.memory_space<vmem>> -> memref<1x32xi32, #tpu.memory_space<vmem>>
      %dma_wait3A_133 = tpu.memref_squeeze %dma_wait3A_132 : memref<1x32xi32, #tpu.memory_space<vmem>> -> memref<32xi32, #tpu.memory_space<vmem>>
      %dma_wait3A_134 = arith.constant 0 : i32
      %dma_wait3A_135 = arith.constant 0 : i32
      %dma_wait3A_136 = tpu.memref_slice %arg7[%dma_wait3A_134, %dma_wait3A_135] : memref<10112x128xf32, #tpu.memory_space<vmem_shared>> -> memref<10112x128xf32, #tpu.memory_space<vmem_shared>>
      tpu.wait_indirect_dma semaphore(%run_scoped3A_116 : memref<!tpu.dma_semaphore, #tpu.memory_space<semaphore_mem>>) src(%dma_wait3A_130 : memref<32x128xf32, #tpu.memory_space<vmem>>) dst(%dma_wait3A_136 : memref<10112x128xf32, #tpu.memory_space<vmem_shared>>)
      tpu.yield
    }) : () -> ()
    %barrier3A_111 = arith.constant 0 : index
    tpu.barrier barrier_id(%barrier3A_111)
    %mul3A_112 = arith.constant 632 : i32
    %mul3A_113 = arith.muli %arg1, %mul3A_112 : i32
    %mul3A_114 = arith.constant 632 : i32
    %mul3A_115 = arith.muli %arg1, %mul3A_114 : i32
    "tpu.region"() ({
      %run_scoped3A_116 = tpu.sem_alloc : memref<!tpu.dma_semaphore, #tpu.memory_space<semaphore_mem>>
      %dma_start3A_117 = arith.constant 0 : i32
      %dma_start3A_118 = tpu.memref_slice %arg6[%arg0, %mul3A_115, %dma_start3A_117] : memref<2x10112x128xf32, #tpu.memory_space<hbm>> -> memref<1x632x128xf32, #tpu.memory_space<hbm>>
      %dma_start3A_119 = tpu.memref_squeeze %dma_start3A_118 : memref<1x632x128xf32, #tpu.memory_space<hbm>> -> memref<632x128xf32, #tpu.memory_space<hbm>>
      %dma_start3A_120 = arith.constant 0 : i32
      %dma_start3A_121 = tpu.memref_slice %arg7[%mul3A_113, %dma_start3A_120] : memref<10112x128xf32, #tpu.memory_space<vmem_shared>> -> memref<632x128xf32, #tpu.memory_space<vmem_shared>>
      tpu.enqueue_dma source(%dma_start3A_121 : memref<632x128xf32, #tpu.memory_space<vmem_shared>>) target(%dma_start3A_119 : memref<632x128xf32, #tpu.memory_space<hbm>>) target_semaphore(%run_scoped3A_116 : memref<!tpu.dma_semaphore, #tpu.memory_space<semaphore_mem>>)
      %dma_wait3A_122 = arith.constant 0 : i32
      %dma_wait3A_123 = tpu.memref_slice %arg6[%arg0, %mul3A_115, %dma_wait3A_122] : memref<2x10112x128xf32, #tpu.memory_space<hbm>> -> memref<1x632x128xf32, #tpu.memory_space<hbm>>
      %dma_wait3A_124 = tpu.memref_squeeze %dma_wait3A_123 : memref<1x632x128xf32, #tpu.memory_space<hbm>> -> memref<632x128xf32, #tpu.memory_space<hbm>>
      %dma_wait3A_125 = arith.constant 0 : i32
      %dma_wait3A_126 = tpu.memref_slice %arg7[%mul3A_113, %dma_wait3A_125] : memref<10112x128xf32, #tpu.memory_space<vmem_shared>> -> memref<632x128xf32, #tpu.memory_space<vmem_shared>>
      tpu.wait_dma2 semaphore(%run_scoped3A_116 : memref<!tpu.dma_semaphore, #tpu.memory_space<semaphore_mem>>) src(%dma_wait3A_126 : memref<632x128xf32, #tpu.memory_space<vmem_shared>>) dst(%dma_wait3A_124 : memref<632x128xf32, #tpu.memory_space<hbm>>)
      tpu.yield
    }) : () -> ()
    return
  }
}

module attributes {stable_mosaic.version = 14 : i64} {
  func.func @body(%arg0: i32, %arg1: memref<1000x128xf32, #tpu.memory_space<vmem>>, %arg2: memref<128x128xf32, #tpu.memory_space<vmem>>, %arg3: memref<1000x128xf32, #tpu.memory_space<vmem>>) attributes {dimension_semantics = [#tpu.dimension_semantics<arbitrary>], iteration_bounds = array<i64: 10>, scalar_prefetch = 0 : i64, scratch_operands = 0 : i64, tpu.core_type = #tpu.core_type<tc>, window_params = [{transform_indices = @transform_0, window_bounds = array<i64: 1000, 128>}, {pipeline_mode = #tpu.pipeline_mode<synchronous>, transform_indices = @transform_1, window_bounds = array<i64: 128, 128>}, {transform_indices = @transform_2, window_bounds = array<i64: 1000, 128>}]} {
    %get3A = arith.constant 0 : index
    %get3A_0 = arith.constant 0 : index
    %get3A_1 = vector.load %arg1[%get3A, %get3A_0] : memref<1000x128xf32, #tpu.memory_space<vmem>>, vector<1000x128xf32>
    %get3A_2 = arith.constant 0 : index
    %get3A_3 = arith.constant 0 : index
    %get3A_4 = vector.load %arg2[%get3A_2, %get3A_3] : memref<128x128xf32, #tpu.memory_space<vmem>>, vector<128x128xf32>
    %dot_general3A = arith.constant dense<0.000000e+00> : vector<1000x128xf32>
    %dot_general3A_5 = tpu.matmul %get3A_1, %get3A_4, %dot_general3A {dimension_numbers = #tpu.dot_dimension_numbers<[1], [1], [0], [0], [0, 0, 1, 0], [], []>, transpose_lhs_hint = false} : vector<1000x128xf32>, vector<128x128xf32>, vector<1000x128xf32> -> vector<1000x128xf32>
    %max3A = arith.constant 0.000000e+00 : f32
    %max3A_6 = vector.broadcast %max3A : f32 to vector<1000x128xf32>
    %max3A_7 = arith.maximumf %dot_general3A_5, %max3A_6 : vector<1000x128xf32>
    %swap3A = arith.constant 0 : index
    %swap3A_8 = arith.constant 0 : index
    %swap3A_9 = vector.load %arg3[%swap3A, %swap3A_8] : memref<1000x128xf32, #tpu.memory_space<vmem>>, vector<1000x128xf32>
    tpu.vector_store %arg3[%swap3A, %swap3A_8], %max3A_7 {strides = array<i32>} : memref<1000x128xf32, #tpu.memory_space<vmem>>, vector<1000x128xf32>,
    return
  }
  func.func @transform_0(%arg0: i32) -> (i32, i32) {
    %c0_i32 = arith.constant 0 : i32
    %c0_i32_0 = arith.constant 0 : i32
    return %arg0, %c0_i32 : i32, i32
  }
  func.func @transform_1(%arg0: i32) -> (i32, i32) {
    %c0_i32 = arith.constant 0 : i32
    %c0_i32_0 = arith.constant 0 : i32
    %c0_i32_1 = arith.constant 0 : i32
    return %c0_i32, %c0_i32_0 : i32, i32
  }
  func.func @transform_2(%arg0: i32) -> (i32, i32) {
    %c0_i32 = arith.constant 0 : i32
    %c0_i32_0 = arith.constant 0 : i32
    return %arg0, %c0_i32 : i32, i32
  }
}

module attributes {stable_mosaic.version = 14 : i64} {
  func.func @body(%arg0: i32, %arg1: memref<1000x128xf32, #tpu.memory_space<vmem>>, %arg2: memref<1x1000x128xf32, #tpu.memory_space<vmem>>, %arg3: memref<1x1000x128xf32, #tpu.memory_space<vmem>>, %arg4: memref<1000x128xf32, #tpu.memory_space<vmem>>) attributes {dimension_semantics = [#tpu.dimension_semantics<arbitrary>], iteration_bounds = array<i64: 10>, scalar_prefetch = 0 : i64, scratch_operands = 0 : i64, tpu.core_type = #tpu.core_type<tc>, window_params = [{transform_indices = @transform_0, window_bounds = array<i64: 1000, 128>}, {transform_indices = @transform_1, window_bounds = array<i64: 1, 1000, 128>}, {transform_indices = @transform_2, window_bounds = array<i64: 1, 1000, 128>}, {transform_indices = @transform_3, window_bounds = array<i64: 1000, 128>}]} {
    %get3A = arith.constant 0 : index
    %get3A_0 = arith.constant 0 : index
    %get3A_1 = arith.constant 0 : index
    %get3A_2 = vector.load %arg2[%get3A, %get3A_0, %get3A_1] : memref<1x1000x128xf32, #tpu.memory_space<vmem>>, vector<1x1000x128xf32>
    %get3A_3 = vector.shape_cast %get3A_2 : vector<1x1000x128xf32> to vector<1000x128xf32>
    %get3A_4 = arith.constant 0 : index
    %get3A_5 = arith.constant 0 : index
    %get3A_6 = arith.constant 0 : index
    %get3A_7 = vector.load %arg3[%get3A_4, %get3A_5, %get3A_6] : memref<1x1000x128xf32, #tpu.memory_space<vmem>>, vector<1x1000x128xf32>
    %get3A_8 = vector.shape_cast %get3A_7 : vector<1x1000x128xf32> to vector<1000x128xf32>
    %slice3A = vector.extract_strided_slice %get3A_3 {offsets = [0, 0], sizes = [1000, 1], strides = [1, 1]} : vector<1000x128xf32> to vector<1000x1xf32>
    %slice3A_9 = vector.extract_strided_slice %get3A_8 {offsets = [0, 0], sizes = [1000, 1], strides = [1, 1]} : vector<1000x128xf32> to vector<1000x1xf32>
    %add3A = arith.addf %slice3A, %slice3A_9 : vector<1000x1xf32>
    %max3A = arith.constant 1.000000e+00 : f32
    %max3A_10 = vector.broadcast %max3A : f32 to vector<1000x1xf32>
    %max3A_11 = arith.maximumf %add3A, %max3A_10 : vector<1000x1xf32>
    %rsqrt3A = math.rsqrt %max3A_11 : vector<1000x1xf32>
    %get3A_12 = arith.constant 0 : index
    %get3A_13 = arith.constant 0 : index
    %get3A_14 = vector.load %arg1[%get3A_12, %get3A_13] : memref<1000x128xf32, #tpu.memory_space<vmem>>, vector<1000x128xf32>
    %mul3A = vector.broadcast %rsqrt3A : vector<1000x1xf32> to vector<1000x128xf32>
    %mul3A_15 = arith.mulf %get3A_14, %mul3A : vector<1000x128xf32>
    %swap3A = arith.constant 0 : index
    %swap3A_16 = arith.constant 0 : index
    %swap3A_17 = vector.load %arg4[%swap3A, %swap3A_16] : memref<1000x128xf32, #tpu.memory_space<vmem>>, vector<1000x128xf32>
    tpu.vector_store %arg4[%swap3A, %swap3A_16], %mul3A_15 {strides = array<i32>} : memref<1000x128xf32, #tpu.memory_space<vmem>>, vector<1000x128xf32>,
    return
  }
  func.func @transform_0(%arg0: i32) -> (i32, i32) {
    %c0_i32 = arith.constant 0 : i32
    %c0_i32_0 = arith.constant 0 : i32
    return %arg0, %c0_i32 : i32, i32
  }
  func.func @transform_1(%arg0: i32) -> (i32, i32, i32) {
    %c0_i32 = arith.constant 0 : i32
    %c0_i32_0 = arith.constant 0 : i32
    %c0_i32_1 = arith.constant 0 : i32
    return %c0_i32, %arg0, %c0_i32_0 : i32, i32, i32
  }
  func.func @transform_2(%arg0: i32) -> (i32, i32, i32) {
    %c1_i32 = arith.constant 1 : i32
    %c0_i32 = arith.constant 0 : i32
    %c0_i32_0 = arith.constant 0 : i32
    return %c1_i32, %arg0, %c0_i32 : i32, i32, i32
  }
  func.func @transform_3(%arg0: i32) -> (i32, i32) {
    %c0_i32 = arith.constant 0 : i32
    %c0_i32_0 = arith.constant 0 : i32
    return %arg0, %c0_i32 : i32, i32
  }
}

module attributes {stable_mosaic.version = 14 : i64} {
  func.func @body(%arg0: i32, %arg1: memref<1x1000x128xf32, #tpu.memory_space<vmem>>, %arg2: memref<1x1000x128xf32, #tpu.memory_space<vmem>>, %arg3: memref<1x1000x128xf32, #tpu.memory_space<vmem>>, %arg4: memref<1x1000x128xf32, #tpu.memory_space<vmem>>, %arg5: memref<1000x128xf32, #tpu.memory_space<vmem>>, %arg6: memref<128x128xf32, #tpu.memory_space<vmem>>, %arg7: memref<1000x128xf32, #tpu.memory_space<vmem>>, %arg8: memref<1000x128xf32, #tpu.memory_space<vmem>>) attributes {dimension_semantics = [#tpu.dimension_semantics<arbitrary>], iteration_bounds = array<i64: 10>, scalar_prefetch = 0 : i64, scratch_operands = 0 : i64, tpu.core_type = #tpu.core_type<tc>, window_params = [{transform_indices = @transform_0, window_bounds = array<i64: 1, 1000, 128>}, {transform_indices = @transform_1, window_bounds = array<i64: 1, 1000, 128>}, {transform_indices = @transform_2, window_bounds = array<i64: 1, 1000, 128>}, {transform_indices = @transform_3, window_bounds = array<i64: 1, 1000, 128>}, {transform_indices = @transform_4, window_bounds = array<i64: 1000, 128>}, {pipeline_mode = #tpu.pipeline_mode<synchronous>, transform_indices = @transform_5, window_bounds = array<i64: 128, 128>}, {transform_indices = @transform_6, window_bounds = array<i64: 1000, 128>}, {transform_indices = @transform_7, window_bounds = array<i64: 1000, 128>}]} {
    %get3A = arith.constant 0 : index
    %get3A_0 = arith.constant 0 : index
    %get3A_1 = arith.constant 0 : index
    %get3A_2 = vector.load %arg3[%get3A, %get3A_0, %get3A_1] : memref<1x1000x128xf32, #tpu.memory_space<vmem>>, vector<1x1000x128xf32>
    %get3A_3 = vector.shape_cast %get3A_2 : vector<1x1000x128xf32> to vector<1000x128xf32>
    %get3A_4 = arith.constant 0 : index
    %get3A_5 = arith.constant 0 : index
    %get3A_6 = arith.constant 0 : index
    %get3A_7 = vector.load %arg4[%get3A_4, %get3A_5, %get3A_6] : memref<1x1000x128xf32, #tpu.memory_space<vmem>>, vector<1x1000x128xf32>
    %get3A_8 = vector.shape_cast %get3A_7 : vector<1x1000x128xf32> to vector<1000x128xf32>
    %slice3A = vector.extract_strided_slice %get3A_3 {offsets = [0, 0], sizes = [1000, 1], strides = [1, 1]} : vector<1000x128xf32> to vector<1000x1xf32>
    %slice3A_9 = vector.extract_strided_slice %get3A_8 {offsets = [0, 0], sizes = [1000, 1], strides = [1, 1]} : vector<1000x128xf32> to vector<1000x1xf32>
    %add3A = arith.addf %slice3A, %slice3A_9 : vector<1000x1xf32>
    %max3A = arith.constant 1.000000e+00 : f32
    %max3A_10 = vector.broadcast %max3A : f32 to vector<1000x1xf32>
    %max3A_11 = arith.maximumf %add3A, %max3A_10 : vector<1000x1xf32>
    %rsqrt3A = math.rsqrt %max3A_11 : vector<1000x1xf32>
    %get3A_12 = arith.constant 0 : index
    %get3A_13 = arith.constant 0 : index
    %get3A_14 = arith.constant 0 : index
    %get3A_15 = vector.load %arg1[%get3A_12, %get3A_13, %get3A_14] : memref<1x1000x128xf32, #tpu.memory_space<vmem>>, vector<1x1000x128xf32>
    %get3A_16 = vector.shape_cast %get3A_15 : vector<1x1000x128xf32> to vector<1000x128xf32>
    %get3A_17 = arith.constant 0 : index
    %get3A_18 = arith.constant 0 : index
    %get3A_19 = arith.constant 0 : index
    %get3A_20 = vector.load %arg2[%get3A_17, %get3A_18, %get3A_19] : memref<1x1000x128xf32, #tpu.memory_space<vmem>>, vector<1x1000x128xf32>
    %get3A_21 = vector.shape_cast %get3A_20 : vector<1x1000x128xf32> to vector<1000x128xf32>
    %add3A_22 = arith.addf %get3A_16, %get3A_21 : vector<1000x128xf32>
    %mul3A = vector.broadcast %rsqrt3A : vector<1000x1xf32> to vector<1000x128xf32>
    %mul3A_23 = arith.mulf %add3A_22, %mul3A : vector<1000x128xf32>
    %get3A_24 = arith.constant 0 : index
    %get3A_25 = arith.constant 0 : index
    %get3A_26 = vector.load %arg5[%get3A_24, %get3A_25] : memref<1000x128xf32, #tpu.memory_space<vmem>>, vector<1000x128xf32>
    %mul3A_27 = arith.constant 1.000000e+00 : f32
    %mul3A_28 = vector.broadcast %mul3A_27 : f32 to vector<1000x128xf32>
    %mul3A_29 = arith.mulf %mul3A_28, %get3A_26 : vector<1000x128xf32>
    %add3A_30 = arith.addf %mul3A_23, %mul3A_29 : vector<1000x128xf32>
    %get3A_31 = arith.constant 0 : index
    %get3A_32 = arith.constant 0 : index
    %get3A_33 = vector.load %arg6[%get3A_31, %get3A_32] : memref<128x128xf32, #tpu.memory_space<vmem>>, vector<128x128xf32>
    %dot_general3A = arith.constant dense<0.000000e+00> : vector<1000x128xf32>
    %dot_general3A_34 = tpu.matmul %add3A_30, %get3A_33, %dot_general3A {dimension_numbers = #tpu.dot_dimension_numbers<[1], [1], [0], [0], [0, 0, 1, 0], [], []>, transpose_lhs_hint = false} : vector<1000x128xf32>, vector<128x128xf32>, vector<1000x128xf32> -> vector<1000x128xf32>
    %max3A_35 = arith.constant 0.000000e+00 : f32
    %max3A_36 = vector.broadcast %max3A_35 : f32 to vector<1000x128xf32>
    %max3A_37 = arith.maximumf %dot_general3A_34, %max3A_36 : vector<1000x128xf32>
    %swap3A = arith.constant 0 : index
    %swap3A_38 = arith.constant 0 : index
    %swap3A_39 = vector.load %arg7[%swap3A, %swap3A_38] : memref<1000x128xf32, #tpu.memory_space<vmem>>, vector<1000x128xf32>
    tpu.vector_store %arg7[%swap3A, %swap3A_38], %max3A_37 {strides = array<i32>} : memref<1000x128xf32, #tpu.memory_space<vmem>>, vector<1000x128xf32>,
    %mul3A_40 = vector.broadcast %rsqrt3A : vector<1000x1xf32> to vector<1000x128xf32>
    %mul3A_41 = arith.mulf %max3A_37, %mul3A_40 : vector<1000x128xf32>
    %swap3A_42 = arith.constant 0 : index
    %swap3A_43 = arith.constant 0 : index
    %swap3A_44 = vector.load %arg8[%swap3A_42, %swap3A_43] : memref<1000x128xf32, #tpu.memory_space<vmem>>, vector<1000x128xf32>
    tpu.vector_store %arg8[%swap3A_42, %swap3A_43], %mul3A_41 {strides = array<i32>} : memref<1000x128xf32, #tpu.memory_space<vmem>>, vector<1000x128xf32>,
    return
  }
  func.func @transform_0(%arg0: i32) -> (i32, i32, i32) {
    %c0_i32 = arith.constant 0 : i32
    %c0_i32_0 = arith.constant 0 : i32
    %c0_i32_1 = arith.constant 0 : i32
    return %c0_i32, %arg0, %c0_i32_0 : i32, i32, i32
  }
  func.func @transform_1(%arg0: i32) -> (i32, i32, i32) {
    %c1_i32 = arith.constant 1 : i32
    %c0_i32 = arith.constant 0 : i32
    %c0_i32_0 = arith.constant 0 : i32
    return %c1_i32, %arg0, %c0_i32 : i32, i32, i32
  }
  func.func @transform_2(%arg0: i32) -> (i32, i32, i32) {
    %c0_i32 = arith.constant 0 : i32
    %c0_i32_0 = arith.constant 0 : i32
    %c0_i32_1 = arith.constant 0 : i32
    return %c0_i32, %arg0, %c0_i32_0 : i32, i32, i32
  }
  func.func @transform_3(%arg0: i32) -> (i32, i32, i32) {
    %c1_i32 = arith.constant 1 : i32
    %c0_i32 = arith.constant 0 : i32
    %c0_i32_0 = arith.constant 0 : i32
    return %c1_i32, %arg0, %c0_i32 : i32, i32, i32
  }
  func.func @transform_4(%arg0: i32) -> (i32, i32) {
    %c0_i32 = arith.constant 0 : i32
    %c0_i32_0 = arith.constant 0 : i32
    return %arg0, %c0_i32 : i32, i32
  }
  func.func @transform_5(%arg0: i32) -> (i32, i32) {
    %c0_i32 = arith.constant 0 : i32
    %c0_i32_0 = arith.constant 0 : i32
    %c0_i32_1 = arith.constant 0 : i32
    return %c0_i32, %c0_i32_0 : i32, i32
  }
  func.func @transform_6(%arg0: i32) -> (i32, i32) {
    %c0_i32 = arith.constant 0 : i32
    %c0_i32_0 = arith.constant 0 : i32
    return %arg0, %c0_i32 : i32, i32
  }
  func.func @transform_7(%arg0: i32) -> (i32, i32) {
    %c0_i32 = arith.constant 0 : i32
    %c0_i32_0 = arith.constant 0 : i32
    return %arg0, %c0_i32 : i32, i32
  }
}

module attributes {stable_mosaic.version = 14 : i64} {
  func.func @body(%arg0: i32, %arg1: memref<1x1000x128xf32, #tpu.memory_space<vmem>>, %arg2: memref<1x1000x128xf32, #tpu.memory_space<vmem>>, %arg3: memref<1x1000x128xf32, #tpu.memory_space<vmem>>, %arg4: memref<1x1000x128xf32, #tpu.memory_space<vmem>>, %arg5: memref<1000x128xf32, #tpu.memory_space<vmem>>, %arg6: memref<128x128xf32, #tpu.memory_space<vmem>>, %arg7: memref<64x128xf32, #tpu.memory_space<vmem>>, %arg8: memref<1000x64xf32, #tpu.memory_space<vmem>>) attributes {dimension_semantics = [#tpu.dimension_semantics<arbitrary>], iteration_bounds = array<i64: 10>, scalar_prefetch = 0 : i64, scratch_operands = 0 : i64, tpu.core_type = #tpu.core_type<tc>, window_params = [{transform_indices = @transform_0, window_bounds = array<i64: 1, 1000, 128>}, {transform_indices = @transform_1, window_bounds = array<i64: 1, 1000, 128>}, {transform_indices = @transform_2, window_bounds = array<i64: 1, 1000, 128>}, {transform_indices = @transform_3, window_bounds = array<i64: 1, 1000, 128>}, {transform_indices = @transform_4, window_bounds = array<i64: 1000, 128>}, {pipeline_mode = #tpu.pipeline_mode<synchronous>, transform_indices = @transform_5, window_bounds = array<i64: 128, 128>}, {pipeline_mode = #tpu.pipeline_mode<synchronous>, transform_indices = @transform_6, window_bounds = array<i64: 64, 128>}, {transform_indices = @transform_7, window_bounds = array<i64: 1000, 64>}]} {
    %get3A = arith.constant 0 : index
    %get3A_0 = arith.constant 0 : index
    %get3A_1 = arith.constant 0 : index
    %get3A_2 = vector.load %arg3[%get3A, %get3A_0, %get3A_1] : memref<1x1000x128xf32, #tpu.memory_space<vmem>>, vector<1x1000x128xf32>
    %get3A_3 = vector.shape_cast %get3A_2 : vector<1x1000x128xf32> to vector<1000x128xf32>
    %get3A_4 = arith.constant 0 : index
    %get3A_5 = arith.constant 0 : index
    %get3A_6 = arith.constant 0 : index
    %get3A_7 = vector.load %arg4[%get3A_4, %get3A_5, %get3A_6] : memref<1x1000x128xf32, #tpu.memory_space<vmem>>, vector<1x1000x128xf32>
    %get3A_8 = vector.shape_cast %get3A_7 : vector<1x1000x128xf32> to vector<1000x128xf32>
    %slice3A = vector.extract_strided_slice %get3A_3 {offsets = [0, 0], sizes = [1000, 1], strides = [1, 1]} : vector<1000x128xf32> to vector<1000x1xf32>
    %slice3A_9 = vector.extract_strided_slice %get3A_8 {offsets = [0, 0], sizes = [1000, 1], strides = [1, 1]} : vector<1000x128xf32> to vector<1000x1xf32>
    %add3A = arith.addf %slice3A, %slice3A_9 : vector<1000x1xf32>
    %max3A = arith.constant 1.000000e+00 : f32
    %max3A_10 = vector.broadcast %max3A : f32 to vector<1000x1xf32>
    %max3A_11 = arith.maximumf %add3A, %max3A_10 : vector<1000x1xf32>
    %rsqrt3A = math.rsqrt %max3A_11 : vector<1000x1xf32>
    %get3A_12 = arith.constant 0 : index
    %get3A_13 = arith.constant 0 : index
    %get3A_14 = arith.constant 0 : index
    %get3A_15 = vector.load %arg1[%get3A_12, %get3A_13, %get3A_14] : memref<1x1000x128xf32, #tpu.memory_space<vmem>>, vector<1x1000x128xf32>
    %get3A_16 = vector.shape_cast %get3A_15 : vector<1x1000x128xf32> to vector<1000x128xf32>
    %get3A_17 = arith.constant 0 : index
    %get3A_18 = arith.constant 0 : index
    %get3A_19 = arith.constant 0 : index
    %get3A_20 = vector.load %arg2[%get3A_17, %get3A_18, %get3A_19] : memref<1x1000x128xf32, #tpu.memory_space<vmem>>, vector<1x1000x128xf32>
    %get3A_21 = vector.shape_cast %get3A_20 : vector<1x1000x128xf32> to vector<1000x128xf32>
    %add3A_22 = arith.addf %get3A_16, %get3A_21 : vector<1000x128xf32>
    %mul3A = vector.broadcast %rsqrt3A : vector<1000x1xf32> to vector<1000x128xf32>
    %mul3A_23 = arith.mulf %add3A_22, %mul3A : vector<1000x128xf32>
    %get3A_24 = arith.constant 0 : index
    %get3A_25 = arith.constant 0 : index
    %get3A_26 = vector.load %arg5[%get3A_24, %get3A_25] : memref<1000x128xf32, #tpu.memory_space<vmem>>, vector<1000x128xf32>
    %mul3A_27 = arith.constant 1.000000e+00 : f32
    %mul3A_28 = vector.broadcast %mul3A_27 : f32 to vector<1000x128xf32>
    %mul3A_29 = arith.mulf %mul3A_28, %get3A_26 : vector<1000x128xf32>
    %add3A_30 = arith.addf %mul3A_23, %mul3A_29 : vector<1000x128xf32>
    %get3A_31 = arith.constant 0 : index
    %get3A_32 = arith.constant 0 : index
    %get3A_33 = vector.load %arg6[%get3A_31, %get3A_32] : memref<128x128xf32, #tpu.memory_space<vmem>>, vector<128x128xf32>
    %dot_general3A = arith.constant dense<0.000000e+00> : vector<1000x128xf32>
    %dot_general3A_34 = tpu.matmul %add3A_30, %get3A_33, %dot_general3A {dimension_numbers = #tpu.dot_dimension_numbers<[1], [1], [0], [0], [0, 0, 1, 0], [], []>, transpose_lhs_hint = false} : vector<1000x128xf32>, vector<128x128xf32>, vector<1000x128xf32> -> vector<1000x128xf32>
    %max3A_35 = arith.constant 0.000000e+00 : f32
    %max3A_36 = vector.broadcast %max3A_35 : f32 to vector<1000x128xf32>
    %max3A_37 = arith.maximumf %dot_general3A_34, %max3A_36 : vector<1000x128xf32>
    %get3A_38 = arith.constant 0 : index
    %get3A_39 = arith.constant 0 : index
    %get3A_40 = vector.load %arg7[%get3A_38, %get3A_39] : memref<64x128xf32, #tpu.memory_space<vmem>>, vector<64x128xf32>
    %dot_general3A_41 = arith.constant dense<0.000000e+00> : vector<1000x64xf32>
    %dot_general3A_42 = tpu.matmul %max3A_37, %get3A_40, %dot_general3A_41 {dimension_numbers = #tpu.dot_dimension_numbers<[1], [1], [0], [0], [0, 0, 1, 0], [], []>, transpose_lhs_hint = false} : vector<1000x128xf32>, vector<64x128xf32>, vector<1000x64xf32> -> vector<1000x64xf32>
    %swap3A = arith.constant 0 : index
    %swap3A_43 = arith.constant 0 : index
    %swap3A_44 = vector.load %arg8[%swap3A, %swap3A_43] : memref<1000x64xf32, #tpu.memory_space<vmem>>, vector<1000x64xf32>
    tpu.vector_store %arg8[%swap3A, %swap3A_43], %dot_general3A_42 {strides = array<i32>} : memref<1000x64xf32, #tpu.memory_space<vmem>>, vector<1000x64xf32>,
    return
  }
  func.func @transform_0(%arg0: i32) -> (i32, i32, i32) {
    %c0_i32 = arith.constant 0 : i32
    %c0_i32_0 = arith.constant 0 : i32
    %c0_i32_1 = arith.constant 0 : i32
    return %c0_i32, %arg0, %c0_i32_0 : i32, i32, i32
  }
  func.func @transform_1(%arg0: i32) -> (i32, i32, i32) {
    %c1_i32 = arith.constant 1 : i32
    %c0_i32 = arith.constant 0 : i32
    %c0_i32_0 = arith.constant 0 : i32
    return %c1_i32, %arg0, %c0_i32 : i32, i32, i32
  }
  func.func @transform_2(%arg0: i32) -> (i32, i32, i32) {
    %c0_i32 = arith.constant 0 : i32
    %c0_i32_0 = arith.constant 0 : i32
    %c0_i32_1 = arith.constant 0 : i32
    return %c0_i32, %arg0, %c0_i32_0 : i32, i32, i32
  }
  func.func @transform_3(%arg0: i32) -> (i32, i32, i32) {
    %c1_i32 = arith.constant 1 : i32
    %c0_i32 = arith.constant 0 : i32
    %c0_i32_0 = arith.constant 0 : i32
    return %c1_i32, %arg0, %c0_i32 : i32, i32, i32
  }
  func.func @transform_4(%arg0: i32) -> (i32, i32) {
    %c0_i32 = arith.constant 0 : i32
    %c0_i32_0 = arith.constant 0 : i32
    return %arg0, %c0_i32 : i32, i32
  }
  func.func @transform_5(%arg0: i32) -> (i32, i32) {
    %c0_i32 = arith.constant 0 : i32
    %c0_i32_0 = arith.constant 0 : i32
    %c0_i32_1 = arith.constant 0 : i32
    return %c0_i32, %c0_i32_0 : i32, i32
  }
  func.func @transform_6(%arg0: i32) -> (i32, i32) {
    %c0_i32 = arith.constant 0 : i32
    %c0_i32_0 = arith.constant 0 : i32
    %c0_i32_1 = arith.constant 0 : i32
    return %c0_i32, %c0_i32_0 : i32, i32
  }
  func.func @transform_7(%arg0: i32) -> (i32, i32) {
    %c0_i32 = arith.constant 0 : i32
    %c0_i32_0 = arith.constant 0 : i32
    return %arg0, %c0_i32 : i32, i32
  }
}

</mosaic_0001>

<sc_bundles>
// kernel: kernel.12.cloned.1.call-start
scs
__scs_entry_jumppad:
0x0: {  	(pc) =	sbr.rel $0x88, $3  }
0x1: {  	(tag) =	ssettag $0x0;
	lr =	simm.s32 $0x1  }
0x2: {  	[smem:$0x3F9B] =	sst lr;
	_ =	strace $0xD0000000  }
0x3: {  	_ = 	snop  }
0x4: {  	_ = 	snop  }
0x5: {  	_ = 	snop  }
0x6: {  	_ = 	snop  }
0x7: {  	_ = 	snop  }
__scs_overlays_trampoline_lowered:
0x8: {  	[smem:$0x3FAA] =	sst s0  }
0x9: {  	[smem:$0x3FAB] =	sst s1  }
0xa: {  	[smem:$0x3FAC] =	sst s2  }
0xb: {  	[smem:$0x3FAD] =	sst s3  }
0xc: {  	[smem:$0x3FAE] =	sst s4  }
0xd: {  	[smem:$0x3FAF] =	sst s5  }
0xe: {  	[smem:$0x3FB0] =	sst s6  }
0xf: {  	[smem:$0x3FB1] =	sst s7  }
0x10: {  	[smem:$0x3FB2] =	sst s8  }
0x11: {  	[smem:$0x3FB3] =	sst s9;
	s0 =	simm.s32 @!p0 $0x0  }
0x12: {  	s1 =	sld [smem:$0x3F99];
	s0 =	simm.s32 @p0 $0x1  }
0x13: {  	[smem:$0x3FB4] =	sst s0;
	s0 =	simm.s32 @!p1 $0x0  }
0x14: {  	s2 =	sld [smem:$0x3F98];
	s0 =	simm.s32 @p1 $0x1  }
0x15: {  	[smem:$0x3FB5] =	sst s0;
	s0 =	simm.s32 @!p2 $0x0  }
0x16: {  	s3 =	sld [smem:$0x3FDB];
	s0 =	simm.s32 @p2 $0x1  }
0x17: {  	s4 =	simm.s32 $0x1BF5;
	[smem:$0x3FB7] =	sst s0  }
0x18: {  	s0 =	sld [smem:$0x3F9A];
	_ =	swait.ge [sflag:s4], $0x0  }
0x19: {  	s7 =	sld [smem:$0x3F9B]  }
0x1a: {  	s8 =	sadd.s32 $0xFFFFE003, lr  }
0x1b: {  	s9 =	sadd.s32 $0xFFFFFEF7, lr;
	s5 =	simm.s32 $0xFFFFFFFF;
	p2 =	slt.u32 s8, $0xFFFFF086  }
0x1c: {  	p1 =	slt.u32 s9, $0xF7A;
	s5 =	simm.s32 @!p2 $0x0  }
0x1d: {  	s5 =	simm.s32 @p1 $0x1;
	p0 =	seq.s32 s7, s2  }
0x1e: {  	s7 =	smul.u32 @!p0 $0xF7A, s2;
	p2 =	seq.s32 @!p0 s5, $0x0  }
0x1f: {  	s9 =	smul.u32 $0xF7A, s1;
	s8 =	simm.s32 @!p0 $0x1BF5;
	p2 =	por !p2, p0  }
0x20: {  	[sflag:s8] =	ssyncset.s32 @!p0 $0xFFFFF086;
	s6 =	sadd.s32 @!p0 s3, s7;
	s7 =	simm.s32 @!p0 $0x108  }
0x21: {  	s3 =	sadd.s32 s3, s9;
	s6 =	sadd.s32 @!p0 $0x88, s6;
	s7 =	simm.s32 @p2 $0x1082  }
0x22: {  	[simem:s7], [sflag:s8] =	dma.local @!p0 [hbm:s6], $0xF7A  }
0x23: {  	s9 =	sor.u32 $0xD0000000, s2;
	s6 =	simm.s32 $0x108;
	_ =	swait.ge @!p0 [sflag:s8], $0x0  }
0x24: {  	s3 =	sadd.s32 $0x88, s3;
	s6 =	simm.s32 @!p1 $0x1082;
	[sflag:s4] =	ssyncset.s32 $0xFFFFF086  }
0x25: {  	[simem:s6], [sflag:s4] =	dma.local [hbm:s3], $0xF7A  }
0x26: {  	[smem:$0x3F9B] =	sst s1;
	(tag) =	ssettag s2;
	_ =	strace s9  }
0x27: {  	s1 =	sld [smem:$0x3FAB]  }
0x28: {  	s2 =	sld [smem:$0x3FAC]  }
0x29: {  	s4 =	sld [smem:$0x3FAE]  }
0x2a: {  	p0 =	seq.s32 s5, $0x0;
	s5 =	sld [smem:$0x3FAF]  }
0x2b: {  	s6 =	sld [smem:$0x3FB0]  }
0x2c: {  	s7 =	sld [smem:$0x3FB1]  }
0x2d: {  	s3 =	simm.s32 $0x108;
	s8 =	sld [smem:$0x3FB2]  }
0x2e: {  	s3 =	simm.s32 @!p0 $0x1082;
	s9 =	sld [smem:$0x3FB3]  }
0x2f: {  	lr =	sadd.s32 s0, s3;
	s0 =	sld [smem:$0x3FAA]  }
0x30: {  	s3 =	sld [smem:$0x3FAD]  }
0x31: {  	[smem:$0x3FB6] =	sst s10  }
0x32: {  	s10 =	sld [smem:$0x3FB4];
	_ =	sdelay $0x3  }
0x33: {  	p0 =	seq.s32 s10, $0x1;
	s10 =	sld [smem:$0x3FB6];
	_ =	sdelay $0x3  }
0x34: {  	[smem:$0x3FB6] =	sst s10  }
0x35: {  	s10 =	sld [smem:$0x3FB5];
	_ =	sdelay $0x3  }
0x36: {  	p1 =	seq.s32 s10, $0x1;
	s10 =	sld [smem:$0x3FB6];
	_ =	sdelay $0x3  }
0x37: {  	[smem:$0x3FB6] =	sst s10  }
0x38: {  	s10 =	sld [smem:$0x3FB7]  }
0x39: {  	_ = 	snop;
	(pc) =	sbr.ind lr, $3  }
0x3a: {  	_ = 	snop  }
0x3b: {  	_ = 	snop  }
0x3c: {  	p2 =	seq.s32 s10, $0x1;
	s10 =	sld [smem:$0x3FB6]  }
0x3d: {  	_ =	shalt  }
0x3e: {  	_ =	shalt  }
0x3f: {  	_ =	shalt  }
0x40: {  	_ =	shalt  }
0x41: {  	_ =	shalt  }
0x42: {  	_ =	shalt  }
0x43: {  	_ =	shalt  }
0x44: {  	_ =	shalt  }
0x45: {  	_ =	shalt  }
0x46: {  	_ =	shalt  }
0x47: {  	_ =	shalt  }
0x48: {  	_ =	shalt  }
0x49: {  	_ =	shalt  }
0x4a: {  	_ =	shalt  }
0x4b: {  	_ =	shalt  }
0x4c: {  	_ =	shalt  }
0x4d: {  	_ =	shalt  }
0x4e: {  	_ =	shalt  }
0x4f: {  	_ =	shalt  }
0x50: {  	_ =	shalt  }
0x51: {  	_ =	shalt  }
0x52: {  	_ =	shalt  }
0x53: {  	_ =	shalt  }
0x54: {  	_ =	shalt  }
0x55: {  	_ =	shalt  }
0x56: {  	_ =	shalt  }
0x57: {  	_ =	shalt  }
0x58: {  	_ =	shalt  }
0x59: {  	_ =	shalt  }
0x5a: {  	_ =	shalt  }
0x5b: {  	_ =	shalt  }
0x5c: {  	_ =	shalt  }
0x5d: {  	_ =	shalt  }
0x5e: {  	_ =	shalt  }
0x5f: {  	_ =	shalt  }
0x60: {  	_ =	shalt  }
0x61: {  	_ =	shalt  }
0x62: {  	_ =	shalt  }
0x63: {  	_ =	shalt  }
0x64: {  	_ =	shalt  }
0x65: {  	_ =	shalt  }
0x66: {  	_ =	shalt  }
0x67: {  	_ =	shalt  }
0x68: {  	_ =	shalt  }
0x69: {  	_ =	shalt  }
0x6a: {  	_ =	shalt  }
0x6b: {  	_ =	shalt  }
0x6c: {  	_ =	shalt  }
0x6d: {  	_ =	shalt  }
0x6e: {  	_ =	shalt  }
0x6f: {  	_ =	shalt  }
0x70: {  	_ =	shalt  }
0x71: {  	_ =	shalt  }
0x72: {  	_ =	shalt  }
0x73: {  	_ =	shalt  }
0x74: {  	_ =	shalt  }
0x75: {  	_ =	shalt  }
0x76: {  	_ =	shalt  }
0x77: {  	_ =	shalt  }
0x78: {  	_ =	shalt  }
0x79: {  	_ =	shalt  }
0x7a: {  	_ =	shalt  }
0x7b: {  	_ =	shalt  }
0x7c: {  	_ =	shalt  }
0x7d: {  	_ =	shalt  }
0x7e: {  	_ =	shalt  }
0x7f: {  	_ =	shalt  }
0x80: {  	_ =	shalt  }
0x81: {  	_ =	shalt  }
0x82: {  	_ =	shalt  }
0x83: {  	_ =	shalt  }
0x84: {  	_ =	shalt  }
0x85: {  	_ =	shalt  }
0x86: {  	_ =	shalt  }
0x87: {  	_ =	shalt  }
.Lfunc_end0:
.L_simem_size_0:
called_computation.1_lowered:
.L_overlay_start_0:
0x88: {  	s2 =	sld [smem:$0x3FD9]  }
0x89: {  	s3 =	sld [smem:$0x3FFE];
	_ =	sdelay $0x1  }
0x8a: {  	s1 =	srdreg.scid  }
0x8b: {  	s0 =	sand.u32 $0x1, s1  }
0x8c: {  	s17 =	sshll.u32 s0, $0xA;
	s2 =	sadd.s32 s3, s2  }
0x8d: {  	s2 =	sadd.s32 s2, s17  }
0x8e: {  	[smem:$0x3FC2] =	sst s2  }
0x8f: {  	_ = 	snop  }
0x90: {  	s2 =	sld [smem:$0x3FD0];
	(tm) =	ssettm $0x1  }
0x91: {  	s18 =	sld [smem:$0x3FFB];
	_ =	sdelay $0x3  }
0x92: {  	_ =	strace s18  }
0x93: {  	s3 =	sld [smem:$0x3FFC];
	_ =	sdelay $0x3  }
0x94: {  	_ =	strace s3  }
0x95: {  	s3 =	sld [smem:$0x3FFD];
	_ =	sdelay $0x3  }
0x96: {  	_ =	strace s3  }
0x97: {  	_ =	strace $0x8FFFFFFF  }
0x98: {  	s19 =	sld [smem:$0x3FDB];
	_ =	sdelay $0x1  }
0x99: {  	s4 =	simm.s32 $_scs_section_size  }
0x9a: {  	s5 =	simm.s32 $_size__tile_overlayer_lowered;
	s6 =	simm.s32 $_tile_overlayer_lowered  }
0x9b: {  	s22 =	simm.s32 $0x1BFF;
	s21 =	sshll.u32 s6, $0x1;
	s3 =	sadd.s32 s4, s19  }
0x9c: {  	s7 =	simm.s32 $0x0;
	s20 =	sshll.u32 s5, $0x1;
	s5 =	sadd.s32 s21, s3  }
0x9d: {  	[timem:s7], [sflag:s22] =	dma.local [hbm:s5], s20  }
0x9e: {  	_ =	swait.ge [sflag:s22], s20  }
0x9f: {  	s4 =	ssub.s32 $0x0, s20;
	[sflag:s22] =	ssyncset.done $0x0  }
0xa0: {  	[sflag:s22] =	ssyncadd.s32 s4;
	_ =	sdelay $0x1  }
0xa1: {  	s23 =	simm.s32 $0x1B8B  }
0xa2: {  	_ =	swait.ge [sflag:s23], $0x1  }
0xa3: {  	[sflag:s23] =	ssyncset.done $0x0  }
0xa4: {  	s25 =	simm.s32 $0x1B8E;
	s24 =	sld [smem:$0x3FFE];
	[sflag:s23] =	ssyncadd.s32 $0xFFFFFFFF  }
0xa5: {  	s26 =	simm.s32 $execute0_lowered;
	[smem:$0x3FD2] =	sst s25  }
0xa6: {  	s5 =	sshll.u32 s26, $0x1;
	_ =	strace $0x80000049;
	[dreg:$0x1] =	wrdreg $0xFFFFFFFF  }
0xa7: {  	s28 =	simm.s32 $_size_execute0_lowered;
	s3 =	sadd.s32 s3, s5;
	[dreg:$0x0] =	wrdreg $0x0  }
0xa8: {  	s5 =	sshll.u32 s28, $0x1;
	[dreg:$0x2] =	wrdreg s3  }
0xa9: {  	[dreg:$0x3] =	wrdreg s5  }
0xaa: {  	[dreg:$0x4] =	wrdreg $0xC0  }
0xab: {  	_ =	task [dreg:s7], $0x5FFFF  }
0xac: {  	[dreg:$0x1] =	wrdreg $0xFFFFFFFF  }
0xad: {  	[dreg:$0x0] =	wrdreg $0x60  }
0xae: {  	[dreg:$0x2] =	wrdreg s24  }
0xaf: {  	[dreg:$0x3] =	wrdreg s2  }
0xb0: {  	[dreg:$0x4] =	wrdreg $0x0  }
0xb1: {  	[dreg:$0x5] =	wrdreg $0x9  }
0xb2: {  	_ =	task.clear_ibuf [dreg:s7], $0x6FFFF;
	_ =	strace $0x90000049  }
0xb3: {  	s29 =	simm.s32 $0x9;
	_ =	strace $0x8000004B  }
0xb4: {  	_ =	swait.ge [sflag:s29], $0x1  }
0xb5: {  	[sflag:s29] =	ssyncadd.s32 $0xFFFFFFFF  }
0xb6: {  	_ =	strace $0x9000004B  }
0xb7: {  	_ =	sfence  }
0xb8: {  	s30 =	sld [smem:$0x0];
	_ =	sdelay $0x2  }
0xb9: {  	s31 =	sshll.u32 s1, $0xD;
	s1 =	sshrl.u32 s1, $0x2  }
0xba: {  	s3 =	sand.u32 $0x4000, s31;
	s1 =	sadd.s32 s1, s30  }
0xbb: {  	s0 =	sor.u32 s3, s0;
	s1 =	sshll.u32 s1, $0x11  }
0xbc: {  	s0 =	sor.u32 s1, s0  }
0xbd: {  	s0 =	sadd.s32 $0x8F2B, s0  }
0xbe: {  	[sflag:s0] =	ssyncadd.remote.s32 $0x1  }
0xbf: {  	_ =	sfence.sel $0xFFFF  }
0xc0: {  	[dreg:$0x0] =	wrdreg $0xFFFFFFFF;
	(pc) =	sbr.abs _section_cstart, $3  }
0xc1: {  	[dreg:$0x1] =	wrdreg $0xFFFFFFFF  }
0xc2: {  	_ =	task.clear_ibuf [dreg:s7], $0x2FFFF;
	_ =	strace $0x9FFFFFFF  }
0xc3: {  	(tm) =	ssettm $0x7FFFFFFF  }
tec
execute0_lowered:
.L_overlay_start_1:
0x0: {  	(tag) =	ssettag $0x1  }
0x1: {  	s0 =	srdreg.scid;
	s1 =	rddreg [dreg:$0x0]  }
0x2: {  	s12 =	stileid.u32;
	s8 =	rddreg [dreg:$0x1];
	s13 =	simm.s32 $0x13C00  }
0x3: {  	s15 =	simm.s32 $0x20;
	s16 =	simm.s32 $0x18C00;
	s18 =	simm.s32 $0x19C00  }
0x4: {  	s19 =	simm.s32 $0x13C40;
	s20 =	simm.s32 $0x1AC00;
	s21 =	simm.s32 $0x13C60  }
0x5: {  	s22 =	simm.s32 $0x1BC00;
	s23 =	simm.s32 $0x1;
	s28 =	simm.s32 $0x18B80  }
0x6: {  	s29 =	simm.s32 $0x18BA0;
	s30 =	simm.s32 $0x18BC0;
	s31 =	simm.s32 $0x18BE0  }
0x7: {  	s0 =	sand.u32 $0x1, s0;
	s5 =	smul.u32 $0x13C00, s12;
	s4 =	sadd.s32 $0x83000, s1  }
0x8: {  	s24 =	smul.u32 $0x4F000, s12;
	s26 =	sshll.u32 s12, $0x6;
	s2 =	sshll.u32 s0, $0x4  }
0x9: {  	s6 =	smul.u32 $0x13C000, s0;
	s0 =	ssub.s32 $0x2, s0;
	s3 =	sor.u32 s12, s2  }
0xa: {  	s2 =	rddreg [dreg:$0x2];
	s10 =	sshrl.u32 s5, $0x3;
	s25 =	sshrl.u32 s0, $0x1  }
0xb: {  	s12 =	simm.s32 $0x5;
	s9 =	smul.u32 $0x500, s3;
	s3 =	simm.s32 $0x0  }
0xc: {  	s5 =	sadd.s32 s5, s6;
	s10 =	sadd.s32 s10, s1;
	s6 =	sshrl.u32 s24, $0x2  }
0xd: {  	s0 =	ssub.s32 s0, s25;
	s24 =	simm.s32 $0x2;
	s25 =	simm.s32 $0x3  }
0xe: {  	[smem:$0x7FF] =	sst s3;
	s5 =	sshrl.u32 s5, $0x3;
	s11 =	sadd.s32 s6, s2  }
0xf: {  	s6 =	sor.u32 $0x1C05, s26;
	s26 =	simm.s32 $0x4;
	_ =	strace $0x8000004A  }
0x10: {  	s7 =	sadd.s32 s9, s1;
	s1 =	sadd.s32 s5, s1;
	s5 =	sadd.s32 $0xC800, s10  }
0x11: {  	s8 =	sadd.s32 s8, s9;
	s10 =	smax.u32 s0, $0x1;
	s11 =	sshrl.u32 s11, $0x3  }
0x12: {  	s7 =	sadd.s32 $0x2000, s7;
	s9 =	sadd.s32 $0xAA200, s1;
	s1 =	simm.s32 $0x0  }
.LBB2_1:
0x13: {  	[spmem:s11], [sflag:s6] =	dma.local [hbm:s5], $0x2780  }
0x14: {  	_ =	swait.ge [sflag:s12], $0x2780  }
0x15: {  	[sflag:s12] =	ssyncset.done $0x0  }
0x16: {  	[sflag:s12] =	ssyncadd.s32 $0xFFFFD880  }
0x17: {  	[tilespmem:s13], [sflag:$0x5] =	stream.linear.gather [hbm4b:s7+s3], $0x2800, $0x38;
	[tilespmem:$0x1CC00] =	vst v63  }
0x18: {  	_ =	swait.ge [sflag:s12], $0x2800  }
0x19: {  	[sflag:s12] =	ssyncset.done $0x0  }
0x1a: {  	s0 =	simm.s32 $0x16400;
	[sflag:s12] =	ssyncadd.s32 $0xFFFFD800  }
0x1b: {  	[tilespmem:s0], [sflag:$0x5] =	stream.linear.gather [hbm4b:s8+s3], $0x2800, $0x38;
	[tilespmem:$0x1CC00] =	vst v63  }
0x1c: {  	_ =	swait.ge [sflag:s12], $0x2800  }
0x1d: {  	[sflag:s12] =	ssyncset.done $0x0  }
0x1e: {  	[sflag:s12] =	ssyncadd.s32 $0xFFFFD800  }
0x1f: {  	[bflag:$0x0] =	sbarrier.arrive $0xFFFF  }
0x20: {  	[tilespmem:s16], [sflag:$0x1] =	stream.indirect.gather [hbm4b:s4+s15], $0x80, s13, s15, $0xb8;
	[tilespmem:$0x1CC00] =	vst v63  }
0x21: {  	s14 =	simm.s32 $0x13C20  }
0x22: {  	[tilespmem:s18], [sflag:$0x2] =	stream.indirect.gather [hbm4b:s4+s15], $0x80, s14, s15, $0xb8;
	[tilespmem:$0x1CC00] =	vst v63  }
0x23: {  	_ = 	snop  }
0x24: {  	[tilespmem:s20], [sflag:$0x3] =	stream.indirect.gather [hbm4b:s4+s15], $0x80, s19, s15, $0xb8;
	[tilespmem:$0x1CC00] =	vst v63  }
0x25: {  	_ = 	snop  }
0x26: {  	[tilespmem:s22], [sflag:$0x4] =	stream.indirect.gather [hbm4b:s4+s15], $0x80, s21, s15, $0xb8;
	[tilespmem:$0x1CC00] =	vst v63  }
0x27: {  	_ =	swait.ge [sflag:s23], $0x1000  }
0x28: {  	[sflag:s23] =	ssyncset.done $0x0  }
0x29: {  	s17 =	simm.s32 $0x16400;
	[sflag:s23] =	ssyncadd.s32 $0xFFFFF000  }
0x2a: {  	[spmem:s2] =	stream.indirect.scatter.add.f32 [tilespmem:s16], [sflag:$0x5], $0x80, s17, s15, $0xb8;
	[tilespmem:$0x1CC00] =	vst v63  }
0x2b: {  	_ =	swait.ge [sflag:s12], $0x1000  }
0x2c: {  	[sflag:s12] =	ssyncset.done $0x0  }
0x2d: {  	s14 =	simm.s32 $0x13C80;
	[sflag:s12] =	ssyncadd.s32 $0xFFFFF000  }
0x2e: {  	[tilespmem:s16], [sflag:$0x1] =	stream.indirect.gather [hbm4b:s4+s15], $0x80, s14, s15, $0xb8;
	[tilespmem:$0x1CC00] =	vst v63  }
0x2f: {  	_ =	swait.ge [sflag:s24], $0x1000  }
0x30: {  	[sflag:s24] =	ssyncset.done $0x0  }
0x31: {  	s17 =	simm.s32 $0x16420;
	[sflag:s24] =	ssyncadd.s32 $0xFFFFF000  }
0x32: {  	[spmem:s2] =	stream.indirect.scatter.add.f32 [tilespmem:s18], [sflag:$0x5], $0x80, s17, s15, $0xb8;
	[tilespmem:$0x1CC00] =	vst v63  }
0x33: {  	_ =	swait.ge [sflag:s12], $0x1000  }
0x34: {  	[sflag:s12] =	ssyncset.done $0x0  }
0x35: {  	s14 =	simm.s32 $0x13CA0;
	[sflag:s12] =	ssyncadd.s32 $0xFFFFF000  }
0x36: {  	[tilespmem:s18], [sflag:$0x2] =	stream.indirect.gather [hbm4b:s4+s15], $0x80, s14, s15, $0xb8;
	[tilespmem:$0x1CC00] =	vst v63  }
0x37: {  	_ =	swait.ge [sflag:s25], $0x1000  }
0x38: {  	[sflag:s25] =	ssyncset.done $0x0  }
0x39: {  	s17 =	simm.s32 $0x16440;
	[sflag:s25] =	ssyncadd.s32 $0xFFFFF000  }
0x3a: {  	[spmem:s2] =	stream.indirect.scatter.add.f32 [tilespmem:s20], [sflag:$0x5], $0x80, s17, s15, $0xb8;
	[tilespmem:$0x1CC00] =	vst v63  }
0x3b: {  	_ =	swait.ge [sflag:s12], $0x1000  }
0x3c: {  	[sflag:s12] =	ssyncset.done $0x0  }
0x3d: {  	s14 =	simm.s32 $0x13CC0;
	[sflag:s12] =	ssyncadd.s32 $0xFFFFF000  }
0x3e: {  	[tilespmem:s20], [sflag:$0x3] =	stream.indirect.gather [hbm4b:s4+s15], $0x80, s14, s15, $0xb8;
	[tilespmem:$0x1CC00] =	vst v63  }
0x3f: {  	_ =	swait.ge [sflag:s26], $0x1000  }
0x40: {  	[sflag:s26] =	ssyncset.done $0x0  }
0x41: {  	s17 =	simm.s32 $0x16460;
	[sflag:s26] =	ssyncadd.s32 $0xFFFFF000  }
0x42: {  	[spmem:s2] =	stream.indirect.scatter.add.f32 [tilespmem:s22], [sflag:$0x5], $0x80, s17, s15, $0xb8;
	[tilespmem:$0x1CC00] =	vst v63  }
0x43: {  	_ =	swait.ge [sflag:s12], $0x1000  }
0x44: {  	[sflag:s12] =	ssyncset.done $0x0  }
0x45: {  	s0 =	simm.s32 $0x200;
	s14 =	simm.s32 $0x13CE0;
	[sflag:s12] =	ssyncadd.s32 $0xFFFFF000  }
.LBB2_2:
0x46: {  	[tilespmem:s22], [sflag:$0x4] =	stream.indirect.gather [hbm4b:s4+s15], $0x80, s14, s15, $0xb8;
	[tilespmem:$0x1CC00] =	vst v63  }
0x47: {  	s14 =	smov.u32 s0  }
0x48: {  	p0 =	sne.s32 s0, $0x9C00;
	s0 =	sadd.s32 $0x200, s0;
	_ =	swait.ge [sflag:s23], $0x1000  }
0x49: {  	s14 =	sshra.s32 s14, $0x2;
	[sflag:s23] =	ssyncset.done $0x0  }
0x4a: {  	s17 =	sadd.s32 $0x16400, s14;
	[sflag:s23] =	ssyncadd.s32 $0xFFFFF000  }
0x4b: {  	[spmem:s2] =	stream.indirect.scatter.add.f32 [tilespmem:s16], [sflag:$0x5], $0x80, s17, s15, $0xb8;
	[tilespmem:$0x1CC00] =	vst v63  }
0x4c: {  	_ =	swait.ge [sflag:s12], $0x1000  }
0x4d: {  	[sflag:s12] =	ssyncset.done $0x0  }
0x4e: {  	s17 =	sadd.s32 $0x13C80, s14;
	[sflag:s12] =	ssyncadd.s32 $0xFFFFF000  }
0x4f: {  	[tilespmem:s16], [sflag:$0x1] =	stream.indirect.gather [hbm4b:s4+s15], $0x80, s17, s15, $0xb8;
	[tilespmem:$0x1CC00] =	vst v63  }
0x50: {  	_ =	swait.ge [sflag:s24], $0x1000  }
0x51: {  	[sflag:s24] =	ssyncset.done $0x0  }
0x52: {  	s17 =	sadd.s32 $0x16420, s14;
	[sflag:s24] =	ssyncadd.s32 $0xFFFFF000  }
0x53: {  	[spmem:s2] =	stream.indirect.scatter.add.f32 [tilespmem:s18], [sflag:$0x5], $0x80, s17, s15, $0xb8;
	[tilespmem:$0x1CC00] =	vst v63  }
0x54: {  	_ =	swait.ge [sflag:s12], $0x1000  }
0x55: {  	[sflag:s12] =	ssyncset.done $0x0  }
0x56: {  	s17 =	sadd.s32 $0x13CA0, s14;
	[sflag:s12] =	ssyncadd.s32 $0xFFFFF000  }
0x57: {  	[tilespmem:s18], [sflag:$0x2] =	stream.indirect.gather [hbm4b:s4+s15], $0x80, s17, s15, $0xb8;
	[tilespmem:$0x1CC00] =	vst v63  }
0x58: {  	_ =	swait.ge [sflag:s25], $0x1000  }
0x59: {  	[sflag:s25] =	ssyncset.done $0x0  }
0x5a: {  	s17 =	sadd.s32 $0x16440, s14;
	[sflag:s25] =	ssyncadd.s32 $0xFFFFF000  }
0x5b: {  	[spmem:s2] =	stream.indirect.scatter.add.f32 [tilespmem:s20], [sflag:$0x5], $0x80, s17, s15, $0xb8;
	[tilespmem:$0x1CC00] =	vst v63  }
0x5c: {  	_ =	swait.ge [sflag:s12], $0x1000  }
0x5d: {  	[sflag:s12] =	ssyncset.done $0x0  }
0x5e: {  	s17 =	sadd.s32 $0x13CC0, s14;
	[sflag:s12] =	ssyncadd.s32 $0xFFFFF000  }
0x5f: {  	[tilespmem:s20], [sflag:$0x3] =	stream.indirect.gather [hbm4b:s4+s15], $0x80, s17, s15, $0xb8;
	[tilespmem:$0x1CC00] =	vst v63  }
0x60: {  	_ =	swait.ge [sflag:s26], $0x1000  }
0x61: {  	[sflag:s26] =	ssyncset.done $0x0  }
.Ltmp0:
0x62: {  	s17 =	sadd.s32 $0x16460, s14;
	[sflag:s26] =	ssyncadd.s32 $0xFFFFF000;
	(pc) =	sbr.rel @p0 .LBB2_2-.Ltmp0, $4  }
0x63: {  	[spmem:s2] =	stream.indirect.scatter.add.f32 [tilespmem:s22], [sflag:$0x5], $0x80, s17, s15, $0xb8;
	[tilespmem:$0x1CC00] =	vst v63  }
0x64: {  	_ =	swait.ge [sflag:s12], $0x1000  }
0x65: {  	[sflag:s12] =	ssyncset.done $0x0  }
0x66: {  	s14 =	sadd.s32 $0x13CE0, s14;
	[sflag:s12] =	ssyncadd.s32 $0xFFFFF000  }
0x67: {  	[tilespmem:s22], [sflag:$0x4] =	stream.indirect.gather [hbm4b:s4+s15], $0x80, s14, s15, $0xb8;
	[tilespmem:$0x1CC00] =	vst v63  }
0x68: {  	_ =	swait.ge [sflag:s23], $0x1000  }
0x69: {  	[sflag:s23] =	ssyncset.done $0x0  }
0x6a: {  	[sflag:s23] =	ssyncadd.s32 $0xFFFFF000  }
0x6b: {  	[spmem:s2] =	stream.indirect.scatter.add.f32 [tilespmem:s16], [sflag:$0x5], $0x80, s28, s15, $0xb8;
	[tilespmem:$0x1CC00] =	vst v63  }
0x6c: {  	_ =	swait.ge [sflag:s12], $0x1000  }
0x6d: {  	[sflag:s12] =	ssyncset.done $0x0  }
0x6e: {  	[sflag:s12] =	ssyncadd.s32 $0xFFFFF000  }
0x6f: {  	_ =	swait.ge [sflag:s24], $0x1000  }
0x70: {  	[sflag:s24] =	ssyncset.done $0x0  }
0x71: {  	[sflag:s24] =	ssyncadd.s32 $0xFFFFF000  }
0x72: {  	[spmem:s2] =	stream.indirect.scatter.add.f32 [tilespmem:s18], [sflag:$0x5], $0x80, s29, s15, $0xb8;
	[tilespmem:$0x1CC00] =	vst v63  }
0x73: {  	_ =	swait.ge [sflag:s12], $0x1000  }
0x74: {  	[sflag:s12] =	ssyncset.done $0x0  }
0x75: {  	[sflag:s12] =	ssyncadd.s32 $0xFFFFF000  }
0x76: {  	_ =	swait.ge [sflag:s25], $0x1000  }
0x77: {  	[sflag:s25] =	ssyncset.done $0x0  }
0x78: {  	[sflag:s25] =	ssyncadd.s32 $0xFFFFF000  }
0x79: {  	[spmem:s2] =	stream.indirect.scatter.add.f32 [tilespmem:s20], [sflag:$0x5], $0x80, s30, s15, $0xb8;
	[tilespmem:$0x1CC00] =	vst v63  }
0x7a: {  	_ =	swait.ge [sflag:s12], $0x1000  }
0x7b: {  	[sflag:s12] =	ssyncset.done $0x0  }
0x7c: {  	[sflag:s12] =	ssyncadd.s32 $0xFFFFF000  }
0x7d: {  	_ =	swait.ge [sflag:s26], $0x1000  }
0x7e: {  	[sflag:s26] =	ssyncset.done $0x0  }
0x7f: {  	[sflag:s26] =	ssyncadd.s32 $0xFFFFF000  }
0x80: {  	[spmem:s2] =	stream.indirect.scatter.add.f32 [tilespmem:s22], [sflag:$0x5], $0x80, s31, s15, $0xb8;
	[tilespmem:$0x1CC00] =	vst v63  }
0x81: {  	_ =	swait.ge [sflag:s12], $0x1000  }
0x82: {  	s1 =	sadd.s32 $0x1, s1;
	[sflag:s12] =	ssyncset.done $0x0  }
0x83: {  	p0 =	sne.s32 s1, s10;
	[sflag:s12] =	ssyncadd.s32 $0xFFFFF000  }
.Ltmp1:
0x84: {  	[bflag:$0x0] =	sbarrier.arrive $0xFFFF;
	(pc) =	sbr.rel @p0 .LBB2_1-.Ltmp1, $4  }
0x85: {  	[hbm:s9], [sflag:s6] =	dma.local [spmem:s11], $0x2780  }
0x86: {  	_ =	swait.ge [sflag:s12], $0x2780  }
0x87: {  	[sflag:s12] =	ssyncset.done $0x0  }
0x88: {  	[sflag:s12] =	ssyncadd.s32 $0xFFFFD880  }
0x89: {  	_ =	sfence.sel $0x180000  }
0x8a: {  	[bflag:$0x0] =	sbarrier.arrive $0xFFFF  }
0x8b: {  	_ =	strace $0x9000004A  }
0x8c: {  	s0 =	stileid.u32;
	[bflag:$0x2] =	sbarrier.arrive $0xFFFF  }
0x8d: {  	p0 =	sne.s32 s0, $0x0;
	s0 =	rddreg [dreg:$0x3]  }
0x8e: {  	s0 =	sadd.s32 @!p0 $0x100000, s0  }
0x8f: {  	[sflag:s0] =	ssyncadd.tile.s32 @!p0 $0x1;
	_ =	shalt  }
.Lfunc_end2:
_tile_overlayer_lowered:
.L_overlay_start_2:
0x90: {  	(tag) =	ssettag $0x2  }
0x91: {  	s0 =	rddreg [dreg:$0x0];
	s2 =	stileid.u32  }
0x92: {  	s1 =	rddreg [dreg:$0x1];
	p0 =	sne.s32 s2, $0x0  }
0x93: {  	s3 =	rddreg [dreg:$0x2];
	[bflag:$0x3] =	sbarrier.arrive $0xFFFF;
	s2 =	simm.s32 @!p0 $0x1C05  }
0x94: {  	[timem:s3], [sflag:s2] =	dma.local @!p0 [hbm:s0], s1  }
0x95: {  	s0 =	simm.s32 @!p0 $0x5  }
0x96: {  	_ =	swait.ge @!p0 [sflag:s0], s1  }
0x97: {  	s1 =	ssub.s32 @!p0 $0x0, s1;
	[sflag:s0] =	ssyncset.done @!p0 $0x0  }
0x98: {  	[sflag:s0] =	ssyncadd.s32 @!p0 s1  }
0x99: {  	[bflag:$0x3] =	sbarrier.arrive $0xFFFF  }
0x9a: {  	_ =	shalt  }

// kernel: kernel.15.cloned.1.call-start
scs
__scs_entry_jumppad:
0x0: {  	(pc) =	sbr.rel $0x88, $3  }
0x1: {  	(tag) =	ssettag $0x0;
	lr =	simm.s32 $0x1  }
0x2: {  	[smem:$0x3F9B] =	sst lr;
	_ =	strace $0xD0000000  }
0x3: {  	_ = 	snop  }
0x4: {  	_ = 	snop  }
0x5: {  	_ = 	snop  }
0x6: {  	_ = 	snop  }
0x7: {  	_ = 	snop  }
__scs_overlays_trampoline_lowered:
0x8: {  	[smem:$0x3FAA] =	sst s0  }
0x9: {  	[smem:$0x3FAB] =	sst s1  }
0xa: {  	[smem:$0x3FAC] =	sst s2  }
0xb: {  	[smem:$0x3FAD] =	sst s3  }
0xc: {  	[smem:$0x3FAE] =	sst s4  }
0xd: {  	[smem:$0x3FAF] =	sst s5  }
0xe: {  	[smem:$0x3FB0] =	sst s6  }
0xf: {  	[smem:$0x3FB1] =	sst s7  }
0x10: {  	[smem:$0x3FB2] =	sst s8  }
0x11: {  	[smem:$0x3FB3] =	sst s9;
	s0 =	simm.s32 @!p0 $0x0  }
0x12: {  	s1 =	sld [smem:$0x3F99];
	s0 =	simm.s32 @p0 $0x1  }
0x13: {  	[smem:$0x3FB4] =	sst s0;
	s0 =	simm.s32 @!p1 $0x0  }
0x14: {  	s2 =	sld [smem:$0x3F98];
	s0 =	simm.s32 @p1 $0x1  }
0x15: {  	[smem:$0x3FB5] =	sst s0;
	s0 =	simm.s32 @!p2 $0x0  }
0x16: {  	s3 =	sld [smem:$0x3FDB];
	s0 =	simm.s32 @p2 $0x1  }
0x17: {  	s4 =	simm.s32 $0x1BF5;
	[smem:$0x3FB7] =	sst s0  }
0x18: {  	s0 =	sld [smem:$0x3F9A];
	_ =	swait.ge [sflag:s4], $0x0  }
0x19: {  	s7 =	sld [smem:$0x3F9B]  }
0x1a: {  	s8 =	sadd.s32 $0xFFFFE003, lr  }
0x1b: {  	s9 =	sadd.s32 $0xFFFFFEF7, lr;
	s5 =	simm.s32 $0xFFFFFFFF;
	p2 =	slt.u32 s8, $0xFFFFF086  }
0x1c: {  	p1 =	slt.u32 s9, $0xF7A;
	s5 =	simm.s32 @!p2 $0x0  }
0x1d: {  	s5 =	simm.s32 @p1 $0x1;
	p0 =	seq.s32 s7, s2  }
0x1e: {  	s7 =	smul.u32 @!p0 $0xF7A, s2;
	p2 =	seq.s32 @!p0 s5, $0x0  }
0x1f: {  	s9 =	smul.u32 $0xF7A, s1;
	s8 =	simm.s32 @!p0 $0x1BF5;
	p2 =	por !p2, p0  }
0x20: {  	[sflag:s8] =	ssyncset.s32 @!p0 $0xFFFFF086;
	s6 =	sadd.s32 @!p0 s3, s7;
	s7 =	simm.s32 @!p0 $0x108  }
0x21: {  	s3 =	sadd.s32 s3, s9;
	s6 =	sadd.s32 @!p0 $0x88, s6;
	s7 =	simm.s32 @p2 $0x1082  }
0x22: {  	[simem:s7], [sflag:s8] =	dma.local @!p0 [hbm:s6], $0xF7A  }
0x23: {  	s9 =	sor.u32 $0xD0000000, s2;
	s6 =	simm.s32 $0x108;
	_ =	swait.ge @!p0 [sflag:s8], $0x0  }
0x24: {  	s3 =	sadd.s32 $0x88, s3;
	s6 =	simm.s32 @!p1 $0x1082;
	[sflag:s4] =	ssyncset.s32 $0xFFFFF086  }
0x25: {  	[simem:s6], [sflag:s4] =	dma.local [hbm:s3], $0xF7A  }
0x26: {  	[smem:$0x3F9B] =	sst s1;
	(tag) =	ssettag s2;
	_ =	strace s9  }
0x27: {  	s1 =	sld [smem:$0x3FAB]  }
0x28: {  	s2 =	sld [smem:$0x3FAC]  }
0x29: {  	s4 =	sld [smem:$0x3FAE]  }
0x2a: {  	p0 =	seq.s32 s5, $0x0;
	s5 =	sld [smem:$0x3FAF]  }
0x2b: {  	s6 =	sld [smem:$0x3FB0]  }
0x2c: {  	s7 =	sld [smem:$0x3FB1]  }
0x2d: {  	s3 =	simm.s32 $0x108;
	s8 =	sld [smem:$0x3FB2]  }
0x2e: {  	s3 =	simm.s32 @!p0 $0x1082;
	s9 =	sld [smem:$0x3FB3]  }
0x2f: {  	lr =	sadd.s32 s0, s3;
	s0 =	sld [smem:$0x3FAA]  }
0x30: {  	s3 =	sld [smem:$0x3FAD]  }
0x31: {  	[smem:$0x3FB6] =	sst s10  }
0x32: {  	s10 =	sld [smem:$0x3FB4];
	_ =	sdelay $0x3  }
0x33: {  	p0 =	seq.s32 s10, $0x1;
	s10 =	sld [smem:$0x3FB6];
	_ =	sdelay $0x3  }
0x34: {  	[smem:$0x3FB6] =	sst s10  }
0x35: {  	s10 =	sld [smem:$0x3FB5];
	_ =	sdelay $0x3  }
0x36: {  	p1 =	seq.s32 s10, $0x1;
	s10 =	sld [smem:$0x3FB6];
	_ =	sdelay $0x3  }
0x37: {  	[smem:$0x3FB6] =	sst s10  }
0x38: {  	s10 =	sld [smem:$0x3FB7]  }
0x39: {  	_ = 	snop;
	(pc) =	sbr.ind lr, $3  }
0x3a: {  	_ = 	snop  }
0x3b: {  	_ = 	snop  }
0x3c: {  	p2 =	seq.s32 s10, $0x1;
	s10 =	sld [smem:$0x3FB6]  }
0x3d: {  	_ =	shalt  }
0x3e: {  	_ =	shalt  }
0x3f: {  	_ =	shalt  }
0x40: {  	_ =	shalt  }
0x41: {  	_ =	shalt  }
0x42: {  	_ =	shalt  }
0x43: {  	_ =	shalt  }
0x44: {  	_ =	shalt  }
0x45: {  	_ =	shalt  }
0x46: {  	_ =	shalt  }
0x47: {  	_ =	shalt  }
0x48: {  	_ =	shalt  }
0x49: {  	_ =	shalt  }
0x4a: {  	_ =	shalt  }
0x4b: {  	_ =	shalt  }
0x4c: {  	_ =	shalt  }
0x4d: {  	_ =	shalt  }
0x4e: {  	_ =	shalt  }
0x4f: {  	_ =	shalt  }
0x50: {  	_ =	shalt  }
0x51: {  	_ =	shalt  }
0x52: {  	_ =	shalt  }
0x53: {  	_ =	shalt  }
0x54: {  	_ =	shalt  }
0x55: {  	_ =	shalt  }
0x56: {  	_ =	shalt  }
0x57: {  	_ =	shalt  }
0x58: {  	_ =	shalt  }
0x59: {  	_ =	shalt  }
0x5a: {  	_ =	shalt  }
0x5b: {  	_ =	shalt  }
0x5c: {  	_ =	shalt  }
0x5d: {  	_ =	shalt  }
0x5e: {  	_ =	shalt  }
0x5f: {  	_ =	shalt  }
0x60: {  	_ =	shalt  }
0x61: {  	_ =	shalt  }
0x62: {  	_ =	shalt  }
0x63: {  	_ =	shalt  }
0x64: {  	_ =	shalt  }
0x65: {  	_ =	shalt  }
0x66: {  	_ =	shalt  }
0x67: {  	_ =	shalt  }
0x68: {  	_ =	shalt  }
0x69: {  	_ =	shalt  }
0x6a: {  	_ =	shalt  }
0x6b: {  	_ =	shalt  }
0x6c: {  	_ =	shalt  }
0x6d: {  	_ =	shalt  }
0x6e: {  	_ =	shalt  }
0x6f: {  	_ =	shalt  }
0x70: {  	_ =	shalt  }
0x71: {  	_ =	shalt  }
0x72: {  	_ =	shalt  }
0x73: {  	_ =	shalt  }
0x74: {  	_ =	shalt  }
0x75: {  	_ =	shalt  }
0x76: {  	_ =	shalt  }
0x77: {  	_ =	shalt  }
0x78: {  	_ =	shalt  }
0x79: {  	_ =	shalt  }
0x7a: {  	_ =	shalt  }
0x7b: {  	_ =	shalt  }
0x7c: {  	_ =	shalt  }
0x7d: {  	_ =	shalt  }
0x7e: {  	_ =	shalt  }
0x7f: {  	_ =	shalt  }
0x80: {  	_ =	shalt  }
0x81: {  	_ =	shalt  }
0x82: {  	_ =	shalt  }
0x83: {  	_ =	shalt  }
0x84: {  	_ =	shalt  }
0x85: {  	_ =	shalt  }
0x86: {  	_ =	shalt  }
0x87: {  	_ =	shalt  }
.Lfunc_end0:
.L_simem_size_0:
called_computation.2_lowered:
.L_overlay_start_0:
0x88: {  	s2 =	sld [smem:$0x3FD9]  }
0x89: {  	s3 =	sld [smem:$0x3FFE];
	_ =	sdelay $0x1  }
0x8a: {  	s1 =	srdreg.scid  }
0x8b: {  	s0 =	sand.u32 $0x1, s1  }
0x8c: {  	s17 =	sshll.u32 s0, $0xA;
	s2 =	sadd.s32 s3, s2  }
0x8d: {  	s2 =	sadd.s32 s2, s17  }
0x8e: {  	[smem:$0x3FC2] =	sst s2  }
0x8f: {  	_ = 	snop  }
0x90: {  	s2 =	sld [smem:$0x3FD0];
	(tm) =	ssettm $0x1  }
0x91: {  	s18 =	sld [smem:$0x3FFB];
	_ =	sdelay $0x3  }
0x92: {  	_ =	strace s18  }
0x93: {  	s3 =	sld [smem:$0x3FFC];
	_ =	sdelay $0x3  }
0x94: {  	_ =	strace s3  }
0x95: {  	s3 =	sld [smem:$0x3FFD];
	_ =	sdelay $0x3  }
0x96: {  	_ =	strace s3  }
0x97: {  	_ =	strace $0x8FFFFFFF  }
0x98: {  	s19 =	sld [smem:$0x3FDB];
	_ =	sdelay $0x1  }
0x99: {  	s4 =	simm.s32 $_scs_section_size  }
0x9a: {  	s5 =	simm.s32 $_size__tile_overlayer_lowered;
	s6 =	simm.s32 $_tile_overlayer_lowered  }
0x9b: {  	s22 =	simm.s32 $0x1BFF;
	s21 =	sshll.u32 s6, $0x1;
	s3 =	sadd.s32 s4, s19  }
0x9c: {  	s7 =	simm.s32 $0x0;
	s20 =	sshll.u32 s5, $0x1;
	s5 =	sadd.s32 s21, s3  }
0x9d: {  	[timem:s7], [sflag:s22] =	dma.local [hbm:s5], s20  }
0x9e: {  	_ =	swait.ge [sflag:s22], s20  }
0x9f: {  	s4 =	ssub.s32 $0x0, s20;
	[sflag:s22] =	ssyncset.done $0x0  }
0xa0: {  	[sflag:s22] =	ssyncadd.s32 s4;
	_ =	sdelay $0x1  }
0xa1: {  	s23 =	simm.s32 $0x1B8B  }
0xa2: {  	_ =	swait.ge [sflag:s23], $0x1  }
0xa3: {  	[sflag:s23] =	ssyncset.done $0x0  }
0xa4: {  	s25 =	simm.s32 $0x1B8E;
	s24 =	sld [smem:$0x3FFE];
	[sflag:s23] =	ssyncadd.s32 $0xFFFFFFFF  }
0xa5: {  	s26 =	simm.s32 $execute0_lowered;
	[smem:$0x3FD2] =	sst s25  }
0xa6: {  	s5 =	sshll.u32 s26, $0x1;
	_ =	strace $0x8000004C;
	[dreg:$0x1] =	wrdreg $0xFFFFFFFF  }
0xa7: {  	s28 =	simm.s32 $_size_execute0_lowered;
	s3 =	sadd.s32 s3, s5;
	[dreg:$0x0] =	wrdreg $0x0  }
0xa8: {  	s5 =	sshll.u32 s28, $0x1;
	[dreg:$0x2] =	wrdreg s3  }
0xa9: {  	[dreg:$0x3] =	wrdreg s5  }
0xaa: {  	[dreg:$0x4] =	wrdreg $0xC0  }
0xab: {  	_ =	task [dreg:s7], $0x5FFFF  }
0xac: {  	[dreg:$0x1] =	wrdreg $0xFFFFFFFF  }
0xad: {  	[dreg:$0x0] =	wrdreg $0x60  }
0xae: {  	[dreg:$0x2] =	wrdreg s24  }
0xaf: {  	[dreg:$0x3] =	wrdreg s2  }
0xb0: {  	[dreg:$0x4] =	wrdreg $0x0  }
0xb1: {  	[dreg:$0x5] =	wrdreg $0x9  }
0xb2: {  	_ =	task.clear_ibuf [dreg:s7], $0x6FFFF;
	_ =	strace $0x9000004C  }
0xb3: {  	s29 =	simm.s32 $0x9;
	_ =	strace $0x8000004E  }
0xb4: {  	_ =	swait.ge [sflag:s29], $0x1  }
0xb5: {  	[sflag:s29] =	ssyncadd.s32 $0xFFFFFFFF  }
0xb6: {  	_ =	strace $0x9000004E  }
0xb7: {  	_ =	sfence  }
0xb8: {  	s30 =	sld [smem:$0x0];
	_ =	sdelay $0x2  }
0xb9: {  	s31 =	sshll.u32 s1, $0xD;
	s1 =	sshrl.u32 s1, $0x2  }
0xba: {  	s3 =	sand.u32 $0x4000, s31;
	s1 =	sadd.s32 s1, s30  }
0xbb: {  	s0 =	sor.u32 s3, s0;
	s1 =	sshll.u32 s1, $0x11  }
0xbc: {  	s0 =	sor.u32 s1, s0  }
0xbd: {  	s0 =	sadd.s32 $0x8F2B, s0  }
0xbe: {  	[sflag:s0] =	ssyncadd.remote.s32 $0x1  }
0xbf: {  	_ =	sfence.sel $0xFFFF  }
0xc0: {  	[dreg:$0x0] =	wrdreg $0xFFFFFFFF;
	(pc) =	sbr.abs _section_cstart, $3  }
0xc1: {  	[dreg:$0x1] =	wrdreg $0xFFFFFFFF  }
0xc2: {  	_ =	task.clear_ibuf [dreg:s7], $0x2FFFF;
	_ =	strace $0x9FFFFFFF  }
0xc3: {  	(tm) =	ssettm $0x7FFFFFFF  }
tec
execute0_lowered:
.L_overlay_start_1:
0x0: {  	(tag) =	ssettag $0x1  }
0x1: {  	s0 =	srdreg.scid;
	s1 =	rddreg [dreg:$0x0]  }
0x2: {  	s12 =	stileid.u32;
	s8 =	rddreg [dreg:$0x1];
	s13 =	simm.s32 $0x13C00  }
0x3: {  	s15 =	simm.s32 $0x20;
	s16 =	simm.s32 $0x18C00;
	s18 =	simm.s32 $0x19C00  }
0x4: {  	s19 =	simm.s32 $0x13C40;
	s20 =	simm.s32 $0x1AC00;
	s21 =	simm.s32 $0x13C60  }
0x5: {  	s22 =	simm.s32 $0x1BC00;
	s23 =	simm.s32 $0x1;
	s28 =	simm.s32 $0x18B80  }
0x6: {  	s29 =	simm.s32 $0x18BA0;
	s30 =	simm.s32 $0x18BC0;
	s31 =	simm.s32 $0x18BE0  }
0x7: {  	s0 =	sand.u32 $0x1, s0;
	s5 =	smul.u32 $0x13C00, s12;
	s4 =	sadd.s32 $0x83000, s1  }
0x8: {  	s24 =	smul.u32 $0x4F000, s12;
	s26 =	sshll.u32 s12, $0x6;
	s2 =	sshll.u32 s0, $0x4  }
0x9: {  	s6 =	smul.u32 $0x13C000, s0;
	s0 =	ssub.s32 $0x2, s0;
	s3 =	sor.u32 s12, s2  }
0xa: {  	s2 =	rddreg [dreg:$0x2];
	s10 =	sshrl.u32 s5, $0x3;
	s25 =	sshrl.u32 s0, $0x1  }
0xb: {  	s12 =	simm.s32 $0x5;
	s9 =	smul.u32 $0x500, s3;
	s3 =	simm.s32 $0x0  }
0xc: {  	s5 =	sadd.s32 s5, s6;
	s10 =	sadd.s32 s10, s1;
	s6 =	sshrl.u32 s24, $0x2  }
0xd: {  	s0 =	ssub.s32 s0, s25;
	s24 =	simm.s32 $0x2;
	s25 =	simm.s32 $0x3  }
0xe: {  	[smem:$0x7FF] =	sst s3;
	s5 =	sshrl.u32 s5, $0x3;
	s11 =	sadd.s32 s6, s2  }
0xf: {  	s6 =	sor.u32 $0x1C05, s26;
	s26 =	simm.s32 $0x4;
	_ =	strace $0x8000004D  }
0x10: {  	s7 =	sadd.s32 s9, s1;
	s1 =	sadd.s32 s5, s1;
	s5 =	sadd.s32 $0xC800, s10  }
0x11: {  	s8 =	sadd.s32 s8, s9;
	s10 =	smax.u32 s0, $0x1;
	s11 =	sshrl.u32 s11, $0x3  }
0x12: {  	s7 =	sadd.s32 $0x2000, s7;
	s9 =	sadd.s32 $0xAA200, s1;
	s1 =	simm.s32 $0x0  }
.LBB2_1:
0x13: {  	[spmem:s11], [sflag:s6] =	dma.local [hbm:s5], $0x2780  }
0x14: {  	_ =	swait.ge [sflag:s12], $0x2780  }
0x15: {  	[sflag:s12] =	ssyncset.done $0x0  }
0x16: {  	[sflag:s12] =	ssyncadd.s32 $0xFFFFD880  }
0x17: {  	[tilespmem:s13], [sflag:$0x5] =	stream.linear.gather [hbm4b:s7+s3], $0x2800, $0x38;
	[tilespmem:$0x1CC00] =	vst v63  }
0x18: {  	_ =	swait.ge [sflag:s12], $0x2800  }
0x19: {  	[sflag:s12] =	ssyncset.done $0x0  }
0x1a: {  	s0 =	simm.s32 $0x16400;
	[sflag:s12] =	ssyncadd.s32 $0xFFFFD800  }
0x1b: {  	[tilespmem:s0], [sflag:$0x5] =	stream.linear.gather [hbm4b:s8+s3], $0x2800, $0x38;
	[tilespmem:$0x1CC00] =	vst v63  }
0x1c: {  	_ =	swait.ge [sflag:s12], $0x2800  }
0x1d: {  	[sflag:s12] =	ssyncset.done $0x0  }
0x1e: {  	[sflag:s12] =	ssyncadd.s32 $0xFFFFD800  }
0x1f: {  	[bflag:$0x0] =	sbarrier.arrive $0xFFFF  }
0x20: {  	[tilespmem:s16], [sflag:$0x1] =	stream.indirect.gather [hbm4b:s4+s15], $0x80, s13, s15, $0xb8;
	[tilespmem:$0x1CC00] =	vst v63  }
0x21: {  	s14 =	simm.s32 $0x13C20  }
0x22: {  	[tilespmem:s18], [sflag:$0x2] =	stream.indirect.gather [hbm4b:s4+s15], $0x80, s14, s15, $0xb8;
	[tilespmem:$0x1CC00] =	vst v63  }
0x23: {  	_ = 	snop  }
0x24: {  	[tilespmem:s20], [sflag:$0x3] =	stream.indirect.gather [hbm4b:s4+s15], $0x80, s19, s15, $0xb8;
	[tilespmem:$0x1CC00] =	vst v63  }
0x25: {  	_ = 	snop  }
0x26: {  	[tilespmem:s22], [sflag:$0x4] =	stream.indirect.gather [hbm4b:s4+s15], $0x80, s21, s15, $0xb8;
	[tilespmem:$0x1CC00] =	vst v63  }
0x27: {  	_ =	swait.ge [sflag:s23], $0x1000  }
0x28: {  	[sflag:s23] =	ssyncset.done $0x0  }
0x29: {  	s17 =	simm.s32 $0x16400;
	[sflag:s23] =	ssyncadd.s32 $0xFFFFF000  }
0x2a: {  	[spmem:s2] =	stream.indirect.scatter.add.f32 [tilespmem:s16], [sflag:$0x5], $0x80, s17, s15, $0xb8;
	[tilespmem:$0x1CC00] =	vst v63  }
0x2b: {  	_ =	swait.ge [sflag:s12], $0x1000  }
0x2c: {  	[sflag:s12] =	ssyncset.done $0x0  }
0x2d: {  	s14 =	simm.s32 $0x13C80;
	[sflag:s12] =	ssyncadd.s32 $0xFFFFF000  }
0x2e: {  	[tilespmem:s16], [sflag:$0x1] =	stream.indirect.gather [hbm4b:s4+s15], $0x80, s14, s15, $0xb8;
	[tilespmem:$0x1CC00] =	vst v63  }
0x2f: {  	_ =	swait.ge [sflag:s24], $0x1000  }
0x30: {  	[sflag:s24] =	ssyncset.done $0x0  }
0x31: {  	s17 =	simm.s32 $0x16420;
	[sflag:s24] =	ssyncadd.s32 $0xFFFFF000  }
0x32: {  	[spmem:s2] =	stream.indirect.scatter.add.f32 [tilespmem:s18], [sflag:$0x5], $0x80, s17, s15, $0xb8;
	[tilespmem:$0x1CC00] =	vst v63  }
0x33: {  	_ =	swait.ge [sflag:s12], $0x1000  }
0x34: {  	[sflag:s12] =	ssyncset.done $0x0  }
0x35: {  	s14 =	simm.s32 $0x13CA0;
	[sflag:s12] =	ssyncadd.s32 $0xFFFFF000  }
0x36: {  	[tilespmem:s18], [sflag:$0x2] =	stream.indirect.gather [hbm4b:s4+s15], $0x80, s14, s15, $0xb8;
	[tilespmem:$0x1CC00] =	vst v63  }
0x37: {  	_ =	swait.ge [sflag:s25], $0x1000  }
0x38: {  	[sflag:s25] =	ssyncset.done $0x0  }
0x39: {  	s17 =	simm.s32 $0x16440;
	[sflag:s25] =	ssyncadd.s32 $0xFFFFF000  }
0x3a: {  	[spmem:s2] =	stream.indirect.scatter.add.f32 [tilespmem:s20], [sflag:$0x5], $0x80, s17, s15, $0xb8;
	[tilespmem:$0x1CC00] =	vst v63  }
0x3b: {  	_ =	swait.ge [sflag:s12], $0x1000  }
0x3c: {  	[sflag:s12] =	ssyncset.done $0x0  }
0x3d: {  	s14 =	simm.s32 $0x13CC0;
	[sflag:s12] =	ssyncadd.s32 $0xFFFFF000  }
0x3e: {  	[tilespmem:s20], [sflag:$0x3] =	stream.indirect.gather [hbm4b:s4+s15], $0x80, s14, s15, $0xb8;
	[tilespmem:$0x1CC00] =	vst v63  }
0x3f: {  	_ =	swait.ge [sflag:s26], $0x1000  }
0x40: {  	[sflag:s26] =	ssyncset.done $0x0  }
0x41: {  	s17 =	simm.s32 $0x16460;
	[sflag:s26] =	ssyncadd.s32 $0xFFFFF000  }
0x42: {  	[spmem:s2] =	stream.indirect.scatter.add.f32 [tilespmem:s22], [sflag:$0x5], $0x80, s17, s15, $0xb8;
	[tilespmem:$0x1CC00] =	vst v63  }
0x43: {  	_ =	swait.ge [sflag:s12], $0x1000  }
0x44: {  	[sflag:s12] =	ssyncset.done $0x0  }
0x45: {  	s0 =	simm.s32 $0x200;
	s14 =	simm.s32 $0x13CE0;
	[sflag:s12] =	ssyncadd.s32 $0xFFFFF000  }
.LBB2_2:
0x46: {  	[tilespmem:s22], [sflag:$0x4] =	stream.indirect.gather [hbm4b:s4+s15], $0x80, s14, s15, $0xb8;
	[tilespmem:$0x1CC00] =	vst v63  }
0x47: {  	s14 =	smov.u32 s0  }
0x48: {  	p0 =	sne.s32 s0, $0x9C00;
	s0 =	sadd.s32 $0x200, s0;
	_ =	swait.ge [sflag:s23], $0x1000  }
0x49: {  	s14 =	sshra.s32 s14, $0x2;
	[sflag:s23] =	ssyncset.done $0x0  }
0x4a: {  	s17 =	sadd.s32 $0x16400, s14;
	[sflag:s23] =	ssyncadd.s32 $0xFFFFF000  }
0x4b: {  	[spmem:s2] =	stream.indirect.scatter.add.f32 [tilespmem:s16], [sflag:$0x5], $0x80, s17, s15, $0xb8;
	[tilespmem:$0x1CC00] =	vst v63  }
0x4c: {  	_ =	swait.ge [sflag:s12], $0x1000  }
0x4d: {  	[sflag:s12] =	ssyncset.done $0x0  }
0x4e: {  	s17 =	sadd.s32 $0x13C80, s14;
	[sflag:s12] =	ssyncadd.s32 $0xFFFFF000  }
0x4f: {  	[tilespmem:s16], [sflag:$0x1] =	stream.indirect.gather [hbm4b:s4+s15], $0x80, s17, s15, $0xb8;
	[tilespmem:$0x1CC00] =	vst v63  }
0x50: {  	_ =	swait.ge [sflag:s24], $0x1000  }
0x51: {  	[sflag:s24] =	ssyncset.done $0x0  }
0x52: {  	s17 =	sadd.s32 $0x16420, s14;
	[sflag:s24] =	ssyncadd.s32 $0xFFFFF000  }
0x53: {  	[spmem:s2] =	stream.indirect.scatter.add.f32 [tilespmem:s18], [sflag:$0x5], $0x80, s17, s15, $0xb8;
	[tilespmem:$0x1CC00] =	vst v63  }
0x54: {  	_ =	swait.ge [sflag:s12], $0x1000  }
0x55: {  	[sflag:s12] =	ssyncset.done $0x0  }
0x56: {  	s17 =	sadd.s32 $0x13CA0, s14;
	[sflag:s12] =	ssyncadd.s32 $0xFFFFF000  }
0x57: {  	[tilespmem:s18], [sflag:$0x2] =	stream.indirect.gather [hbm4b:s4+s15], $0x80, s17, s15, $0xb8;
	[tilespmem:$0x1CC00] =	vst v63  }
0x58: {  	_ =	swait.ge [sflag:s25], $0x1000  }
0x59: {  	[sflag:s25] =	ssyncset.done $0x0  }
0x5a: {  	s17 =	sadd.s32 $0x16440, s14;
	[sflag:s25] =	ssyncadd.s32 $0xFFFFF000  }
0x5b: {  	[spmem:s2] =	stream.indirect.scatter.add.f32 [tilespmem:s20], [sflag:$0x5], $0x80, s17, s15, $0xb8;
	[tilespmem:$0x1CC00] =	vst v63  }
0x5c: {  	_ =	swait.ge [sflag:s12], $0x1000  }
0x5d: {  	[sflag:s12] =	ssyncset.done $0x0  }
0x5e: {  	s17 =	sadd.s32 $0x13CC0, s14;
	[sflag:s12] =	ssyncadd.s32 $0xFFFFF000  }
0x5f: {  	[tilespmem:s20], [sflag:$0x3] =	stream.indirect.gather [hbm4b:s4+s15], $0x80, s17, s15, $0xb8;
	[tilespmem:$0x1CC00] =	vst v63  }
0x60: {  	_ =	swait.ge [sflag:s26], $0x1000  }
0x61: {  	[sflag:s26] =	ssyncset.done $0x0  }
.Ltmp0:
0x62: {  	s17 =	sadd.s32 $0x16460, s14;
	[sflag:s26] =	ssyncadd.s32 $0xFFFFF000;
	(pc) =	sbr.rel @p0 .LBB2_2-.Ltmp0, $4  }
0x63: {  	[spmem:s2] =	stream.indirect.scatter.add.f32 [tilespmem:s22], [sflag:$0x5], $0x80, s17, s15, $0xb8;
	[tilespmem:$0x1CC00] =	vst v63  }
0x64: {  	_ =	swait.ge [sflag:s12], $0x1000  }
0x65: {  	[sflag:s12] =	ssyncset.done $0x0  }
0x66: {  	s14 =	sadd.s32 $0x13CE0, s14;
	[sflag:s12] =	ssyncadd.s32 $0xFFFFF000  }
0x67: {  	[tilespmem:s22], [sflag:$0x4] =	stream.indirect.gather [hbm4b:s4+s15], $0x80, s14, s15, $0xb8;
	[tilespmem:$0x1CC00] =	vst v63  }
0x68: {  	_ =	swait.ge [sflag:s23], $0x1000  }
0x69: {  	[sflag:s23] =	ssyncset.done $0x0  }
0x6a: {  	[sflag:s23] =	ssyncadd.s32 $0xFFFFF000  }
0x6b: {  	[spmem:s2] =	stream.indirect.scatter.add.f32 [tilespmem:s16], [sflag:$0x5], $0x80, s28, s15, $0xb8;
	[tilespmem:$0x1CC00] =	vst v63  }
0x6c: {  	_ =	swait.ge [sflag:s12], $0x1000  }
0x6d: {  	[sflag:s12] =	ssyncset.done $0x0  }
0x6e: {  	[sflag:s12] =	ssyncadd.s32 $0xFFFFF000  }
0x6f: {  	_ =	swait.ge [sflag:s24], $0x1000  }
0x70: {  	[sflag:s24] =	ssyncset.done $0x0  }
0x71: {  	[sflag:s24] =	ssyncadd.s32 $0xFFFFF000  }
0x72: {  	[spmem:s2] =	stream.indirect.scatter.add.f32 [tilespmem:s18], [sflag:$0x5], $0x80, s29, s15, $0xb8;
	[tilespmem:$0x1CC00] =	vst v63  }
0x73: {  	_ =	swait.ge [sflag:s12], $0x1000  }
0x74: {  	[sflag:s12] =	ssyncset.done $0x0  }
0x75: {  	[sflag:s12] =	ssyncadd.s32 $0xFFFFF000  }
0x76: {  	_ =	swait.ge [sflag:s25], $0x1000  }
0x77: {  	[sflag:s25] =	ssyncset.done $0x0  }
0x78: {  	[sflag:s25] =	ssyncadd.s32 $0xFFFFF000  }
0x79: {  	[spmem:s2] =	stream.indirect.scatter.add.f32 [tilespmem:s20], [sflag:$0x5], $0x80, s30, s15, $0xb8;
	[tilespmem:$0x1CC00] =	vst v63  }
0x7a: {  	_ =	swait.ge [sflag:s12], $0x1000  }
0x7b: {  	[sflag:s12] =	ssyncset.done $0x0  }
0x7c: {  	[sflag:s12] =	ssyncadd.s32 $0xFFFFF000  }
0x7d: {  	_ =	swait.ge [sflag:s26], $0x1000  }
0x7e: {  	[sflag:s26] =	ssyncset.done $0x0  }
0x7f: {  	[sflag:s26] =	ssyncadd.s32 $0xFFFFF000  }
0x80: {  	[spmem:s2] =	stream.indirect.scatter.add.f32 [tilespmem:s22], [sflag:$0x5], $0x80, s31, s15, $0xb8;
	[tilespmem:$0x1CC00] =	vst v63  }
0x81: {  	_ =	swait.ge [sflag:s12], $0x1000  }
0x82: {  	s1 =	sadd.s32 $0x1, s1;
	[sflag:s12] =	ssyncset.done $0x0  }
0x83: {  	p0 =	sne.s32 s1, s10;
	[sflag:s12] =	ssyncadd.s32 $0xFFFFF000  }
.Ltmp1:
0x84: {  	[bflag:$0x0] =	sbarrier.arrive $0xFFFF;
	(pc) =	sbr.rel @p0 .LBB2_1-.Ltmp1, $4  }
0x85: {  	[hbm:s9], [sflag:s6] =	dma.local [spmem:s11], $0x2780  }
0x86: {  	_ =	swait.ge [sflag:s12], $0x2780  }
0x87: {  	[sflag:s12] =	ssyncset.done $0x0  }
0x88: {  	[sflag:s12] =	ssyncadd.s32 $0xFFFFD880  }
0x89: {  	_ =	sfence.sel $0x180000  }
0x8a: {  	[bflag:$0x0] =	sbarrier.arrive $0xFFFF  }
0x8b: {  	_ =	strace $0x9000004D  }
0x8c: {  	s0 =	stileid.u32;
	[bflag:$0x2] =	sbarrier.arrive $0xFFFF  }
0x8d: {  	p0 =	sne.s32 s0, $0x0;
	s0 =	rddreg [dreg:$0x3]  }
0x8e: {  	s0 =	sadd.s32 @!p0 $0x100000, s0  }
0x8f: {  	[sflag:s0] =	ssyncadd.tile.s32 @!p0 $0x1;
	_ =	shalt  }
.Lfunc_end2:
_tile_overlayer_lowered:
.L_overlay_start_2:
0x90: {  	(tag) =	ssettag $0x2  }
0x91: {  	s0 =	rddreg [dreg:$0x0];
	s2 =	stileid.u32  }
0x92: {  	s1 =	rddreg [dreg:$0x1];
	p0 =	sne.s32 s2, $0x0  }
0x93: {  	s3 =	rddreg [dreg:$0x2];
	[bflag:$0x3] =	sbarrier.arrive $0xFFFF;
	s2 =	simm.s32 @!p0 $0x1C05  }
0x94: {  	[timem:s3], [sflag:s2] =	dma.local @!p0 [hbm:s0], s1  }
0x95: {  	s0 =	simm.s32 @!p0 $0x5  }
0x96: {  	_ =	swait.ge @!p0 [sflag:s0], s1  }
0x97: {  	s1 =	ssub.s32 @!p0 $0x0, s1;
	[sflag:s0] =	ssyncset.done @!p0 $0x0  }
0x98: {  	[sflag:s0] =	ssyncadd.s32 @!p0 s1  }
0x99: {  	[bflag:$0x3] =	sbarrier.arrive $0xFFFF  }
0x9a: {  	_ =	shalt  }

// kernel: kernel.9.cloned.1.call-start
scs
__scs_entry_jumppad:
0x0: {  	(pc) =	sbr.rel $0x88, $3  }
0x1: {  	(tag) =	ssettag $0x0;
	lr =	simm.s32 $0x1  }
0x2: {  	[smem:$0x3F9B] =	sst lr;
	_ =	strace $0xD0000000  }
0x3: {  	_ = 	snop  }
0x4: {  	_ = 	snop  }
0x5: {  	_ = 	snop  }
0x6: {  	_ = 	snop  }
0x7: {  	_ = 	snop  }
__scs_overlays_trampoline_lowered:
0x8: {  	[smem:$0x3FAA] =	sst s0  }
0x9: {  	[smem:$0x3FAB] =	sst s1  }
0xa: {  	[smem:$0x3FAC] =	sst s2  }
0xb: {  	[smem:$0x3FAD] =	sst s3  }
0xc: {  	[smem:$0x3FAE] =	sst s4  }
0xd: {  	[smem:$0x3FAF] =	sst s5  }
0xe: {  	[smem:$0x3FB0] =	sst s6  }
0xf: {  	[smem:$0x3FB1] =	sst s7  }
0x10: {  	[smem:$0x3FB2] =	sst s8  }
0x11: {  	[smem:$0x3FB3] =	sst s9;
	s0 =	simm.s32 @!p0 $0x0  }
0x12: {  	s1 =	sld [smem:$0x3F99];
	s0 =	simm.s32 @p0 $0x1  }
0x13: {  	[smem:$0x3FB4] =	sst s0;
	s0 =	simm.s32 @!p1 $0x0  }
0x14: {  	s2 =	sld [smem:$0x3F98];
	s0 =	simm.s32 @p1 $0x1  }
0x15: {  	[smem:$0x3FB5] =	sst s0;
	s0 =	simm.s32 @!p2 $0x0  }
0x16: {  	s3 =	sld [smem:$0x3FDB];
	s0 =	simm.s32 @p2 $0x1  }
0x17: {  	s4 =	simm.s32 $0x1BF5;
	[smem:$0x3FB7] =	sst s0  }
0x18: {  	s0 =	sld [smem:$0x3F9A];
	_ =	swait.ge [sflag:s4], $0x0  }
0x19: {  	s7 =	sld [smem:$0x3F9B]  }
0x1a: {  	s8 =	sadd.s32 $0xFFFFE003, lr  }
0x1b: {  	s9 =	sadd.s32 $0xFFFFFEF7, lr;
	s5 =	simm.s32 $0xFFFFFFFF;
	p2 =	slt.u32 s8, $0xFFFFF086  }
0x1c: {  	p1 =	slt.u32 s9, $0xF7A;
	s5 =	simm.s32 @!p2 $0x0  }
0x1d: {  	s5 =	simm.s32 @p1 $0x1;
	p0 =	seq.s32 s7, s2  }
0x1e: {  	s7 =	smul.u32 @!p0 $0xF7A, s2;
	p2 =	seq.s32 @!p0 s5, $0x0  }
0x1f: {  	s9 =	smul.u32 $0xF7A, s1;
	s8 =	simm.s32 @!p0 $0x1BF5;
	p2 =	por !p2, p0  }
0x20: {  	[sflag:s8] =	ssyncset.s32 @!p0 $0xFFFFF086;
	s6 =	sadd.s32 @!p0 s3, s7;
	s7 =	simm.s32 @!p0 $0x108  }
0x21: {  	s3 =	sadd.s32 s3, s9;
	s6 =	sadd.s32 @!p0 $0x88, s6;
	s7 =	simm.s32 @p2 $0x1082  }
0x22: {  	[simem:s7], [sflag:s8] =	dma.local @!p0 [hbm:s6], $0xF7A  }
0x23: {  	s9 =	sor.u32 $0xD0000000, s2;
	s6 =	simm.s32 $0x108;
	_ =	swait.ge @!p0 [sflag:s8], $0x0  }
0x24: {  	s3 =	sadd.s32 $0x88, s3;
	s6 =	simm.s32 @!p1 $0x1082;
	[sflag:s4] =	ssyncset.s32 $0xFFFFF086  }
0x25: {  	[simem:s6], [sflag:s4] =	dma.local [hbm:s3], $0xF7A  }
0x26: {  	[smem:$0x3F9B] =	sst s1;
	(tag) =	ssettag s2;
	_ =	strace s9  }
0x27: {  	s1 =	sld [smem:$0x3FAB]  }
0x28: {  	s2 =	sld [smem:$0x3FAC]  }
0x29: {  	s4 =	sld [smem:$0x3FAE]  }
0x2a: {  	p0 =	seq.s32 s5, $0x0;
	s5 =	sld [smem:$0x3FAF]  }
0x2b: {  	s6 =	sld [smem:$0x3FB0]  }
0x2c: {  	s7 =	sld [smem:$0x3FB1]  }
0x2d: {  	s3 =	simm.s32 $0x108;
	s8 =	sld [smem:$0x3FB2]  }
0x2e: {  	s3 =	simm.s32 @!p0 $0x1082;
	s9 =	sld [smem:$0x3FB3]  }
0x2f: {  	lr =	sadd.s32 s0, s3;
	s0 =	sld [smem:$0x3FAA]  }
0x30: {  	s3 =	sld [smem:$0x3FAD]  }
0x31: {  	[smem:$0x3FB6] =	sst s10  }
0x32: {  	s10 =	sld [smem:$0x3FB4];
	_ =	sdelay $0x3  }
0x33: {  	p0 =	seq.s32 s10, $0x1;
	s10 =	sld [smem:$0x3FB6];
	_ =	sdelay $0x3  }
0x34: {  	[smem:$0x3FB6] =	sst s10  }
0x35: {  	s10 =	sld [smem:$0x3FB5];
	_ =	sdelay $0x3  }
0x36: {  	p1 =	seq.s32 s10, $0x1;
	s10 =	sld [smem:$0x3FB6];
	_ =	sdelay $0x3  }
0x37: {  	[smem:$0x3FB6] =	sst s10  }
0x38: {  	s10 =	sld [smem:$0x3FB7]  }
0x39: {  	_ = 	snop;
	(pc) =	sbr.ind lr, $3  }
0x3a: {  	_ = 	snop  }
0x3b: {  	_ = 	snop  }
0x3c: {  	p2 =	seq.s32 s10, $0x1;
	s10 =	sld [smem:$0x3FB6]  }
0x3d: {  	_ =	shalt  }
0x3e: {  	_ =	shalt  }
0x3f: {  	_ =	shalt  }
0x40: {  	_ =	shalt  }
0x41: {  	_ =	shalt  }
0x42: {  	_ =	shalt  }
0x43: {  	_ =	shalt  }
0x44: {  	_ =	shalt  }
0x45: {  	_ =	shalt  }
0x46: {  	_ =	shalt  }
0x47: {  	_ =	shalt  }
0x48: {  	_ =	shalt  }
0x49: {  	_ =	shalt  }
0x4a: {  	_ =	shalt  }
0x4b: {  	_ =	shalt  }
0x4c: {  	_ =	shalt  }
0x4d: {  	_ =	shalt  }
0x4e: {  	_ =	shalt  }
0x4f: {  	_ =	shalt  }
0x50: {  	_ =	shalt  }
0x51: {  	_ =	shalt  }
0x52: {  	_ =	shalt  }
0x53: {  	_ =	shalt  }
0x54: {  	_ =	shalt  }
0x55: {  	_ =	shalt  }
0x56: {  	_ =	shalt  }
0x57: {  	_ =	shalt  }
0x58: {  	_ =	shalt  }
0x59: {  	_ =	shalt  }
0x5a: {  	_ =	shalt  }
0x5b: {  	_ =	shalt  }
0x5c: {  	_ =	shalt  }
0x5d: {  	_ =	shalt  }
0x5e: {  	_ =	shalt  }
0x5f: {  	_ =	shalt  }
0x60: {  	_ =	shalt  }
0x61: {  	_ =	shalt  }
0x62: {  	_ =	shalt  }
0x63: {  	_ =	shalt  }
0x64: {  	_ =	shalt  }
0x65: {  	_ =	shalt  }
0x66: {  	_ =	shalt  }
0x67: {  	_ =	shalt  }
0x68: {  	_ =	shalt  }
0x69: {  	_ =	shalt  }
0x6a: {  	_ =	shalt  }
0x6b: {  	_ =	shalt  }
0x6c: {  	_ =	shalt  }
0x6d: {  	_ =	shalt  }
0x6e: {  	_ =	shalt  }
0x6f: {  	_ =	shalt  }
0x70: {  	_ =	shalt  }
0x71: {  	_ =	shalt  }
0x72: {  	_ =	shalt  }
0x73: {  	_ =	shalt  }
0x74: {  	_ =	shalt  }
0x75: {  	_ =	shalt  }
0x76: {  	_ =	shalt  }
0x77: {  	_ =	shalt  }
0x78: {  	_ =	shalt  }
0x79: {  	_ =	shalt  }
0x7a: {  	_ =	shalt  }
0x7b: {  	_ =	shalt  }
0x7c: {  	_ =	shalt  }
0x7d: {  	_ =	shalt  }
0x7e: {  	_ =	shalt  }
0x7f: {  	_ =	shalt  }
0x80: {  	_ =	shalt  }
0x81: {  	_ =	shalt  }
0x82: {  	_ =	shalt  }
0x83: {  	_ =	shalt  }
0x84: {  	_ =	shalt  }
0x85: {  	_ =	shalt  }
0x86: {  	_ =	shalt  }
0x87: {  	_ =	shalt  }
.Lfunc_end0:
.L_simem_size_0:
called_computation_lowered:
.L_overlay_start_0:
0x88: {  	s2 =	sld [smem:$0x3FD9]  }
0x89: {  	s3 =	sld [smem:$0x3FFE];
	_ =	sdelay $0x1  }
0x8a: {  	s1 =	srdreg.scid  }
0x8b: {  	s0 =	sand.u32 $0x1, s1  }
0x8c: {  	s17 =	sshll.u32 s0, $0xA;
	s2 =	sadd.s32 s3, s2  }
0x8d: {  	s2 =	sadd.s32 s2, s17  }
0x8e: {  	[smem:$0x3FC2] =	sst s2  }
0x8f: {  	_ = 	snop  }
0x90: {  	s2 =	sld [smem:$0x3FD0];
	(tm) =	ssettm $0x1  }
0x91: {  	s18 =	sld [smem:$0x3FFB];
	_ =	sdelay $0x3  }
0x92: {  	_ =	strace s18  }
0x93: {  	s3 =	sld [smem:$0x3FFC];
	_ =	sdelay $0x3  }
0x94: {  	_ =	strace s3  }
0x95: {  	s3 =	sld [smem:$0x3FFD];
	_ =	sdelay $0x3  }
0x96: {  	_ =	strace s3  }
0x97: {  	_ =	strace $0x8FFFFFFF  }
0x98: {  	s19 =	sld [smem:$0x3FDB];
	_ =	sdelay $0x1  }
0x99: {  	s4 =	simm.s32 $_scs_section_size  }
0x9a: {  	s5 =	simm.s32 $_size__tile_overlayer_lowered;
	s6 =	simm.s32 $_tile_overlayer_lowered  }
0x9b: {  	s22 =	simm.s32 $0x1BFF;
	s21 =	sshll.u32 s6, $0x1;
	s3 =	sadd.s32 s4, s19  }
0x9c: {  	s7 =	simm.s32 $0x0;
	s20 =	sshll.u32 s5, $0x1;
	s5 =	sadd.s32 s21, s3  }
0x9d: {  	[timem:s7], [sflag:s22] =	dma.local [hbm:s5], s20  }
0x9e: {  	_ =	swait.ge [sflag:s22], s20  }
0x9f: {  	s4 =	ssub.s32 $0x0, s20;
	[sflag:s22] =	ssyncset.done $0x0  }
0xa0: {  	[sflag:s22] =	ssyncadd.s32 s4;
	_ =	sdelay $0x1  }
0xa1: {  	s23 =	simm.s32 $0x1B8B  }
0xa2: {  	_ =	swait.ge [sflag:s23], $0x1  }
0xa3: {  	[sflag:s23] =	ssyncset.done $0x0  }
0xa4: {  	s25 =	simm.s32 $0x1B8E;
	s24 =	sld [smem:$0x3FFE];
	[sflag:s23] =	ssyncadd.s32 $0xFFFFFFFF  }
0xa5: {  	s26 =	simm.s32 $execute0_lowered;
	[smem:$0x3FD2] =	sst s25  }
0xa6: {  	s5 =	sshll.u32 s26, $0x1;
	_ =	strace $0x80000046;
	[dreg:$0x1] =	wrdreg $0xFFFFFFFF  }
0xa7: {  	s28 =	simm.s32 $_size_execute0_lowered;
	s3 =	sadd.s32 s3, s5;
	[dreg:$0x0] =	wrdreg $0x0  }
0xa8: {  	s5 =	sshll.u32 s28, $0x1;
	[dreg:$0x2] =	wrdreg s3  }
0xa9: {  	[dreg:$0x3] =	wrdreg s5  }
0xaa: {  	[dreg:$0x4] =	wrdreg $0xC0  }
0xab: {  	_ =	task [dreg:s7], $0x5FFFF  }
0xac: {  	[dreg:$0x1] =	wrdreg $0xFFFFFFFF  }
0xad: {  	[dreg:$0x0] =	wrdreg $0x60  }
0xae: {  	[dreg:$0x2] =	wrdreg s2  }
0xaf: {  	[dreg:$0x3] =	wrdreg s24  }
0xb0: {  	[dreg:$0x4] =	wrdreg $0x0  }
0xb1: {  	[dreg:$0x5] =	wrdreg $0x9  }
0xb2: {  	_ =	task.clear_ibuf [dreg:s7], $0x6FFFF;
	_ =	strace $0x90000046  }
0xb3: {  	s29 =	simm.s32 $0x9;
	_ =	strace $0x80000048  }
0xb4: {  	_ =	swait.ge [sflag:s29], $0x1  }
0xb5: {  	[sflag:s29] =	ssyncadd.s32 $0xFFFFFFFF  }
0xb6: {  	_ =	strace $0x90000048  }
0xb7: {  	_ =	sfence  }
0xb8: {  	s30 =	sld [smem:$0x0];
	_ =	sdelay $0x2  }
0xb9: {  	s31 =	sshll.u32 s1, $0xD;
	s1 =	sshrl.u32 s1, $0x2  }
0xba: {  	s3 =	sand.u32 $0x4000, s31;
	s1 =	sadd.s32 s1, s30  }
0xbb: {  	s0 =	sor.u32 s3, s0;
	s1 =	sshll.u32 s1, $0x11  }
0xbc: {  	s0 =	sor.u32 s1, s0  }
0xbd: {  	s0 =	sadd.s32 $0x8F2B, s0  }
0xbe: {  	[sflag:s0] =	ssyncadd.remote.s32 $0x1  }
0xbf: {  	_ =	sfence.sel $0xFFFF  }
0xc0: {  	[dreg:$0x0] =	wrdreg $0xFFFFFFFF;
	(pc) =	sbr.abs _section_cstart, $3  }
0xc1: {  	[dreg:$0x1] =	wrdreg $0xFFFFFFFF  }
0xc2: {  	_ =	task.clear_ibuf [dreg:s7], $0x2FFFF;
	_ =	strace $0x9FFFFFFF  }
0xc3: {  	(tm) =	ssettm $0x7FFFFFFF  }
tec
execute0_lowered:
.L_overlay_start_1:
0x0: {  	(tag) =	ssettag $0x1  }
0x1: {  	s7 =	rddreg [dreg:$0x0]  }
0x2: {  	s5 =	rddreg [dreg:$0x1]  }
0x3: {  	s2 =	rddreg [dreg:$0x2]  }
0x4: {  	s0 =	rddreg [dreg:$0x3]  }
0x5: {  	s1 =	stileid.u32;
	s4 =	srdreg.scid;
	s3 =	simm.s32 $0x0  }
0x6: {  	s15 =	simm.s32 $0x1;
	s16 =	simm.s32 $0x0;
	s6 =	smul.u32 $0x13C00, s1  }
0x7: {  	s8 =	sand.u32 $0x1, s4;
	[smem:$0x7FF] =	sst s3;
	s28 =	smul.u32 $0x4F000, s1  }
0x8: {  	s4 =	sadd.s32 $0xC000, s5;
	s31 =	sshll.u32 s1, $0x6;
	s9 =	smul.u32 $0x13C000, s8  }
0x9: {  	_ =	strace $0x80000047;
	s11 =	sshll.u32 s8, $0x4;
	s29 =	ssub.s32 $0x2, s8  }
0xa: {  	s10 =	sshrl.u32 s6, $0x3;
	s30 =	sor.u32 s1, s11;
	s8 =	sshrl.u32 s29, $0x1  }
0xb: {  	s10 =	sadd.s32 s10, s5;
	s6 =	sadd.s32 s6, s9;
	s9 =	sshrl.u32 s28, $0x2  }
0xc: {  	s11 =	smul.u32 $0x500, s30;
	s13 =	ssub.s32 s29, s8;
	s6 =	sshrl.u32 s6, $0x3  }
0xd: {  	s14 =	sadd.s32 s9, s2;
	s9 =	smax.u32 s13, $0x1;
	s13 =	simm.s32 $0x16400  }
0xe: {  	s12 =	sadd.s32 s6, s5;
	s5 =	sadd.s32 $0xC800, s10;
	s6 =	sor.u32 $0x1C02, s31  }
0xf: {  	s7 =	sadd.s32 s7, s11;
	s10 =	sshrl.u32 s14, $0x3;
	s11 =	simm.s32 $0x2  }
0x10: {  	s14 =	simm.s32 $0x80;
	s8 =	sadd.s32 $0x34000, s12;
	s12 =	simm.s32 $0x13C00  }
.LBB2_1:
0x11: {  	[spmem:s10], [sflag:s6] =	dma.local [hbm:s5], $0x2780  }
0x12: {  	_ =	swait.ge [sflag:s11], $0x2780  }
0x13: {  	[sflag:s11] =	ssyncset.done $0x0  }
0x14: {  	[sflag:s11] =	ssyncadd.s32 $0xFFFFD880  }
0x15: {  	[tilespmem:s12], [sflag:$0x2] =	stream.linear.gather [hbm4b:s7+s3], $0x2800, $0x38;
	[tilespmem:$0x1A400] =	vst v63  }
0x16: {  	_ =	swait.ge [sflag:s11], $0x2800  }
0x17: {  	[sflag:s11] =	ssyncset.done $0x0  }
0x18: {  	[sflag:s11] =	ssyncadd.s32 $0xFFFFD800  }
0x19: {  	[tilespmem:s13], [sflag:$0x2] =	stream.linear.gather [hbm4b:s4+s3], $0x4000, $0x38;
	[tilespmem:$0x1A400] =	vst v63  }
0x1a: {  	_ =	swait.ge [sflag:s11], $0x4000  }
0x1b: {  	[sflag:s11] =	ssyncset.done $0x0  }
0x1c: {  	[sflag:s11] =	ssyncadd.s32 $0xFFFFC000  }
0x1d: {  	s17 =	simm.s32 $0x0;
	[bflag:$0x0] =	sbarrier.arrive $0xFFFF  }
.LBB2_2:
0x1e: {  	p0 =	sne.s32 s17, $0x9E00  }
.Ltmp0:
0x1f: {  	_ = 	snop;
	(pc) =	sbr.rel @p0 .LBB2_2-.Ltmp0, $4  }
0x20: {  	_ = 	snop  }
0x21: {  	s18 =	sshra.s32 s17, $0x2  }
0x22: {  	s17 =	sadd.s32 $0x200, s17;
	s18 =	sadd.s32 $0x13C00, s18  }
0x23: {  	[spmem:s2] =	stream.indirect.scatter.add.f32 [tilespmem:s13], [sflag:$0x1], $0x80, s18, s14, $0xb8;
	[tilespmem:$0x1A400] =	vst v63  }
0x24: {  	_ =	swait.ge [sflag:s15], $0x4000  }
0x25: {  	s17 =	simm.s32 $0x4F;
	[sflag:s15] =	ssyncset.done $0x0  }
.LBB2_4:
0x26: {  	p0 =	sne.s32 s17, $0x1;
	s17 =	sadd.s32 $0xFFFFFFFF, s17;
	[sflag:s15] =	ssyncadd.s32 $0xFFFFC000  }
.Ltmp1:
0x27: {  	(pc) =	sbr.rel @p0 .LBB2_4-.Ltmp1, $3  }
0x28: {  	_ =	sdelay $0x1  }
0x29: {  	_ =	swait.ge [sflag:s15], $0x4000  }
0x2a: {  	[sflag:s15] =	ssyncset.done $0x0  }
0x2b: {  	s16 =	sadd.s32 $0x1, s16  }
0x2c: {  	[sflag:s15] =	ssyncadd.s32 $0xFFFFC000;
	p0 =	sne.s32 s16, s9  }
.Ltmp2:
0x2d: {  	[bflag:$0x0] =	sbarrier.arrive $0xFFFF;
	(pc) =	sbr.rel @p0 .LBB2_1-.Ltmp2, $4  }
0x2e: {  	[hbm:s8], [sflag:s6] =	dma.local [spmem:s10], $0x2780  }
0x2f: {  	_ =	swait.ge [sflag:s11], $0x2780  }
0x30: {  	[sflag:s11] =	ssyncset.done $0x0  }
0x31: {  	[sflag:s11] =	ssyncadd.s32 $0xFFFFD880  }
0x32: {  	_ =	sfence.sel $0x180000  }
0x33: {  	[bflag:$0x0] =	sbarrier.arrive $0xFFFF  }
0x34: {  	p0 =	sne.s32 s1, $0x0;
	_ =	strace $0x90000047  }
0x35: {  	s0 =	sadd.s32 @!p0 $0x100000, s0;
	[bflag:$0x2] =	sbarrier.arrive $0xFFFF  }
0x36: {  	[sflag:s0] =	ssyncadd.tile.s32 @!p0 $0x1;
	_ =	shalt  }
.Lfunc_end2:
_tile_overlayer_lowered:
.L_overlay_start_2:
0x37: {  	(tag) =	ssettag $0x2  }
0x38: {  	s0 =	rddreg [dreg:$0x0];
	s2 =	stileid.u32  }
0x39: {  	s1 =	rddreg [dreg:$0x1];
	p0 =	sne.s32 s2, $0x0  }
0x3a: {  	s3 =	rddreg [dreg:$0x2];
	[bflag:$0x3] =	sbarrier.arrive $0xFFFF;
	s2 =	simm.s32 @!p0 $0x1C02  }
0x3b: {  	[timem:s3], [sflag:s2] =	dma.local @!p0 [hbm:s0], s1  }
0x3c: {  	s0 =	simm.s32 @!p0 $0x2  }
0x3d: {  	_ =	swait.ge @!p0 [sflag:s0], s1  }
0x3e: {  	s1 =	ssub.s32 @!p0 $0x0, s1;
	[sflag:s0] =	ssyncset.done @!p0 $0x0  }
0x3f: {  	[sflag:s0] =	ssyncadd.s32 @!p0 s1  }
0x40: {  	[bflag:$0x3] =	sbarrier.arrive $0xFFFF  }
0x41: {  	_ =	shalt  }

</sc_bundles>
